<compile_context>
chip_gen: v7x
topology: tpu7x:2x2x1
jax: 0.10.2.dev20260603
libtpu: 0.0.44.dev20260713+nightly
codegen_flags: <defaults>
</compile_context>

<pallas_src>
import functools

import jax
import jax.numpy as jnp
from jax import lax
from jax.experimental import pallas as pl
from jax.experimental.pallas import tpu as pltpu
from jax.experimental.pallas import tpu_sc as plsc

B = 4096
H = 50
HP = 52
G = 8
D = 64
NW = 32
NB = B // NW
HCB = 2
HCHUNKS = NB // HCB
GENRE_ROWS = 21


def _mesh():
    return plsc.VectorSubcoreMesh(core_axis_name="c", subcore_axis_name="s")


def _wid():
    return lax.axis_index("s") * 2 + lax.axis_index("c")



RPS = 32


def _tcg_body(uidx_s, iidx_s, *refs):
    ublks = refs[:RPS]
    iblks = refs[RPS:2 * RPS]
    uout, iout = refs[2 * RPS], refs[2 * RPS + 1]
    j = pl.program_id(0)
    f32 = jnp.float32
    lane = lax.broadcasted_iota(jnp.int32, (RPS, RPS * 128), 1)
    subl = lax.broadcasted_iota(jnp.int32, (RPS, 1), 0)
    tu = jnp.zeros((RPS, 1), jnp.int32)
    ti = jnp.zeros((RPS, 1), jnp.int32)
    for r in range(RPS):
        tu = jnp.where(subl == r, uidx_s[j * RPS + r] % 128 + 128 * r, tu)
        ti = jnp.where(subl == r, iidx_s[j * RPS + r] % 128 + 128 * r, ti)
    ohu = (lane == tu).astype(f32)
    ohi = (lane == ti).astype(f32)
    cu = jnp.concatenate([ublks[r][...] for r in range(RPS)], axis=1)
    ci = jnp.concatenate([iblks[r][...] for r in range(RPS)], axis=1)
    dims = (((1,), (1,)), ((), ()))
    uout[...] = lax.dot_general(ohu, cu, dims, preferred_element_type=f32)
    iout[...] = lax.dot_general(ohi, ci, dims, preferred_element_type=f32)


def _tc_rows(uidx, iidx, utabT, itabT):
    nsteps = B // RPS

    def tab_spec(which, r):
        if which == 0:
            return pl.BlockSpec(
                (D, 128), lambda j, us, is_, r=r: (0, us[j * RPS + r] // 128))
        return pl.BlockSpec(
            (D, 128), lambda j, us, is_, r=r: (0, is_[j * RPS + r] // 128))

    grid_spec = pltpu.PrefetchScalarGridSpec(
        num_scalar_prefetch=2,
        grid=(nsteps,),
        in_specs=(
            [tab_spec(0, r) for r in range(RPS)]
            + [tab_spec(1, r) for r in range(RPS)]
        ),
        out_specs=[pl.BlockSpec((RPS, D), lambda j, us, is_: (j, 0)),
                   pl.BlockSpec((RPS, D), lambda j, us, is_: (j, 0))],
    )
    emb = jax.ShapeDtypeStruct((B, D), jnp.float32)
    return pl.pallas_call(
        _tcg_body,
        grid_spec=grid_spec,
        out_shape=[emb, emb],
    )(uidx, iidx, *([utabT] * RPS + [itabT] * RPS))



NBUF = 8


def _pool_body(hidx_h, htab, hsum_o,
               hidx_v,
               h0, h1, h2, h3, h4, h5, h6, h7,
               hsum_v,
               s0, s1, s2, s3, s4, s5, s6, s7):
    wid = _wid()
    pltpu.sync_copy(hidx_h.at[wid], hidx_v)

    hrows = (h0, h1, h2, h3, h4, h5, h6, h7)
    hsems = (s0, s1, s2, s3, s4, s5, s6, s7)

    for k in range(NBUF):
        pltpu.async_copy(htab.at[hidx_v.at[k]], hrows[k], hsems[k])

    zero4 = tuple(jnp.zeros((16,), jnp.float32) for _ in range(4))

    def hist_group(g2, carry):
        for sub in range(NBUF):
            c = g2 * NBUF + sub
            pltpu.make_async_copy(
                htab.at[pl.ds(0, HCB * HP)], hrows[sub], hsems[sub]).wait()

            buf = hrows[sub]
            for b in range(HCB):
                def hbody(h4i, accs):
                    a = list(accs)
                    for hh in range(4):
                        r = b * HP + h4i * 4 + hh
                        for dg in range(4):
                            a[dg] = a[dg] + buf[r, pl.ds(dg * 16, 16)]
                    return tuple(a)
                accs = lax.fori_loop(0, HP // 4, hbody, zero4)
                row = c * HCB + b
                for dg in range(4):
                    hsum_v[row, pl.ds(dg * 16, 16)] = accs[dg]

            @pl.when(c + NBUF < HCHUNKS)
            def _():
                pltpu.async_copy(
                    htab.at[hidx_v.at[c + NBUF]], hrows[sub], hsems[sub])
        return carry

    lax.fori_loop(0, HCHUNKS // NBUF, hist_group, 0)

    pltpu.sync_copy(hsum_v, hsum_o.at[wid])


@jax.jit
def _sc_pool(hidx, htab):
    f = functools.partial(
        pl.kernel,
        out_type=[jax.ShapeDtypeStruct((NW, NB, D), jnp.float32)],
        mesh=_mesh(),
        compiler_params=pltpu.CompilerParams(use_tc_tiling_on_sc=False),
        scratch_types=(
            [pltpu.VMEM((HCHUNKS, HCB * HP), jnp.int32)]
            + [pltpu.VMEM((HCB * HP, D), jnp.float32)] * NBUF
            + [pltpu.VMEM((NB, D), jnp.float32)]
            + [pltpu.SemaphoreType.DMA] * NBUF
        ),
    )(_pool_body)
    return f(hidx, htab)[0]



def _tc_body(hidx, gidx, u, hs, it, gtab,
             uw1, ub1, uw2, ub2, iw1, ib1, iw2, ib2, out):
    f32 = jnp.float32
    hcnt = jnp.sum((hidx[...] != 0).astype(f32), axis=1, keepdims=True) + 1e-8
    h = hs[...] / hcnt
    gidxv = gidx[...]
    gcnt = jnp.sum((gidxv != 0).astype(f32), axis=1, keepdims=True) + 1e-8
    tio = lax.broadcasted_iota(jnp.int32, (1, GENRE_ROWS), 1)
    m = (gidxv[:, 0:1] == tio).astype(f32)
    for gg in range(1, G):
        m = m + (gidxv[:, gg:gg + 1] == tio).astype(f32)
    gsum = jnp.dot(m, gtab[...], preferred_element_type=f32)
    g = gsum / gcnt
    uc = jnp.concatenate([u[...], h], axis=1)
    uh = jnp.maximum(jnp.dot(uc, uw1[...], preferred_element_type=f32)
                     + ub1[...], 0.0)
    uv = jnp.dot(uh, uw2[...], preferred_element_type=f32) + ub2[...]
    ic = jnp.concatenate([it[...], g], axis=1)
    ih = jnp.maximum(jnp.dot(ic, iw1[...], preferred_element_type=f32)
                     + ib1[...], 0.0)
    iv = jnp.dot(ih, iw2[...], preferred_element_type=f32) + ib2[...]
    logits = jnp.sum(uv * iv, axis=1)
    out[...] = jax.nn.sigmoid(logits)


def _tc_dense(hi, gi, u, hs, it, gtab, uw1, ub1, uw2, ub2, iw1, ib1, iw2,
              ib2):
    BT = 512
    n = B // BT
    row = lambda i: (i, 0)
    rep = lambda i: (0, 0)
    return pl.pallas_call(
        _tc_body,
        grid=(n,),
        in_specs=[
            pl.BlockSpec((BT, H), row),
            pl.BlockSpec((BT, G), row),
            pl.BlockSpec((BT, D), row),
            pl.BlockSpec((BT, D), row),
            pl.BlockSpec((BT, D), row),
            pl.BlockSpec((GENRE_ROWS, D), rep),
            pl.BlockSpec((2 * D, 128), rep),
            pl.BlockSpec((1, 128), rep),
            pl.BlockSpec((128, D), rep),
            pl.BlockSpec((1, D), rep),
            pl.BlockSpec((2 * D, 128), rep),
            pl.BlockSpec((1, 128), rep),
            pl.BlockSpec((128, D), rep),
            pl.BlockSpec((1, D), rep),
        ],
        out_specs=pl.BlockSpec((BT,), lambda i: (i,)),
        out_shape=jax.ShapeDtypeStruct((B,), jnp.float32),
    )(hi, gi, u, hs, it, gtab, uw1, ub1, uw2, ub2, iw1, ib1, iw2, ib2)


def kernel(user_indices, history_indices, item_indices, genre_indices,
           user_table, item_hist_table, item_table, genre_table,
           u_w1, u_b1, u_w2, u_b2, i_w1, i_b1, i_w2, i_b2):
    ui = user_indices.astype(jnp.int32)
    ii = item_indices.astype(jnp.int32)
    hi = history_indices.astype(jnp.int32)
    gi = genre_indices.astype(jnp.int32)
    hip = jnp.pad(hi, ((0, 0), (0, HP - H)))
    hi3 = hip.reshape(NW, HCHUNKS, HCB * HP)
    uemb, iemb = _tc_rows(ui, ii, user_table.T, item_table.T)
    hsum = _sc_pool(hi3, item_hist_table)
    out = _tc_dense(
        hi, gi,
        uemb, hsum.reshape(B, D),
        iemb, genre_table,
        u_w1, u_b1.reshape(1, 128), u_w2, u_b2.reshape(1, D),
        i_w1, i_b1.reshape(1, 128), i_w2, i_b2.reshape(1, D))
    return out

# --- scband reference (transcript-rebuilt; emitter-appended) ---
"""Pipeline reference for scband-dual-tower-model-29454885716529 (READ-ONLY COPY).

The authoritative reference and input builder live on the scoring server;
editing this copy changes nothing except your own understanding.
"""

import jax, jax.numpy as jnp
import numpy as np

B = 4096
H = 50
G = 8
D = 64
USER = 1000000
ITEM = 100000
GENRE = 20


def setup_inputs(seed: int = 0) -> dict:
    key = jax.random.key(seed)
    ks = jax.random.split(key, 12)
    user_indices = jax.random.randint(ks[0], (B,), 0, USER)
    history_indices = jax.random.randint(ks[1], (B, H), 0, ITEM + 1)
    item_indices = jax.random.randint(ks[2], (B,), 0, ITEM)
    genre_indices = jax.random.randint(ks[3], (B, G), 0, GENRE + 1)
    user_table = jax.random.normal(ks[4], (USER, D), dtype=jnp.float32) * 0.02
    item_hist_table = jax.random.normal(ks[5], (ITEM + 1, D), dtype=jnp.float32) * 0.02
    item_hist_table = item_hist_table.at[0].set(0.0)
    item_table = jax.random.normal(ks[6], (ITEM, D), dtype=jnp.float32) * 0.02
    genre_table = jax.random.normal(ks[7], (GENRE + 1, D), dtype=jnp.float32) * 0.02
    genre_table = genre_table.at[0].set(0.0)
    u_w1 = jax.random.normal(ks[8], (2 * D, 128), dtype=jnp.float32) * 0.05
    u_b1 = jnp.zeros((128,), dtype=jnp.float32)
    u_w2 = jax.random.normal(ks[9], (128, D), dtype=jnp.float32) * 0.05
    u_b2 = jnp.zeros((D,), dtype=jnp.float32)
    i_w1 = jax.random.normal(ks[10], (2 * D, 128), dtype=jnp.float32) * 0.05
    i_b1 = jnp.zeros((128,), dtype=jnp.float32)
    i_w2 = jax.random.normal(ks[11], (128, D), dtype=jnp.float32) * 0.05
    i_b2 = jnp.zeros((D,), dtype=jnp.float32)
    return {
        "user_indices": user_indices,
        "history_indices": history_indices,
        "item_indices": item_indices,
        "genre_indices": genre_indices,
        "user_table": user_table,
        "item_hist_table": item_hist_table,
        "item_table": item_table,
        "genre_table": genre_table,
        "u_w1": u_w1, "u_b1": u_b1, "u_w2": u_w2, "u_b2": u_b2,
        "i_w1": i_w1, "i_b1": i_b1, "i_w2": i_w2, "i_b2": i_b2,
    }


def _mean_pool(embeddings, indices):
    mask = (indices != 0).astype(jnp.float32)[..., None]
    sum_emb = jnp.sum(embeddings * mask, axis=1)
    count = jnp.sum(mask, axis=1) + 1e-08
    return sum_emb / count


def reference(user_indices, history_indices, item_indices, genre_indices,
              user_table, item_hist_table, item_table, genre_table,
              u_w1, u_b1, u_w2, u_b2, i_w1, i_b1, i_w2, i_b2):
    # user tower
    u_emb = jnp.take(user_table, user_indices, axis=0)
    h_embs = jnp.take(item_hist_table, history_indices, axis=0)
    h_emb = _mean_pool(h_embs, history_indices)
    u_combined = jnp.concatenate([u_emb, h_emb], axis=-1)
    u_hidden = jnp.maximum(u_combined @ u_w1 + u_b1, 0.0)
    u_vec = u_hidden @ u_w2 + u_b2
    # item tower
    i_emb = jnp.take(item_table, item_indices, axis=0)
    g_embs = jnp.take(genre_table, genre_indices, axis=0)
    g_emb = _mean_pool(g_embs, genre_indices)
    i_combined = jnp.concatenate([i_emb, g_emb], axis=-1)
    i_hidden = jnp.maximum(i_combined @ i_w1 + i_b1, 0.0)
    i_vec = i_hidden @ i_w2 + i_b2
    logits = jnp.sum(u_vec * i_vec, axis=-1)
    return jax.nn.sigmoid(logits)

if __name__ == "__main__":
    import jax
    _d = setup_inputs()
    print(jax.jit(kernel)(*tuple(_d.values())))

</pallas_src>

<mosaic_0001>
#map = affine_map<(d0, d1) -> (0, 0, 0)>
#map1 = affine_map<(d0, d1) -> (0, 0)>
module attributes {stable_mosaic.version = 14 : i64} {
  func.func @_pool_body(%arg0: i32, %arg1: i32, %arg2: memref<32x64x104xi32, #tpu.memory_space<hbm>>, %arg3: memref<100001x64xf32, #tpu.memory_space<hbm>>, %arg4: memref<32x128x64xf32, #tpu.memory_space<hbm>>, %arg5: memref<64x104xi32, #tpu.memory_space<vmem>>, %arg6: memref<104x64xf32, #tpu.memory_space<vmem>>, %arg7: memref<104x64xf32, #tpu.memory_space<vmem>>, %arg8: memref<104x64xf32, #tpu.memory_space<vmem>>, %arg9: memref<104x64xf32, #tpu.memory_space<vmem>>, %arg10: memref<104x64xf32, #tpu.memory_space<vmem>>, %arg11: memref<104x64xf32, #tpu.memory_space<vmem>>, %arg12: memref<104x64xf32, #tpu.memory_space<vmem>>, %arg13: memref<104x64xf32, #tpu.memory_space<vmem>>, %arg14: memref<128x64xf32, #tpu.memory_space<vmem>>, %arg15: memref<!tpu.dma_semaphore, #tpu.memory_space<semaphore_mem>>, %arg16: memref<!tpu.dma_semaphore, #tpu.memory_space<semaphore_mem>>, %arg17: memref<!tpu.dma_semaphore, #tpu.memory_space<semaphore_mem>>, %arg18: memref<!tpu.dma_semaphore, #tpu.memory_space<semaphore_mem>>, %arg19: memref<!tpu.dma_semaphore, #tpu.memory_space<semaphore_mem>>, %arg20: memref<!tpu.dma_semaphore, #tpu.memory_space<semaphore_mem>>, %arg21: memref<!tpu.dma_semaphore, #tpu.memory_space<semaphore_mem>>, %arg22: memref<!tpu.dma_semaphore, #tpu.memory_space<semaphore_mem>>) attributes {dimension_semantics = [#tpu.dimension_semantics<core_parallel>, #tpu.dimension_semantics<subcore_parallel>], iteration_bounds = array<i64: 2, 16>, scalar_prefetch = 0 : i64, scratch_operands = 18 : i64, tpu.core_type = #tpu.core_type<sc_vector_subcore>, window_params = [{transform_indices = #map}, {transform_indices = #map1}, {transform_indices = #map}]} {
    %mul3A = arith.constant 2 : i32
    %mul3A_0 = arith.muli %arg1, %mul3A : i32
    %add3A = arith.addi %mul3A_0, %arg0 : i32
    "tpu.region"() ({
      %run_scoped3A = tpu.sem_alloc : memref<!tpu.dma_semaphore, #tpu.memory_space<semaphore_mem>>
      %dma_start3A_68 = arith.constant 0 : i32
      %dma_start3A_69 = arith.constant 0 : i32
      %dma_start3A_70 = tpu.memref_slice %arg2[%add3A, %dma_start3A_68, %dma_start3A_69] : memref<32x64x104xi32, #tpu.memory_space<hbm>> -> memref<1x64x104xi32, #tpu.memory_space<hbm>>
      %dma_start3A_71 = tpu.memref_squeeze %dma_start3A_70 : memref<1x64x104xi32, #tpu.memory_space<hbm>> -> memref<64x104xi32, #tpu.memory_space<hbm>>
      %dma_start3A_72 = arith.constant 0 : i32
      %dma_start3A_73 = arith.constant 0 : i32
      %dma_start3A_74 = tpu.memref_slice %arg2[%add3A, %dma_start3A_72, %dma_start3A_73] : memref<32x64x104xi32, #tpu.memory_space<hbm>> -> memref<1x64x104xi32, #tpu.memory_space<hbm>>
      %dma_start3A_75 = tpu.memref_squeeze %dma_start3A_74 : memref<1x64x104xi32, #tpu.memory_space<hbm>> -> memref<64x104xi32, #tpu.memory_space<hbm>>
      tpu.enqueue_dma source(%dma_start3A_75 : memref<64x104xi32, #tpu.memory_space<hbm>>) target(%arg5 : memref<64x104xi32, #tpu.memory_space<vmem>>) target_semaphore(%run_scoped3A : memref<!tpu.dma_semaphore, #tpu.memory_space<semaphore_mem>>)
      %dma_wait3A = arith.constant 0 : i32
      %dma_wait3A_76 = arith.constant 0 : i32
      %dma_wait3A_77 = tpu.memref_slice %arg2[%add3A, %dma_wait3A, %dma_wait3A_76] : memref<32x64x104xi32, #tpu.memory_space<hbm>> -> memref<1x64x104xi32, #tpu.memory_space<hbm>>
      %dma_wait3A_78 = tpu.memref_squeeze %dma_wait3A_77 : memref<1x64x104xi32, #tpu.memory_space<hbm>> -> memref<64x104xi32, #tpu.memory_space<hbm>>
      %dma_wait3A_79 = arith.constant 0 : i32
      %dma_wait3A_80 = arith.constant 0 : i32
      %dma_wait3A_81 = tpu.memref_slice %arg2[%add3A, %dma_wait3A_79, %dma_wait3A_80] : memref<32x64x104xi32, #tpu.memory_space<hbm>> -> memref<1x64x104xi32, #tpu.memory_space<hbm>>
      %dma_wait3A_82 = tpu.memref_squeeze %dma_wait3A_81 : memref<1x64x104xi32, #tpu.memory_space<hbm>> -> memref<64x104xi32, #tpu.memory_space<hbm>>
      tpu.wait_dma2 semaphore(%run_scoped3A : memref<!tpu.dma_semaphore, #tpu.memory_space<semaphore_mem>>) src(%dma_wait3A_82 : memref<64x104xi32, #tpu.memory_space<hbm>>) dst(%arg5 : memref<64x104xi32, #tpu.memory_space<vmem>>)
      tpu.yield
    }) : () -> ()
    %dma_start3A = arith.constant 0 : i32
    %dma_start3A_1 = arith.constant 0 : i32
    %dma_start3A_2 = tpu.memref_slice %arg5[%dma_start3A, %dma_start3A_1] : memref<64x104xi32, #tpu.memory_space<vmem>> -> memref<1x104xi32, #tpu.memory_space<vmem>>
    %dma_start3A_3 = tpu.memref_squeeze %dma_start3A_2 : memref<1x104xi32, #tpu.memory_space<vmem>> -> memref<104xi32, #tpu.memory_space<vmem>>
    %dma_start3A_4 = arith.constant 0 : i32
    %dma_start3A_5 = arith.constant 0 : i32
    %dma_start3A_6 = tpu.memref_slice %arg3[%dma_start3A_4, %dma_start3A_5] : memref<100001x64xf32, #tpu.memory_space<hbm>> -> memref<100001x64xf32, #tpu.memory_space<hbm>>
    tpu.enqueue_indirect_dma source(%dma_start3A_6 : memref<100001x64xf32, #tpu.memory_space<hbm>>) target(%arg6 : memref<104x64xf32, #tpu.memory_space<vmem>>) offsets(%dma_start3A_3 : memref<104xi32, #tpu.memory_space<vmem>>) semaphore(%arg15 : memref<!tpu.dma_semaphore, #tpu.memory_space<semaphore_mem>>)
    %dma_start3A_7 = arith.constant 1 : i32
    %dma_start3A_8 = arith.constant 0 : i32
    %dma_start3A_9 = tpu.memref_slice %arg5[%dma_start3A_7, %dma_start3A_8] : memref<64x104xi32, #tpu.memory_space<vmem>> -> memref<1x104xi32, #tpu.memory_space<vmem>>
    %dma_start3A_10 = tpu.memref_squeeze %dma_start3A_9 : memref<1x104xi32, #tpu.memory_space<vmem>> -> memref<104xi32, #tpu.memory_space<vmem>>
    %dma_start3A_11 = arith.constant 0 : i32
    %dma_start3A_12 = arith.constant 0 : i32
    %dma_start3A_13 = tpu.memref_slice %arg3[%dma_start3A_11, %dma_start3A_12] : memref<100001x64xf32, #tpu.memory_space<hbm>> -> memref<100001x64xf32, #tpu.memory_space<hbm>>
    tpu.enqueue_indirect_dma source(%dma_start3A_13 : memref<100001x64xf32, #tpu.memory_space<hbm>>) target(%arg7 : memref<104x64xf32, #tpu.memory_space<vmem>>) offsets(%dma_start3A_10 : memref<104xi32, #tpu.memory_space<vmem>>) semaphore(%arg16 : memref<!tpu.dma_semaphore, #tpu.memory_space<semaphore_mem>>)
    %dma_start3A_14 = arith.constant 2 : i32
    %dma_start3A_15 = arith.constant 0 : i32
    %dma_start3A_16 = tpu.memref_slice %arg5[%dma_start3A_14, %dma_start3A_15] : memref<64x104xi32, #tpu.memory_space<vmem>> -> memref<1x104xi32, #tpu.memory_space<vmem>>
    %dma_start3A_17 = tpu.memref_squeeze %dma_start3A_16 : memref<1x104xi32, #tpu.memory_space<vmem>> -> memref<104xi32, #tpu.memory_space<vmem>>
    %dma_start3A_18 = arith.constant 0 : i32
    %dma_start3A_19 = arith.constant 0 : i32
    %dma_start3A_20 = tpu.memref_slice %arg3[%dma_start3A_18, %dma_start3A_19] : memref<100001x64xf32, #tpu.memory_space<hbm>> -> memref<100001x64xf32, #tpu.memory_space<hbm>>
    tpu.enqueue_indirect_dma source(%dma_start3A_20 : memref<100001x64xf32, #tpu.memory_space<hbm>>) target(%arg8 : memref<104x64xf32, #tpu.memory_space<vmem>>) offsets(%dma_start3A_17 : memref<104xi32, #tpu.memory_space<vmem>>) semaphore(%arg17 : memref<!tpu.dma_semaphore, #tpu.memory_space<semaphore_mem>>)
    %dma_start3A_21 = arith.constant 3 : i32
    %dma_start3A_22 = arith.constant 0 : i32
    %dma_start3A_23 = tpu.memref_slice %arg5[%dma_start3A_21, %dma_start3A_22] : memref<64x104xi32, #tpu.memory_space<vmem>> -> memref<1x104xi32, #tpu.memory_space<vmem>>
    %dma_start3A_24 = tpu.memref_squeeze %dma_start3A_23 : memref<1x104xi32, #tpu.memory_space<vmem>> -> memref<104xi32, #tpu.memory_space<vmem>>
    %dma_start3A_25 = arith.constant 0 : i32
    %dma_start3A_26 = arith.constant 0 : i32
    %dma_start3A_27 = tpu.memref_slice %arg3[%dma_start3A_25, %dma_start3A_26] : memref<100001x64xf32, #tpu.memory_space<hbm>> -> memref<100001x64xf32, #tpu.memory_space<hbm>>
    tpu.enqueue_indirect_dma source(%dma_start3A_27 : memref<100001x64xf32, #tpu.memory_space<hbm>>) target(%arg9 : memref<104x64xf32, #tpu.memory_space<vmem>>) offsets(%dma_start3A_24 : memref<104xi32, #tpu.memory_space<vmem>>) semaphore(%arg18 : memref<!tpu.dma_semaphore, #tpu.memory_space<semaphore_mem>>)
    %dma_start3A_28 = arith.constant 4 : i32
    %dma_start3A_29 = arith.constant 0 : i32
    %dma_start3A_30 = tpu.memref_slice %arg5[%dma_start3A_28, %dma_start3A_29] : memref<64x104xi32, #tpu.memory_space<vmem>> -> memref<1x104xi32, #tpu.memory_space<vmem>>
    %dma_start3A_31 = tpu.memref_squeeze %dma_start3A_30 : memref<1x104xi32, #tpu.memory_space<vmem>> -> memref<104xi32, #tpu.memory_space<vmem>>
    %dma_start3A_32 = arith.constant 0 : i32
    %dma_start3A_33 = arith.constant 0 : i32
    %dma_start3A_34 = tpu.memref_slice %arg3[%dma_start3A_32, %dma_start3A_33] : memref<100001x64xf32, #tpu.memory_space<hbm>> -> memref<100001x64xf32, #tpu.memory_space<hbm>>
    tpu.enqueue_indirect_dma source(%dma_start3A_34 : memref<100001x64xf32, #tpu.memory_space<hbm>>) target(%arg10 : memref<104x64xf32, #tpu.memory_space<vmem>>) offsets(%dma_start3A_31 : memref<104xi32, #tpu.memory_space<vmem>>) semaphore(%arg19 : memref<!tpu.dma_semaphore, #tpu.memory_space<semaphore_mem>>)
    %dma_start3A_35 = arith.constant 5 : i32
    %dma_start3A_36 = arith.constant 0 : i32
    %dma_start3A_37 = tpu.memref_slice %arg5[%dma_start3A_35, %dma_start3A_36] : memref<64x104xi32, #tpu.memory_space<vmem>> -> memref<1x104xi32, #tpu.memory_space<vmem>>
    %dma_start3A_38 = tpu.memref_squeeze %dma_start3A_37 : memref<1x104xi32, #tpu.memory_space<vmem>> -> memref<104xi32, #tpu.memory_space<vmem>>
    %dma_start3A_39 = arith.constant 0 : i32
    %dma_start3A_40 = arith.constant 0 : i32
    %dma_start3A_41 = tpu.memref_slice %arg3[%dma_start3A_39, %dma_start3A_40] : memref<100001x64xf32, #tpu.memory_space<hbm>> -> memref<100001x64xf32, #tpu.memory_space<hbm>>
    tpu.enqueue_indirect_dma source(%dma_start3A_41 : memref<100001x64xf32, #tpu.memory_space<hbm>>) target(%arg11 : memref<104x64xf32, #tpu.memory_space<vmem>>) offsets(%dma_start3A_38 : memref<104xi32, #tpu.memory_space<vmem>>) semaphore(%arg20 : memref<!tpu.dma_semaphore, #tpu.memory_space<semaphore_mem>>)
    %dma_start3A_42 = arith.constant 6 : i32
    %dma_start3A_43 = arith.constant 0 : i32
    %dma_start3A_44 = tpu.memref_slice %arg5[%dma_start3A_42, %dma_start3A_43] : memref<64x104xi32, #tpu.memory_space<vmem>> -> memref<1x104xi32, #tpu.memory_space<vmem>>
    %dma_start3A_45 = tpu.memref_squeeze %dma_start3A_44 : memref<1x104xi32, #tpu.memory_space<vmem>> -> memref<104xi32, #tpu.memory_space<vmem>>
    %dma_start3A_46 = arith.constant 0 : i32
    %dma_start3A_47 = arith.constant 0 : i32
    %dma_start3A_48 = tpu.memref_slice %arg3[%dma_start3A_46, %dma_start3A_47] : memref<100001x64xf32, #tpu.memory_space<hbm>> -> memref<100001x64xf32, #tpu.memory_space<hbm>>
    tpu.enqueue_indirect_dma source(%dma_start3A_48 : memref<100001x64xf32, #tpu.memory_space<hbm>>) target(%arg12 : memref<104x64xf32, #tpu.memory_space<vmem>>) offsets(%dma_start3A_45 : memref<104xi32, #tpu.memory_space<vmem>>) semaphore(%arg21 : memref<!tpu.dma_semaphore, #tpu.memory_space<semaphore_mem>>)
    %dma_start3A_49 = arith.constant 7 : i32
    %dma_start3A_50 = arith.constant 0 : i32
    %dma_start3A_51 = tpu.memref_slice %arg5[%dma_start3A_49, %dma_start3A_50] : memref<64x104xi32, #tpu.memory_space<vmem>> -> memref<1x104xi32, #tpu.memory_space<vmem>>
    %dma_start3A_52 = tpu.memref_squeeze %dma_start3A_51 : memref<1x104xi32, #tpu.memory_space<vmem>> -> memref<104xi32, #tpu.memory_space<vmem>>
    %dma_start3A_53 = arith.constant 0 : i32
    %dma_start3A_54 = arith.constant 0 : i32
    %dma_start3A_55 = tpu.memref_slice %arg3[%dma_start3A_53, %dma_start3A_54] : memref<100001x64xf32, #tpu.memory_space<hbm>> -> memref<100001x64xf32, #tpu.memory_space<hbm>>
    tpu.enqueue_indirect_dma source(%dma_start3A_55 : memref<100001x64xf32, #tpu.memory_space<hbm>>) target(%arg13 : memref<104x64xf32, #tpu.memory_space<vmem>>) offsets(%dma_start3A_52 : memref<104xi32, #tpu.memory_space<vmem>>) semaphore(%arg22 : memref<!tpu.dma_semaphore, #tpu.memory_space<semaphore_mem>>)
    %broadcast_in_dim3A = arith.constant 0.000000e+00 : f32
    %broadcast_in_dim3A_56 = vector.broadcast %broadcast_in_dim3A : f32 to vector<16xf32>
    %broadcast_in_dim3A_57 = arith.constant 0.000000e+00 : f32
    %broadcast_in_dim3A_58 = vector.broadcast %broadcast_in_dim3A_57 : f32 to vector<16xf32>
    %broadcast_in_dim3A_59 = arith.constant 0.000000e+00 : f32
    %broadcast_in_dim3A_60 = vector.broadcast %broadcast_in_dim3A_59 : f32 to vector<16xf32>
    %broadcast_in_dim3A_61 = arith.constant 0.000000e+00 : f32
    %broadcast_in_dim3A_62 = vector.broadcast %broadcast_in_dim3A_61 : f32 to vector<16xf32>
    %scan3A = arith.constant 0 : i32
    %scan3A_63 = arith.constant 0 : i32
    %scan3A_64 = arith.constant 8 : i32
    %scan3A_65 = arith.addi %scan3A_63, %scan3A_64 : i32
    %scan3A_66 = arith.constant 1 : i32
    scf.for %scan3A_68 = %scan3A_63 to %scan3A_65 step %scan3A_66  : i32 {
      %mul3A_69 = arith.constant 8 : i32
      %mul3A_70 = arith.muli %scan3A_68, %mul3A_69 : i32
      %add3A_71 = arith.constant 0 : i32
      %add3A_72 = arith.addi %mul3A_70, %add3A_71 : i32
      %dma_wait3A = arith.constant 0 : i32
      %dma_wait3A_73 = arith.constant 0 : i32
      %dma_wait3A_74 = tpu.memref_slice %arg3[%dma_wait3A, %dma_wait3A_73] : memref<100001x64xf32, #tpu.memory_space<hbm>> -> memref<104x64xf32, #tpu.memory_space<hbm>>
      %dma_wait3A_75 = arith.constant 0 : i32
      %dma_wait3A_76 = arith.constant 0 : i32
      %dma_wait3A_77 = tpu.memref_slice %arg3[%dma_wait3A_75, %dma_wait3A_76] : memref<100001x64xf32, #tpu.memory_space<hbm>> -> memref<104x64xf32, #tpu.memory_space<hbm>>
      tpu.wait_dma2 semaphore(%arg15 : memref<!tpu.dma_semaphore, #tpu.memory_space<semaphore_mem>>) src(%dma_wait3A_77 : memref<104x64xf32, #tpu.memory_space<hbm>>) dst(%arg6 : memref<104x64xf32, #tpu.memory_space<vmem>>)
      %scan3A_78 = arith.constant 0 : i32
      %scan3A_79 = arith.constant 13 : i32
      %scan3A_80 = arith.addi %scan3A_78, %scan3A_79 : i32
      %scan3A_81 = arith.constant 1 : i32
      %scan3A_82:4 = scf.for %scan3A_680 = %scan3A_78 to %scan3A_80 step %scan3A_81 iter_args(%scan3A_681 = %broadcast_in_dim3A_56, %scan3A_682 = %broadcast_in_dim3A_58, %scan3A_683 = %broadcast_in_dim3A_60, %scan3A_684 = %broadcast_in_dim3A_62) -> (vector<16xf32>, vector<16xf32>, vector<16xf32>, vector<16xf32>)  : i32 {
        %mul3A_685 = arith.constant 4 : i32
        %mul3A_686 = arith.muli %scan3A_680, %mul3A_685 : i32
        %add3A_687 = arith.constant 0 : i32
        %add3A_688 = arith.addi %add3A_687, %mul3A_686 : i32
        %add3A_689 = arith.constant 0 : i32
        %add3A_690 = arith.addi %add3A_688, %add3A_689 : i32
        %get3A = arith.index_cast %add3A_690 : i32 to index
        %get3A_691 = arith.constant 0 : index
        %get3A_692 = tpu.vector_load %arg6[%get3A, %get3A_691] {strides = array<i32>} : memref<104x64xf32, #tpu.memory_space<vmem>>, vector<1x16xf32>,
        %get3A_693 = vector.shape_cast %get3A_692 : vector<1x16xf32> to vector<16xf32>
        %add3A_694 = arith.addf %scan3A_681, %get3A_693 : vector<16xf32>
        %get3A_695 = arith.index_cast %add3A_690 : i32 to index
        %get3A_696 = arith.constant 16 : index
        %get3A_697 = tpu.vector_load %arg6[%get3A_695, %get3A_696] {strides = array<i32>} : memref<104x64xf32, #tpu.memory_space<vmem>>, vector<1x16xf32>,
        %get3A_698 = vector.shape_cast %get3A_697 : vector<1x16xf32> to vector<16xf32>
        %add3A_699 = arith.addf %scan3A_682, %get3A_698 : vector<16xf32>
        %get3A_700 = arith.index_cast %add3A_690 : i32 to index
        %get3A_701 = arith.constant 32 : index
        %get3A_702 = tpu.vector_load %arg6[%get3A_700, %get3A_701] {strides = array<i32>} : memref<104x64xf32, #tpu.memory_space<vmem>>, vector<1x16xf32>,
        %get3A_703 = vector.shape_cast %get3A_702 : vector<1x16xf32> to vector<16xf32>
        %add3A_704 = arith.addf %scan3A_683, %get3A_703 : vector<16xf32>
        %get3A_705 = arith.index_cast %add3A_690 : i32 to index
        %get3A_706 = arith.constant 48 : index
        %get3A_707 = tpu.vector_load %arg6[%get3A_705, %get3A_706] {strides = array<i32>} : memref<104x64xf32, #tpu.memory_space<vmem>>, vector<1x16xf32>,
        %get3A_708 = vector.shape_cast %get3A_707 : vector<1x16xf32> to vector<16xf32>
        %add3A_709 = arith.addf %scan3A_684, %get3A_708 : vector<16xf32>
        %mul3A_710 = arith.constant 4 : i32
        %mul3A_711 = arith.muli %scan3A_680, %mul3A_710 : i32
        %add3A_712 = arith.constant 0 : i32
        %add3A_713 = arith.addi %add3A_712, %mul3A_711 : i32
        %add3A_714 = arith.constant 1 : i32
        %add3A_715 = arith.addi %add3A_713, %add3A_714 : i32
        %get3A_716 = arith.index_cast %add3A_715 : i32 to index
        %get3A_717 = arith.constant 0 : index
        %get3A_718 = tpu.vector_load %arg6[%get3A_716, %get3A_717] {strides = array<i32>} : memref<104x64xf32, #tpu.memory_space<vmem>>, vector<1x16xf32>,
        %get3A_719 = vector.shape_cast %get3A_718 : vector<1x16xf32> to vector<16xf32>
        %add3A_720 = arith.addf %add3A_694, %get3A_719 : vector<16xf32>
        %get3A_721 = arith.index_cast %add3A_715 : i32 to index
        %get3A_722 = arith.constant 16 : index
        %get3A_723 = tpu.vector_load %arg6[%get3A_721, %get3A_722] {strides = array<i32>} : memref<104x64xf32, #tpu.memory_space<vmem>>, vector<1x16xf32>,
        %get3A_724 = vector.shape_cast %get3A_723 : vector<1x16xf32> to vector<16xf32>
        %add3A_725 = arith.addf %add3A_699, %get3A_724 : vector<16xf32>
        %get3A_726 = arith.index_cast %add3A_715 : i32 to index
        %get3A_727 = arith.constant 32 : index
        %get3A_728 = tpu.vector_load %arg6[%get3A_726, %get3A_727] {strides = array<i32>} : memref<104x64xf32, #tpu.memory_space<vmem>>, vector<1x16xf32>,
        %get3A_729 = vector.shape_cast %get3A_728 : vector<1x16xf32> to vector<16xf32>
        %add3A_730 = arith.addf %add3A_704, %get3A_729 : vector<16xf32>
        %get3A_731 = arith.index_cast %add3A_715 : i32 to index
        %get3A_732 = arith.constant 48 : index
        %get3A_733 = tpu.vector_load %arg6[%get3A_731, %get3A_732] {strides = array<i32>} : memref<104x64xf32, #tpu.memory_space<vmem>>, vector<1x16xf32>,
        %get3A_734 = vector.shape_cast %get3A_733 : vector<1x16xf32> to vector<16xf32>
        %add3A_735 = arith.addf %add3A_709, %get3A_734 : vector<16xf32>
        %mul3A_736 = arith.constant 4 : i32
        %mul3A_737 = arith.muli %scan3A_680, %mul3A_736 : i32
        %add3A_738 = arith.constant 0 : i32
        %add3A_739 = arith.addi %add3A_738, %mul3A_737 : i32
        %add3A_740 = arith.constant 2 : i32
        %add3A_741 = arith.addi %add3A_739, %add3A_740 : i32
        %get3A_742 = arith.index_cast %add3A_741 : i32 to index
        %get3A_743 = arith.constant 0 : index
        %get3A_744 = tpu.vector_load %arg6[%get3A_742, %get3A_743] {strides = array<i32>} : memref<104x64xf32, #tpu.memory_space<vmem>>, vector<1x16xf32>,
        %get3A_745 = vector.shape_cast %get3A_744 : vector<1x16xf32> to vector<16xf32>
        %add3A_746 = arith.addf %add3A_720, %get3A_745 : vector<16xf32>
        %get3A_747 = arith.index_cast %add3A_741 : i32 to index
        %get3A_748 = arith.constant 16 : index
        %get3A_749 = tpu.vector_load %arg6[%get3A_747, %get3A_748] {strides = array<i32>} : memref<104x64xf32, #tpu.memory_space<vmem>>, vector<1x16xf32>,
        %get3A_750 = vector.shape_cast %get3A_749 : vector<1x16xf32> to vector<16xf32>
        %add3A_751 = arith.addf %add3A_725, %get3A_750 : vector<16xf32>
        %get3A_752 = arith.index_cast %add3A_741 : i32 to index
        %get3A_753 = arith.constant 32 : index
        %get3A_754 = tpu.vector_load %arg6[%get3A_752, %get3A_753] {strides = array<i32>} : memref<104x64xf32, #tpu.memory_space<vmem>>, vector<1x16xf32>,
        %get3A_755 = vector.shape_cast %get3A_754 : vector<1x16xf32> to vector<16xf32>
        %add3A_756 = arith.addf %add3A_730, %get3A_755 : vector<16xf32>
        %get3A_757 = arith.index_cast %add3A_741 : i32 to index
        %get3A_758 = arith.constant 48 : index
        %get3A_759 = tpu.vector_load %arg6[%get3A_757, %get3A_758] {strides = array<i32>} : memref<104x64xf32, #tpu.memory_space<vmem>>, vector<1x16xf32>,
        %get3A_760 = vector.shape_cast %get3A_759 : vector<1x16xf32> to vector<16xf32>
        %add3A_761 = arith.addf %add3A_735, %get3A_760 : vector<16xf32>
        %mul3A_762 = arith.constant 4 : i32
        %mul3A_763 = arith.muli %scan3A_680, %mul3A_762 : i32
        %add3A_764 = arith.constant 0 : i32
        %add3A_765 = arith.addi %add3A_764, %mul3A_763 : i32
        %add3A_766 = arith.constant 3 : i32
        %add3A_767 = arith.addi %add3A_765, %add3A_766 : i32
        %get3A_768 = arith.index_cast %add3A_767 : i32 to index
        %get3A_769 = arith.constant 0 : index
        %get3A_770 = tpu.vector_load %arg6[%get3A_768, %get3A_769] {strides = array<i32>} : memref<104x64xf32, #tpu.memory_space<vmem>>, vector<1x16xf32>,
        %get3A_771 = vector.shape_cast %get3A_770 : vector<1x16xf32> to vector<16xf32>
        %add3A_772 = arith.addf %add3A_746, %get3A_771 : vector<16xf32>
        %get3A_773 = arith.index_cast %add3A_767 : i32 to index
        %get3A_774 = arith.constant 16 : index
        %get3A_775 = tpu.vector_load %arg6[%get3A_773, %get3A_774] {strides = array<i32>} : memref<104x64xf32, #tpu.memory_space<vmem>>, vector<1x16xf32>,
        %get3A_776 = vector.shape_cast %get3A_775 : vector<1x16xf32> to vector<16xf32>
        %add3A_777 = arith.addf %add3A_751, %get3A_776 : vector<16xf32>
        %get3A_778 = arith.index_cast %add3A_767 : i32 to index
        %get3A_779 = arith.constant 32 : index
        %get3A_780 = tpu.vector_load %arg6[%get3A_778, %get3A_779] {strides = array<i32>} : memref<104x64xf32, #tpu.memory_space<vmem>>, vector<1x16xf32>,
        %get3A_781 = vector.shape_cast %get3A_780 : vector<1x16xf32> to vector<16xf32>
        %add3A_782 = arith.addf %add3A_756, %get3A_781 : vector<16xf32>
        %get3A_783 = arith.index_cast %add3A_767 : i32 to index
        %get3A_784 = arith.constant 48 : index
        %get3A_785 = tpu.vector_load %arg6[%get3A_783, %get3A_784] {strides = array<i32>} : memref<104x64xf32, #tpu.memory_space<vmem>>, vector<1x16xf32>,
        %get3A_786 = vector.shape_cast %get3A_785 : vector<1x16xf32> to vector<16xf32>
        %add3A_787 = arith.addf %add3A_761, %get3A_786 : vector<16xf32>
        scf.yield %add3A_772, %add3A_777, %add3A_782, %add3A_787 : vector<16xf32>, vector<16xf32>, vector<16xf32>, vector<16xf32>
      }
      %scan3A_83 = arith.constant 13 : i32
      %mul3A_84 = arith.constant 2 : i32
      %mul3A_85 = arith.muli %add3A_72, %mul3A_84 : i32
      %add3A_86 = arith.constant 0 : i32
      %add3A_87 = arith.addi %mul3A_85, %add3A_86 : i32
      %swap3A = arith.index_cast %add3A_87 : i32 to index
      %swap3A_88 = arith.constant 0 : index
      %swap3A_89 = tpu.vector_load %arg14[%swap3A, %swap3A_88] {strides = array<i32>} : memref<128x64xf32, #tpu.memory_space<vmem>>, vector<1x16xf32>,
      %swap3A_90 = vector.shape_cast %swap3A_89 : vector<1x16xf32> to vector<16xf32>
      %swap3A_91 = vector.shape_cast %scan3A_82#0 : vector<16xf32> to vector<1x16xf32>
      tpu.vector_store %arg14[%swap3A, %swap3A_88], %swap3A_91 {strides = array<i32>} : memref<128x64xf32, #tpu.memory_space<vmem>>, vector<1x16xf32>,
      %swap3A_92 = arith.index_cast %add3A_87 : i32 to index
      %swap3A_93 = arith.constant 16 : index
      %swap3A_94 = tpu.vector_load %arg14[%swap3A_92, %swap3A_93] {strides = array<i32>} : memref<128x64xf32, #tpu.memory_space<vmem>>, vector<1x16xf32>,
      %swap3A_95 = vector.shape_cast %swap3A_94 : vector<1x16xf32> to vector<16xf32>
      %swap3A_96 = vector.shape_cast %scan3A_82#1 : vector<16xf32> to vector<1x16xf32>
      tpu.vector_store %arg14[%swap3A_92, %swap3A_93], %swap3A_96 {strides = array<i32>} : memref<128x64xf32, #tpu.memory_space<vmem>>, vector<1x16xf32>,
      %swap3A_97 = arith.index_cast %add3A_87 : i32 to index
      %swap3A_98 = arith.constant 32 : index
      %swap3A_99 = tpu.vector_load %arg14[%swap3A_97, %swap3A_98] {strides = array<i32>} : memref<128x64xf32, #tpu.memory_space<vmem>>, vector<1x16xf32>,
      %swap3A_100 = vector.shape_cast %swap3A_99 : vector<1x16xf32> to vector<16xf32>
      %swap3A_101 = vector.shape_cast %scan3A_82#2 : vector<16xf32> to vector<1x16xf32>
      tpu.vector_store %arg14[%swap3A_97, %swap3A_98], %swap3A_101 {strides = array<i32>} : memref<128x64xf32, #tpu.memory_space<vmem>>, vector<1x16xf32>,
      %swap3A_102 = arith.index_cast %add3A_87 : i32 to index
      %swap3A_103 = arith.constant 48 : index
      %swap3A_104 = tpu.vector_load %arg14[%swap3A_102, %swap3A_103] {strides = array<i32>} : memref<128x64xf32, #tpu.memory_space<vmem>>, vector<1x16xf32>,
      %swap3A_105 = vector.shape_cast %swap3A_104 : vector<1x16xf32> to vector<16xf32>
      %swap3A_106 = vector.shape_cast %scan3A_82#3 : vector<16xf32> to vector<1x16xf32>
      tpu.vector_store %arg14[%swap3A_102, %swap3A_103], %swap3A_106 {strides = array<i32>} : memref<128x64xf32, #tpu.memory_space<vmem>>, vector<1x16xf32>,
      %scan3A_107 = arith.constant 0 : i32
      %scan3A_108 = arith.constant 13 : i32
      %scan3A_109 = arith.addi %scan3A_107, %scan3A_108 : i32
      %scan3A_110 = arith.constant 1 : i32
      %scan3A_111:4 = scf.for %scan3A_680 = %scan3A_107 to %scan3A_109 step %scan3A_110 iter_args(%scan3A_681 = %broadcast_in_dim3A_56, %scan3A_682 = %broadcast_in_dim3A_58, %scan3A_683 = %broadcast_in_dim3A_60, %scan3A_684 = %broadcast_in_dim3A_62) -> (vector<16xf32>, vector<16xf32>, vector<16xf32>, vector<16xf32>)  : i32 {
        %mul3A_685 = arith.constant 4 : i32
        %mul3A_686 = arith.muli %scan3A_680, %mul3A_685 : i32
        %add3A_687 = arith.constant 52 : i32
        %add3A_688 = arith.addi %add3A_687, %mul3A_686 : i32
        %add3A_689 = arith.constant 0 : i32
        %add3A_690 = arith.addi %add3A_688, %add3A_689 : i32
        %get3A = arith.index_cast %add3A_690 : i32 to index
        %get3A_691 = arith.constant 0 : index
        %get3A_692 = tpu.vector_load %arg6[%get3A, %get3A_691] {strides = array<i32>} : memref<104x64xf32, #tpu.memory_space<vmem>>, vector<1x16xf32>,
        %get3A_693 = vector.shape_cast %get3A_692 : vector<1x16xf32> to vector<16xf32>
        %add3A_694 = arith.addf %scan3A_681, %get3A_693 : vector<16xf32>
        %get3A_695 = arith.index_cast %add3A_690 : i32 to index
        %get3A_696 = arith.constant 16 : index
        %get3A_697 = tpu.vector_load %arg6[%get3A_695, %get3A_696] {strides = array<i32>} : memref<104x64xf32, #tpu.memory_space<vmem>>, vector<1x16xf32>,
        %get3A_698 = vector.shape_cast %get3A_697 : vector<1x16xf32> to vector<16xf32>
        %add3A_699 = arith.addf %scan3A_682, %get3A_698 : vector<16xf32>
        %get3A_700 = arith.index_cast %add3A_690 : i32 to index
        %get3A_701 = arith.constant 32 : index
        %get3A_702 = tpu.vector_load %arg6[%get3A_700, %get3A_701] {strides = array<i32>} : memref<104x64xf32, #tpu.memory_space<vmem>>, vector<1x16xf32>,
        %get3A_703 = vector.shape_cast %get3A_702 : vector<1x16xf32> to vector<16xf32>
        %add3A_704 = arith.addf %scan3A_683, %get3A_703 : vector<16xf32>
        %get3A_705 = arith.index_cast %add3A_690 : i32 to index
        %get3A_706 = arith.constant 48 : index
        %get3A_707 = tpu.vector_load %arg6[%get3A_705, %get3A_706] {strides = array<i32>} : memref<104x64xf32, #tpu.memory_space<vmem>>, vector<1x16xf32>,
        %get3A_708 = vector.shape_cast %get3A_707 : vector<1x16xf32> to vector<16xf32>
        %add3A_709 = arith.addf %scan3A_684, %get3A_708 : vector<16xf32>
        %mul3A_710 = arith.constant 4 : i32
        %mul3A_711 = arith.muli %scan3A_680, %mul3A_710 : i32
        %add3A_712 = arith.constant 52 : i32
        %add3A_713 = arith.addi %add3A_712, %mul3A_711 : i32
        %add3A_714 = arith.constant 1 : i32
        %add3A_715 = arith.addi %add3A_713, %add3A_714 : i32
        %get3A_716 = arith.index_cast %add3A_715 : i32 to index
        %get3A_717 = arith.constant 0 : index
        %get3A_718 = tpu.vector_load %arg6[%get3A_716, %get3A_717] {strides = array<i32>} : memref<104x64xf32, #tpu.memory_space<vmem>>, vector<1x16xf32>,
        %get3A_719 = vector.shape_cast %get3A_718 : vector<1x16xf32> to vector<16xf32>
        %add3A_720 = arith.addf %add3A_694, %get3A_719 : vector<16xf32>
        %get3A_721 = arith.index_cast %add3A_715 : i32 to index
        %get3A_722 = arith.constant 16 : index
        %get3A_723 = tpu.vector_load %arg6[%get3A_721, %get3A_722] {strides = array<i32>} : memref<104x64xf32, #tpu.memory_space<vmem>>, vector<1x16xf32>,
        %get3A_724 = vector.shape_cast %get3A_723 : vector<1x16xf32> to vector<16xf32>
        %add3A_725 = arith.addf %add3A_699, %get3A_724 : vector<16xf32>
        %get3A_726 = arith.index_cast %add3A_715 : i32 to index
        %get3A_727 = arith.constant 32 : index
        %get3A_728 = tpu.vector_load %arg6[%get3A_726, %get3A_727] {strides = array<i32>} : memref<104x64xf32, #tpu.memory_space<vmem>>, vector<1x16xf32>,
        %get3A_729 = vector.shape_cast %get3A_728 : vector<1x16xf32> to vector<16xf32>
        %add3A_730 = arith.addf %add3A_704, %get3A_729 : vector<16xf32>
        %get3A_731 = arith.index_cast %add3A_715 : i32 to index
        %get3A_732 = arith.constant 48 : index
        %get3A_733 = tpu.vector_load %arg6[%get3A_731, %get3A_732] {strides = array<i32>} : memref<104x64xf32, #tpu.memory_space<vmem>>, vector<1x16xf32>,
        %get3A_734 = vector.shape_cast %get3A_733 : vector<1x16xf32> to vector<16xf32>
        %add3A_735 = arith.addf %add3A_709, %get3A_734 : vector<16xf32>
        %mul3A_736 = arith.constant 4 : i32
        %mul3A_737 = arith.muli %scan3A_680, %mul3A_736 : i32
        %add3A_738 = arith.constant 52 : i32
        %add3A_739 = arith.addi %add3A_738, %mul3A_737 : i32
        %add3A_740 = arith.constant 2 : i32
        %add3A_741 = arith.addi %add3A_739, %add3A_740 : i32
        %get3A_742 = arith.index_cast %add3A_741 : i32 to index
        %get3A_743 = arith.constant 0 : index
        %get3A_744 = tpu.vector_load %arg6[%get3A_742, %get3A_743] {strides = array<i32>} : memref<104x64xf32, #tpu.memory_space<vmem>>, vector<1x16xf32>,
        %get3A_745 = vector.shape_cast %get3A_744 : vector<1x16xf32> to vector<16xf32>
        %add3A_746 = arith.addf %add3A_720, %get3A_745 : vector<16xf32>
        %get3A_747 = arith.index_cast %add3A_741 : i32 to index
        %get3A_748 = arith.constant 16 : index
        %get3A_749 = tpu.vector_load %arg6[%get3A_747, %get3A_748] {strides = array<i32>} : memref<104x64xf32, #tpu.memory_space<vmem>>, vector<1x16xf32>,
        %get3A_750 = vector.shape_cast %get3A_749 : vector<1x16xf32> to vector<16xf32>
        %add3A_751 = arith.addf %add3A_725, %get3A_750 : vector<16xf32>
        %get3A_752 = arith.index_cast %add3A_741 : i32 to index
        %get3A_753 = arith.constant 32 : index
        %get3A_754 = tpu.vector_load %arg6[%get3A_752, %get3A_753] {strides = array<i32>} : memref<104x64xf32, #tpu.memory_space<vmem>>, vector<1x16xf32>,
        %get3A_755 = vector.shape_cast %get3A_754 : vector<1x16xf32> to vector<16xf32>
        %add3A_756 = arith.addf %add3A_730, %get3A_755 : vector<16xf32>
        %get3A_757 = arith.index_cast %add3A_741 : i32 to index
        %get3A_758 = arith.constant 48 : index
        %get3A_759 = tpu.vector_load %arg6[%get3A_757, %get3A_758] {strides = array<i32>} : memref<104x64xf32, #tpu.memory_space<vmem>>, vector<1x16xf32>,
        %get3A_760 = vector.shape_cast %get3A_759 : vector<1x16xf32> to vector<16xf32>
        %add3A_761 = arith.addf %add3A_735, %get3A_760 : vector<16xf32>
        %mul3A_762 = arith.constant 4 : i32
        %mul3A_763 = arith.muli %scan3A_680, %mul3A_762 : i32
        %add3A_764 = arith.constant 52 : i32
        %add3A_765 = arith.addi %add3A_764, %mul3A_763 : i32
        %add3A_766 = arith.constant 3 : i32
        %add3A_767 = arith.addi %add3A_765, %add3A_766 : i32
        %get3A_768 = arith.index_cast %add3A_767 : i32 to index
        %get3A_769 = arith.constant 0 : index
        %get3A_770 = tpu.vector_load %arg6[%get3A_768, %get3A_769] {strides = array<i32>} : memref<104x64xf32, #tpu.memory_space<vmem>>, vector<1x16xf32>,
        %get3A_771 = vector.shape_cast %get3A_770 : vector<1x16xf32> to vector<16xf32>
        %add3A_772 = arith.addf %add3A_746, %get3A_771 : vector<16xf32>
        %get3A_773 = arith.index_cast %add3A_767 : i32 to index
        %get3A_774 = arith.constant 16 : index
        %get3A_775 = tpu.vector_load %arg6[%get3A_773, %get3A_774] {strides = array<i32>} : memref<104x64xf32, #tpu.memory_space<vmem>>, vector<1x16xf32>,
        %get3A_776 = vector.shape_cast %get3A_775 : vector<1x16xf32> to vector<16xf32>
        %add3A_777 = arith.addf %add3A_751, %get3A_776 : vector<16xf32>
        %get3A_778 = arith.index_cast %add3A_767 : i32 to index
        %get3A_779 = arith.constant 32 : index
        %get3A_780 = tpu.vector_load %arg6[%get3A_778, %get3A_779] {strides = array<i32>} : memref<104x64xf32, #tpu.memory_space<vmem>>, vector<1x16xf32>,
        %get3A_781 = vector.shape_cast %get3A_780 : vector<1x16xf32> to vector<16xf32>
        %add3A_782 = arith.addf %add3A_756, %get3A_781 : vector<16xf32>
        %get3A_783 = arith.index_cast %add3A_767 : i32 to index
        %get3A_784 = arith.constant 48 : index
        %get3A_785 = tpu.vector_load %arg6[%get3A_783, %get3A_784] {strides = array<i32>} : memref<104x64xf32, #tpu.memory_space<vmem>>, vector<1x16xf32>,
        %get3A_786 = vector.shape_cast %get3A_785 : vector<1x16xf32> to vector<16xf32>
        %add3A_787 = arith.addf %add3A_761, %get3A_786 : vector<16xf32>
        scf.yield %add3A_772, %add3A_777, %add3A_782, %add3A_787 : vector<16xf32>, vector<16xf32>, vector<16xf32>, vector<16xf32>
      }
      %scan3A_112 = arith.constant 13 : i32
      %mul3A_113 = arith.constant 2 : i32
      %mul3A_114 = arith.muli %add3A_72, %mul3A_113 : i32
      %add3A_115 = arith.constant 1 : i32
      %add3A_116 = arith.addi %mul3A_114, %add3A_115 : i32
      %swap3A_117 = arith.index_cast %add3A_116 : i32 to index
      %swap3A_118 = arith.constant 0 : index
      %swap3A_119 = tpu.vector_load %arg14[%swap3A_117, %swap3A_118] {strides = array<i32>} : memref<128x64xf32, #tpu.memory_space<vmem>>, vector<1x16xf32>,
      %swap3A_120 = vector.shape_cast %swap3A_119 : vector<1x16xf32> to vector<16xf32>
      %swap3A_121 = vector.shape_cast %scan3A_111#0 : vector<16xf32> to vector<1x16xf32>
      tpu.vector_store %arg14[%swap3A_117, %swap3A_118], %swap3A_121 {strides = array<i32>} : memref<128x64xf32, #tpu.memory_space<vmem>>, vector<1x16xf32>,
      %swap3A_122 = arith.index_cast %add3A_116 : i32 to index
      %swap3A_123 = arith.constant 16 : index
      %swap3A_124 = tpu.vector_load %arg14[%swap3A_122, %swap3A_123] {strides = array<i32>} : memref<128x64xf32, #tpu.memory_space<vmem>>, vector<1x16xf32>,
      %swap3A_125 = vector.shape_cast %swap3A_124 : vector<1x16xf32> to vector<16xf32>
      %swap3A_126 = vector.shape_cast %scan3A_111#1 : vector<16xf32> to vector<1x16xf32>
      tpu.vector_store %arg14[%swap3A_122, %swap3A_123], %swap3A_126 {strides = array<i32>} : memref<128x64xf32, #tpu.memory_space<vmem>>, vector<1x16xf32>,
      %swap3A_127 = arith.index_cast %add3A_116 : i32 to index
      %swap3A_128 = arith.constant 32 : index
      %swap3A_129 = tpu.vector_load %arg14[%swap3A_127, %swap3A_128] {strides = array<i32>} : memref<128x64xf32, #tpu.memory_space<vmem>>, vector<1x16xf32>,
      %swap3A_130 = vector.shape_cast %swap3A_129 : vector<1x16xf32> to vector<16xf32>
      %swap3A_131 = vector.shape_cast %scan3A_111#2 : vector<16xf32> to vector<1x16xf32>
      tpu.vector_store %arg14[%swap3A_127, %swap3A_128], %swap3A_131 {strides = array<i32>} : memref<128x64xf32, #tpu.memory_space<vmem>>, vector<1x16xf32>,
      %swap3A_132 = arith.index_cast %add3A_116 : i32 to index
      %swap3A_133 = arith.constant 48 : index
      %swap3A_134 = tpu.vector_load %arg14[%swap3A_132, %swap3A_133] {strides = array<i32>} : memref<128x64xf32, #tpu.memory_space<vmem>>, vector<1x16xf32>,
      %swap3A_135 = vector.shape_cast %swap3A_134 : vector<1x16xf32> to vector<16xf32>
      %swap3A_136 = vector.shape_cast %scan3A_111#3 : vector<16xf32> to vector<1x16xf32>
      tpu.vector_store %arg14[%swap3A_132, %swap3A_133], %swap3A_136 {strides = array<i32>} : memref<128x64xf32, #tpu.memory_space<vmem>>, vector<1x16xf32>,
      %add3A_137 = arith.constant 8 : i32
      %add3A_138 = arith.addi %add3A_72, %add3A_137 : i32
      %lt3A = arith.constant 64 : i32
      %lt3A_139 = arith.cmpi slt, %add3A_138, %lt3A : i32
      %convert_element_type3A = arith.extui %lt3A_139 : i1 to i32
      %cond3A = arith.constant 0 : i32
      %cond3A_140 = arith.cmpi ne, %convert_element_type3A, %cond3A : i32
      scf.if %cond3A_140 {
        %add3A_680 = arith.constant 8 : i32
        %add3A_681 = arith.addi %add3A_72, %add3A_680 : i32
        %dma_start3A_682 = arith.constant 0 : i32
        %dma_start3A_683 = tpu.memref_slice %arg5[%add3A_681, %dma_start3A_682] : memref<64x104xi32, #tpu.memory_space<vmem>> -> memref<1x104xi32, #tpu.memory_space<vmem>>
        %dma_start3A_684 = tpu.memref_squeeze %dma_start3A_683 : memref<1x104xi32, #tpu.memory_space<vmem>> -> memref<104xi32, #tpu.memory_space<vmem>>
        %dma_start3A_685 = arith.constant 0 : i32
        %dma_start3A_686 = arith.constant 0 : i32
        %dma_start3A_687 = tpu.memref_slice %arg3[%dma_start3A_685, %dma_start3A_686] : memref<100001x64xf32, #tpu.memory_space<hbm>> -> memref<100001x64xf32, #tpu.memory_space<hbm>>
        tpu.enqueue_indirect_dma source(%dma_start3A_687 : memref<100001x64xf32, #tpu.memory_space<hbm>>) target(%arg6 : memref<104x64xf32, #tpu.memory_space<vmem>>) offsets(%dma_start3A_684 : memref<104xi32, #tpu.memory_space<vmem>>) semaphore(%arg15 : memref<!tpu.dma_semaphore, #tpu.memory_space<semaphore_mem>>)
      } else {
      }
      %mul3A_141 = arith.constant 8 : i32
      %mul3A_142 = arith.muli %scan3A_68, %mul3A_141 : i32
      %add3A_143 = arith.constant 1 : i32
      %add3A_144 = arith.addi %mul3A_142, %add3A_143 : i32
      %dma_wait3A_145 = arith.constant 0 : i32
      %dma_wait3A_146 = arith.constant 0 : i32
      %dma_wait3A_147 = tpu.memref_slice %arg3[%dma_wait3A_145, %dma_wait3A_146] : memref<100001x64xf32, #tpu.memory_space<hbm>> -> memref<104x64xf32, #tpu.memory_space<hbm>>
      %dma_wait3A_148 = arith.constant 0 : i32
      %dma_wait3A_149 = arith.constant 0 : i32
      %dma_wait3A_150 = tpu.memref_slice %arg3[%dma_wait3A_148, %dma_wait3A_149] : memref<100001x64xf32, #tpu.memory_space<hbm>> -> memref<104x64xf32, #tpu.memory_space<hbm>>
      tpu.wait_dma2 semaphore(%arg16 : memref<!tpu.dma_semaphore, #tpu.memory_space<semaphore_mem>>) src(%dma_wait3A_150 : memref<104x64xf32, #tpu.memory_space<hbm>>) dst(%arg7 : memref<104x64xf32, #tpu.memory_space<vmem>>)
      %scan3A_151 = arith.constant 0 : i32
      %scan3A_152 = arith.constant 13 : i32
      %scan3A_153 = arith.addi %scan3A_151, %scan3A_152 : i32
      %scan3A_154 = arith.constant 1 : i32
      %scan3A_155:4 = scf.for %scan3A_680 = %scan3A_151 to %scan3A_153 step %scan3A_154 iter_args(%scan3A_681 = %broadcast_in_dim3A_56, %scan3A_682 = %broadcast_in_dim3A_58, %scan3A_683 = %broadcast_in_dim3A_60, %scan3A_684 = %broadcast_in_dim3A_62) -> (vector<16xf32>, vector<16xf32>, vector<16xf32>, vector<16xf32>)  : i32 {
        %mul3A_685 = arith.constant 4 : i32
        %mul3A_686 = arith.muli %scan3A_680, %mul3A_685 : i32
        %add3A_687 = arith.constant 0 : i32
        %add3A_688 = arith.addi %add3A_687, %mul3A_686 : i32
        %add3A_689 = arith.constant 0 : i32
        %add3A_690 = arith.addi %add3A_688, %add3A_689 : i32
        %get3A = arith.index_cast %add3A_690 : i32 to index
        %get3A_691 = arith.constant 0 : index
        %get3A_692 = tpu.vector_load %arg7[%get3A, %get3A_691] {strides = array<i32>} : memref<104x64xf32, #tpu.memory_space<vmem>>, vector<1x16xf32>,
        %get3A_693 = vector.shape_cast %get3A_692 : vector<1x16xf32> to vector<16xf32>
        %add3A_694 = arith.addf %scan3A_681, %get3A_693 : vector<16xf32>
        %get3A_695 = arith.index_cast %add3A_690 : i32 to index
        %get3A_696 = arith.constant 16 : index
        %get3A_697 = tpu.vector_load %arg7[%get3A_695, %get3A_696] {strides = array<i32>} : memref<104x64xf32, #tpu.memory_space<vmem>>, vector<1x16xf32>,
        %get3A_698 = vector.shape_cast %get3A_697 : vector<1x16xf32> to vector<16xf32>
        %add3A_699 = arith.addf %scan3A_682, %get3A_698 : vector<16xf32>
        %get3A_700 = arith.index_cast %add3A_690 : i32 to index
        %get3A_701 = arith.constant 32 : index
        %get3A_702 = tpu.vector_load %arg7[%get3A_700, %get3A_701] {strides = array<i32>} : memref<104x64xf32, #tpu.memory_space<vmem>>, vector<1x16xf32>,
        %get3A_703 = vector.shape_cast %get3A_702 : vector<1x16xf32> to vector<16xf32>
        %add3A_704 = arith.addf %scan3A_683, %get3A_703 : vector<16xf32>
        %get3A_705 = arith.index_cast %add3A_690 : i32 to index
        %get3A_706 = arith.constant 48 : index
        %get3A_707 = tpu.vector_load %arg7[%get3A_705, %get3A_706] {strides = array<i32>} : memref<104x64xf32, #tpu.memory_space<vmem>>, vector<1x16xf32>,
        %get3A_708 = vector.shape_cast %get3A_707 : vector<1x16xf32> to vector<16xf32>
        %add3A_709 = arith.addf %scan3A_684, %get3A_708 : vector<16xf32>
        %mul3A_710 = arith.constant 4 : i32
        %mul3A_711 = arith.muli %scan3A_680, %mul3A_710 : i32
        %add3A_712 = arith.constant 0 : i32
        %add3A_713 = arith.addi %add3A_712, %mul3A_711 : i32
        %add3A_714 = arith.constant 1 : i32
        %add3A_715 = arith.addi %add3A_713, %add3A_714 : i32
        %get3A_716 = arith.index_cast %add3A_715 : i32 to index
        %get3A_717 = arith.constant 0 : index
        %get3A_718 = tpu.vector_load %arg7[%get3A_716, %get3A_717] {strides = array<i32>} : memref<104x64xf32, #tpu.memory_space<vmem>>, vector<1x16xf32>,
        %get3A_719 = vector.shape_cast %get3A_718 : vector<1x16xf32> to vector<16xf32>
        %add3A_720 = arith.addf %add3A_694, %get3A_719 : vector<16xf32>
        %get3A_721 = arith.index_cast %add3A_715 : i32 to index
        %get3A_722 = arith.constant 16 : index
        %get3A_723 = tpu.vector_load %arg7[%get3A_721, %get3A_722] {strides = array<i32>} : memref<104x64xf32, #tpu.memory_space<vmem>>, vector<1x16xf32>,
        %get3A_724 = vector.shape_cast %get3A_723 : vector<1x16xf32> to vector<16xf32>
        %add3A_725 = arith.addf %add3A_699, %get3A_724 : vector<16xf32>
        %get3A_726 = arith.index_cast %add3A_715 : i32 to index
        %get3A_727 = arith.constant 32 : index
        %get3A_728 = tpu.vector_load %arg7[%get3A_726, %get3A_727] {strides = array<i32>} : memref<104x64xf32, #tpu.memory_space<vmem>>, vector<1x16xf32>,
        %get3A_729 = vector.shape_cast %get3A_728 : vector<1x16xf32> to vector<16xf32>
        %add3A_730 = arith.addf %add3A_704, %get3A_729 : vector<16xf32>
        %get3A_731 = arith.index_cast %add3A_715 : i32 to index
        %get3A_732 = arith.constant 48 : index
        %get3A_733 = tpu.vector_load %arg7[%get3A_731, %get3A_732] {strides = array<i32>} : memref<104x64xf32, #tpu.memory_space<vmem>>, vector<1x16xf32>,
        %get3A_734 = vector.shape_cast %get3A_733 : vector<1x16xf32> to vector<16xf32>
        %add3A_735 = arith.addf %add3A_709, %get3A_734 : vector<16xf32>
        %mul3A_736 = arith.constant 4 : i32
        %mul3A_737 = arith.muli %scan3A_680, %mul3A_736 : i32
        %add3A_738 = arith.constant 0 : i32
        %add3A_739 = arith.addi %add3A_738, %mul3A_737 : i32
        %add3A_740 = arith.constant 2 : i32
        %add3A_741 = arith.addi %add3A_739, %add3A_740 : i32
        %get3A_742 = arith.index_cast %add3A_741 : i32 to index
        %get3A_743 = arith.constant 0 : index
        %get3A_744 = tpu.vector_load %arg7[%get3A_742, %get3A_743] {strides = array<i32>} : memref<104x64xf32, #tpu.memory_space<vmem>>, vector<1x16xf32>,
        %get3A_745 = vector.shape_cast %get3A_744 : vector<1x16xf32> to vector<16xf32>
        %add3A_746 = arith.addf %add3A_720, %get3A_745 : vector<16xf32>
        %get3A_747 = arith.index_cast %add3A_741 : i32 to index
        %get3A_748 = arith.constant 16 : index
        %get3A_749 = tpu.vector_load %arg7[%get3A_747, %get3A_748] {strides = array<i32>} : memref<104x64xf32, #tpu.memory_space<vmem>>, vector<1x16xf32>,
        %get3A_750 = vector.shape_cast %get3A_749 : vector<1x16xf32> to vector<16xf32>
        %add3A_751 = arith.addf %add3A_725, %get3A_750 : vector<16xf32>
        %get3A_752 = arith.index_cast %add3A_741 : i32 to index
        %get3A_753 = arith.constant 32 : index
        %get3A_754 = tpu.vector_load %arg7[%get3A_752, %get3A_753] {strides = array<i32>} : memref<104x64xf32, #tpu.memory_space<vmem>>, vector<1x16xf32>,
        %get3A_755 = vector.shape_cast %get3A_754 : vector<1x16xf32> to vector<16xf32>
        %add3A_756 = arith.addf %add3A_730, %get3A_755 : vector<16xf32>
        %get3A_757 = arith.index_cast %add3A_741 : i32 to index
        %get3A_758 = arith.constant 48 : index
        %get3A_759 = tpu.vector_load %arg7[%get3A_757, %get3A_758] {strides = array<i32>} : memref<104x64xf32, #tpu.memory_space<vmem>>, vector<1x16xf32>,
        %get3A_760 = vector.shape_cast %get3A_759 : vector<1x16xf32> to vector<16xf32>
        %add3A_761 = arith.addf %add3A_735, %get3A_760 : vector<16xf32>
        %mul3A_762 = arith.constant 4 : i32
        %mul3A_763 = arith.muli %scan3A_680, %mul3A_762 : i32
        %add3A_764 = arith.constant 0 : i32
        %add3A_765 = arith.addi %add3A_764, %mul3A_763 : i32
        %add3A_766 = arith.constant 3 : i32
        %add3A_767 = arith.addi %add3A_765, %add3A_766 : i32
        %get3A_768 = arith.index_cast %add3A_767 : i32 to index
        %get3A_769 = arith.constant 0 : index
        %get3A_770 = tpu.vector_load %arg7[%get3A_768, %get3A_769] {strides = array<i32>} : memref<104x64xf32, #tpu.memory_space<vmem>>, vector<1x16xf32>,
        %get3A_771 = vector.shape_cast %get3A_770 : vector<1x16xf32> to vector<16xf32>
        %add3A_772 = arith.addf %add3A_746, %get3A_771 : vector<16xf32>
        %get3A_773 = arith.index_cast %add3A_767 : i32 to index
        %get3A_774 = arith.constant 16 : index
        %get3A_775 = tpu.vector_load %arg7[%get3A_773, %get3A_774] {strides = array<i32>} : memref<104x64xf32, #tpu.memory_space<vmem>>, vector<1x16xf32>,
        %get3A_776 = vector.shape_cast %get3A_775 : vector<1x16xf32> to vector<16xf32>
        %add3A_777 = arith.addf %add3A_751, %get3A_776 : vector<16xf32>
        %get3A_778 = arith.index_cast %add3A_767 : i32 to index
        %get3A_779 = arith.constant 32 : index
        %get3A_780 = tpu.vector_load %arg7[%get3A_778, %get3A_779] {strides = array<i32>} : memref<104x64xf32, #tpu.memory_space<vmem>>, vector<1x16xf32>,
        %get3A_781 = vector.shape_cast %get3A_780 : vector<1x16xf32> to vector<16xf32>
        %add3A_782 = arith.addf %add3A_756, %get3A_781 : vector<16xf32>
        %get3A_783 = arith.index_cast %add3A_767 : i32 to index
        %get3A_784 = arith.constant 48 : index
        %get3A_785 = tpu.vector_load %arg7[%get3A_783, %get3A_784] {strides = array<i32>} : memref<104x64xf32, #tpu.memory_space<vmem>>, vector<1x16xf32>,
        %get3A_786 = vector.shape_cast %get3A_785 : vector<1x16xf32> to vector<16xf32>
        %add3A_787 = arith.addf %add3A_761, %get3A_786 : vector<16xf32>
        scf.yield %add3A_772, %add3A_777, %add3A_782, %add3A_787 : vector<16xf32>, vector<16xf32>, vector<16xf32>, vector<16xf32>
      }
      %scan3A_156 = arith.constant 13 : i32
      %mul3A_157 = arith.constant 2 : i32
      %mul3A_158 = arith.muli %add3A_144, %mul3A_157 : i32
      %add3A_159 = arith.constant 0 : i32
      %add3A_160 = arith.addi %mul3A_158, %add3A_159 : i32
      %swap3A_161 = arith.index_cast %add3A_160 : i32 to index
      %swap3A_162 = arith.constant 0 : index
      %swap3A_163 = tpu.vector_load %arg14[%swap3A_161, %swap3A_162] {strides = array<i32>} : memref<128x64xf32, #tpu.memory_space<vmem>>, vector<1x16xf32>,
      %swap3A_164 = vector.shape_cast %swap3A_163 : vector<1x16xf32> to vector<16xf32>
      %swap3A_165 = vector.shape_cast %scan3A_155#0 : vector<16xf32> to vector<1x16xf32>
      tpu.vector_store %arg14[%swap3A_161, %swap3A_162], %swap3A_165 {strides = array<i32>} : memref<128x64xf32, #tpu.memory_space<vmem>>, vector<1x16xf32>,
      %swap3A_166 = arith.index_cast %add3A_160 : i32 to index
      %swap3A_167 = arith.constant 16 : index
      %swap3A_168 = tpu.vector_load %arg14[%swap3A_166, %swap3A_167] {strides = array<i32>} : memref<128x64xf32, #tpu.memory_space<vmem>>, vector<1x16xf32>,
      %swap3A_169 = vector.shape_cast %swap3A_168 : vector<1x16xf32> to vector<16xf32>
      %swap3A_170 = vector.shape_cast %scan3A_155#1 : vector<16xf32> to vector<1x16xf32>
      tpu.vector_store %arg14[%swap3A_166, %swap3A_167], %swap3A_170 {strides = array<i32>} : memref<128x64xf32, #tpu.memory_space<vmem>>, vector<1x16xf32>,
      %swap3A_171 = arith.index_cast %add3A_160 : i32 to index
      %swap3A_172 = arith.constant 32 : index
      %swap3A_173 = tpu.vector_load %arg14[%swap3A_171, %swap3A_172] {strides = array<i32>} : memref<128x64xf32, #tpu.memory_space<vmem>>, vector<1x16xf32>,
      %swap3A_174 = vector.shape_cast %swap3A_173 : vector<1x16xf32> to vector<16xf32>
      %swap3A_175 = vector.shape_cast %scan3A_155#2 : vector<16xf32> to vector<1x16xf32>
      tpu.vector_store %arg14[%swap3A_171, %swap3A_172], %swap3A_175 {strides = array<i32>} : memref<128x64xf32, #tpu.memory_space<vmem>>, vector<1x16xf32>,
      %swap3A_176 = arith.index_cast %add3A_160 : i32 to index
      %swap3A_177 = arith.constant 48 : index
      %swap3A_178 = tpu.vector_load %arg14[%swap3A_176, %swap3A_177] {strides = array<i32>} : memref<128x64xf32, #tpu.memory_space<vmem>>, vector<1x16xf32>,
      %swap3A_179 = vector.shape_cast %swap3A_178 : vector<1x16xf32> to vector<16xf32>
      %swap3A_180 = vector.shape_cast %scan3A_155#3 : vector<16xf32> to vector<1x16xf32>
      tpu.vector_store %arg14[%swap3A_176, %swap3A_177], %swap3A_180 {strides = array<i32>} : memref<128x64xf32, #tpu.memory_space<vmem>>, vector<1x16xf32>,
      %scan3A_181 = arith.constant 0 : i32
      %scan3A_182 = arith.constant 13 : i32
      %scan3A_183 = arith.addi %scan3A_181, %scan3A_182 : i32
      %scan3A_184 = arith.constant 1 : i32
      %scan3A_185:4 = scf.for %scan3A_680 = %scan3A_181 to %scan3A_183 step %scan3A_184 iter_args(%scan3A_681 = %broadcast_in_dim3A_56, %scan3A_682 = %broadcast_in_dim3A_58, %scan3A_683 = %broadcast_in_dim3A_60, %scan3A_684 = %broadcast_in_dim3A_62) -> (vector<16xf32>, vector<16xf32>, vector<16xf32>, vector<16xf32>)  : i32 {
        %mul3A_685 = arith.constant 4 : i32
        %mul3A_686 = arith.muli %scan3A_680, %mul3A_685 : i32
        %add3A_687 = arith.constant 52 : i32
        %add3A_688 = arith.addi %add3A_687, %mul3A_686 : i32
        %add3A_689 = arith.constant 0 : i32
        %add3A_690 = arith.addi %add3A_688, %add3A_689 : i32
        %get3A = arith.index_cast %add3A_690 : i32 to index
        %get3A_691 = arith.constant 0 : index
        %get3A_692 = tpu.vector_load %arg7[%get3A, %get3A_691] {strides = array<i32>} : memref<104x64xf32, #tpu.memory_space<vmem>>, vector<1x16xf32>,
        %get3A_693 = vector.shape_cast %get3A_692 : vector<1x16xf32> to vector<16xf32>
        %add3A_694 = arith.addf %scan3A_681, %get3A_693 : vector<16xf32>
        %get3A_695 = arith.index_cast %add3A_690 : i32 to index
        %get3A_696 = arith.constant 16 : index
        %get3A_697 = tpu.vector_load %arg7[%get3A_695, %get3A_696] {strides = array<i32>} : memref<104x64xf32, #tpu.memory_space<vmem>>, vector<1x16xf32>,
        %get3A_698 = vector.shape_cast %get3A_697 : vector<1x16xf32> to vector<16xf32>
        %add3A_699 = arith.addf %scan3A_682, %get3A_698 : vector<16xf32>
        %get3A_700 = arith.index_cast %add3A_690 : i32 to index
        %get3A_701 = arith.constant 32 : index
        %get3A_702 = tpu.vector_load %arg7[%get3A_700, %get3A_701] {strides = array<i32>} : memref<104x64xf32, #tpu.memory_space<vmem>>, vector<1x16xf32>,
        %get3A_703 = vector.shape_cast %get3A_702 : vector<1x16xf32> to vector<16xf32>
        %add3A_704 = arith.addf %scan3A_683, %get3A_703 : vector<16xf32>
        %get3A_705 = arith.index_cast %add3A_690 : i32 to index
        %get3A_706 = arith.constant 48 : index
        %get3A_707 = tpu.vector_load %arg7[%get3A_705, %get3A_706] {strides = array<i32>} : memref<104x64xf32, #tpu.memory_space<vmem>>, vector<1x16xf32>,
        %get3A_708 = vector.shape_cast %get3A_707 : vector<1x16xf32> to vector<16xf32>
        %add3A_709 = arith.addf %scan3A_684, %get3A_708 : vector<16xf32>
        %mul3A_710 = arith.constant 4 : i32
        %mul3A_711 = arith.muli %scan3A_680, %mul3A_710 : i32
        %add3A_712 = arith.constant 52 : i32
        %add3A_713 = arith.addi %add3A_712, %mul3A_711 : i32
        %add3A_714 = arith.constant 1 : i32
        %add3A_715 = arith.addi %add3A_713, %add3A_714 : i32
        %get3A_716 = arith.index_cast %add3A_715 : i32 to index
        %get3A_717 = arith.constant 0 : index
        %get3A_718 = tpu.vector_load %arg7[%get3A_716, %get3A_717] {strides = array<i32>} : memref<104x64xf32, #tpu.memory_space<vmem>>, vector<1x16xf32>,
        %get3A_719 = vector.shape_cast %get3A_718 : vector<1x16xf32> to vector<16xf32>
        %add3A_720 = arith.addf %add3A_694, %get3A_719 : vector<16xf32>
        %get3A_721 = arith.index_cast %add3A_715 : i32 to index
        %get3A_722 = arith.constant 16 : index
        %get3A_723 = tpu.vector_load %arg7[%get3A_721, %get3A_722] {strides = array<i32>} : memref<104x64xf32, #tpu.memory_space<vmem>>, vector<1x16xf32>,
        %get3A_724 = vector.shape_cast %get3A_723 : vector<1x16xf32> to vector<16xf32>
        %add3A_725 = arith.addf %add3A_699, %get3A_724 : vector<16xf32>
        %get3A_726 = arith.index_cast %add3A_715 : i32 to index
        %get3A_727 = arith.constant 32 : index
        %get3A_728 = tpu.vector_load %arg7[%get3A_726, %get3A_727] {strides = array<i32>} : memref<104x64xf32, #tpu.memory_space<vmem>>, vector<1x16xf32>,
        %get3A_729 = vector.shape_cast %get3A_728 : vector<1x16xf32> to vector<16xf32>
        %add3A_730 = arith.addf %add3A_704, %get3A_729 : vector<16xf32>
        %get3A_731 = arith.index_cast %add3A_715 : i32 to index
        %get3A_732 = arith.constant 48 : index
        %get3A_733 = tpu.vector_load %arg7[%get3A_731, %get3A_732] {strides = array<i32>} : memref<104x64xf32, #tpu.memory_space<vmem>>, vector<1x16xf32>,
        %get3A_734 = vector.shape_cast %get3A_733 : vector<1x16xf32> to vector<16xf32>
        %add3A_735 = arith.addf %add3A_709, %get3A_734 : vector<16xf32>
        %mul3A_736 = arith.constant 4 : i32
        %mul3A_737 = arith.muli %scan3A_680, %mul3A_736 : i32
        %add3A_738 = arith.constant 52 : i32
        %add3A_739 = arith.addi %add3A_738, %mul3A_737 : i32
        %add3A_740 = arith.constant 2 : i32
        %add3A_741 = arith.addi %add3A_739, %add3A_740 : i32
        %get3A_742 = arith.index_cast %add3A_741 : i32 to index
        %get3A_743 = arith.constant 0 : index
        %get3A_744 = tpu.vector_load %arg7[%get3A_742, %get3A_743] {strides = array<i32>} : memref<104x64xf32, #tpu.memory_space<vmem>>, vector<1x16xf32>,
        %get3A_745 = vector.shape_cast %get3A_744 : vector<1x16xf32> to vector<16xf32>
        %add3A_746 = arith.addf %add3A_720, %get3A_745 : vector<16xf32>
        %get3A_747 = arith.index_cast %add3A_741 : i32 to index
        %get3A_748 = arith.constant 16 : index
        %get3A_749 = tpu.vector_load %arg7[%get3A_747, %get3A_748] {strides = array<i32>} : memref<104x64xf32, #tpu.memory_space<vmem>>, vector<1x16xf32>,
        %get3A_750 = vector.shape_cast %get3A_749 : vector<1x16xf32> to vector<16xf32>
        %add3A_751 = arith.addf %add3A_725, %get3A_750 : vector<16xf32>
        %get3A_752 = arith.index_cast %add3A_741 : i32 to index
        %get3A_753 = arith.constant 32 : index
        %get3A_754 = tpu.vector_load %arg7[%get3A_752, %get3A_753] {strides = array<i32>} : memref<104x64xf32, #tpu.memory_space<vmem>>, vector<1x16xf32>,
        %get3A_755 = vector.shape_cast %get3A_754 : vector<1x16xf32> to vector<16xf32>
        %add3A_756 = arith.addf %add3A_730, %get3A_755 : vector<16xf32>
        %get3A_757 = arith.index_cast %add3A_741 : i32 to index
        %get3A_758 = arith.constant 48 : index
        %get3A_759 = tpu.vector_load %arg7[%get3A_757, %get3A_758] {strides = array<i32>} : memref<104x64xf32, #tpu.memory_space<vmem>>, vector<1x16xf32>,
        %get3A_760 = vector.shape_cast %get3A_759 : vector<1x16xf32> to vector<16xf32>
        %add3A_761 = arith.addf %add3A_735, %get3A_760 : vector<16xf32>
        %mul3A_762 = arith.constant 4 : i32
        %mul3A_763 = arith.muli %scan3A_680, %mul3A_762 : i32
        %add3A_764 = arith.constant 52 : i32
        %add3A_765 = arith.addi %add3A_764, %mul3A_763 : i32
        %add3A_766 = arith.constant 3 : i32
        %add3A_767 = arith.addi %add3A_765, %add3A_766 : i32
        %get3A_768 = arith.index_cast %add3A_767 : i32 to index
        %get3A_769 = arith.constant 0 : index
        %get3A_770 = tpu.vector_load %arg7[%get3A_768, %get3A_769] {strides = array<i32>} : memref<104x64xf32, #tpu.memory_space<vmem>>, vector<1x16xf32>,
        %get3A_771 = vector.shape_cast %get3A_770 : vector<1x16xf32> to vector<16xf32>
        %add3A_772 = arith.addf %add3A_746, %get3A_771 : vector<16xf32>
        %get3A_773 = arith.index_cast %add3A_767 : i32 to index
        %get3A_774 = arith.constant 16 : index
        %get3A_775 = tpu.vector_load %arg7[%get3A_773, %get3A_774] {strides = array<i32>} : memref<104x64xf32, #tpu.memory_space<vmem>>, vector<1x16xf32>,
        %get3A_776 = vector.shape_cast %get3A_775 : vector<1x16xf32> to vector<16xf32>
        %add3A_777 = arith.addf %add3A_751, %get3A_776 : vector<16xf32>
        %get3A_778 = arith.index_cast %add3A_767 : i32 to index
        %get3A_779 = arith.constant 32 : index
        %get3A_780 = tpu.vector_load %arg7[%get3A_778, %get3A_779] {strides = array<i32>} : memref<104x64xf32, #tpu.memory_space<vmem>>, vector<1x16xf32>,
        %get3A_781 = vector.shape_cast %get3A_780 : vector<1x16xf32> to vector<16xf32>
        %add3A_782 = arith.addf %add3A_756, %get3A_781 : vector<16xf32>
        %get3A_783 = arith.index_cast %add3A_767 : i32 to index
        %get3A_784 = arith.constant 48 : index
        %get3A_785 = tpu.vector_load %arg7[%get3A_783, %get3A_784] {strides = array<i32>} : memref<104x64xf32, #tpu.memory_space<vmem>>, vector<1x16xf32>,
        %get3A_786 = vector.shape_cast %get3A_785 : vector<1x16xf32> to vector<16xf32>
        %add3A_787 = arith.addf %add3A_761, %get3A_786 : vector<16xf32>
        scf.yield %add3A_772, %add3A_777, %add3A_782, %add3A_787 : vector<16xf32>, vector<16xf32>, vector<16xf32>, vector<16xf32>
      }
      %scan3A_186 = arith.constant 13 : i32
      %mul3A_187 = arith.constant 2 : i32
      %mul3A_188 = arith.muli %add3A_144, %mul3A_187 : i32
      %add3A_189 = arith.constant 1 : i32
      %add3A_190 = arith.addi %mul3A_188, %add3A_189 : i32
      %swap3A_191 = arith.index_cast %add3A_190 : i32 to index
      %swap3A_192 = arith.constant 0 : index
      %swap3A_193 = tpu.vector_load %arg14[%swap3A_191, %swap3A_192] {strides = array<i32>} : memref<128x64xf32, #tpu.memory_space<vmem>>, vector<1x16xf32>,
      %swap3A_194 = vector.shape_cast %swap3A_193 : vector<1x16xf32> to vector<16xf32>
      %swap3A_195 = vector.shape_cast %scan3A_185#0 : vector<16xf32> to vector<1x16xf32>
      tpu.vector_store %arg14[%swap3A_191, %swap3A_192], %swap3A_195 {strides = array<i32>} : memref<128x64xf32, #tpu.memory_space<vmem>>, vector<1x16xf32>,
      %swap3A_196 = arith.index_cast %add3A_190 : i32 to index
      %swap3A_197 = arith.constant 16 : index
      %swap3A_198 = tpu.vector_load %arg14[%swap3A_196, %swap3A_197] {strides = array<i32>} : memref<128x64xf32, #tpu.memory_space<vmem>>, vector<1x16xf32>,
      %swap3A_199 = vector.shape_cast %swap3A_198 : vector<1x16xf32> to vector<16xf32>
      %swap3A_200 = vector.shape_cast %scan3A_185#1 : vector<16xf32> to vector<1x16xf32>
      tpu.vector_store %arg14[%swap3A_196, %swap3A_197], %swap3A_200 {strides = array<i32>} : memref<128x64xf32, #tpu.memory_space<vmem>>, vector<1x16xf32>,
      %swap3A_201 = arith.index_cast %add3A_190 : i32 to index
      %swap3A_202 = arith.constant 32 : index
      %swap3A_203 = tpu.vector_load %arg14[%swap3A_201, %swap3A_202] {strides = array<i32>} : memref<128x64xf32, #tpu.memory_space<vmem>>, vector<1x16xf32>,
      %swap3A_204 = vector.shape_cast %swap3A_203 : vector<1x16xf32> to vector<16xf32>
      %swap3A_205 = vector.shape_cast %scan3A_185#2 : vector<16xf32> to vector<1x16xf32>
      tpu.vector_store %arg14[%swap3A_201, %swap3A_202], %swap3A_205 {strides = array<i32>} : memref<128x64xf32, #tpu.memory_space<vmem>>, vector<1x16xf32>,
      %swap3A_206 = arith.index_cast %add3A_190 : i32 to index
      %swap3A_207 = arith.constant 48 : index
      %swap3A_208 = tpu.vector_load %arg14[%swap3A_206, %swap3A_207] {strides = array<i32>} : memref<128x64xf32, #tpu.memory_space<vmem>>, vector<1x16xf32>,
      %swap3A_209 = vector.shape_cast %swap3A_208 : vector<1x16xf32> to vector<16xf32>
      %swap3A_210 = vector.shape_cast %scan3A_185#3 : vector<16xf32> to vector<1x16xf32>
      tpu.vector_store %arg14[%swap3A_206, %swap3A_207], %swap3A_210 {strides = array<i32>} : memref<128x64xf32, #tpu.memory_space<vmem>>, vector<1x16xf32>,
      %add3A_211 = arith.constant 8 : i32
      %add3A_212 = arith.addi %add3A_144, %add3A_211 : i32
      %lt3A_213 = arith.constant 64 : i32
      %lt3A_214 = arith.cmpi slt, %add3A_212, %lt3A_213 : i32
      %convert_element_type3A_215 = arith.extui %lt3A_214 : i1 to i32
      %cond3A_216 = arith.constant 0 : i32
      %cond3A_217 = arith.cmpi ne, %convert_element_type3A_215, %cond3A_216 : i32
      scf.if %cond3A_217 {
        %add3A_680 = arith.constant 8 : i32
        %add3A_681 = arith.addi %add3A_144, %add3A_680 : i32
        %dma_start3A_682 = arith.constant 0 : i32
        %dma_start3A_683 = tpu.memref_slice %arg5[%add3A_681, %dma_start3A_682] : memref<64x104xi32, #tpu.memory_space<vmem>> -> memref<1x104xi32, #tpu.memory_space<vmem>>
        %dma_start3A_684 = tpu.memref_squeeze %dma_start3A_683 : memref<1x104xi32, #tpu.memory_space<vmem>> -> memref<104xi32, #tpu.memory_space<vmem>>
        %dma_start3A_685 = arith.constant 0 : i32
        %dma_start3A_686 = arith.constant 0 : i32
        %dma_start3A_687 = tpu.memref_slice %arg3[%dma_start3A_685, %dma_start3A_686] : memref<100001x64xf32, #tpu.memory_space<hbm>> -> memref<100001x64xf32, #tpu.memory_space<hbm>>
        tpu.enqueue_indirect_dma source(%dma_start3A_687 : memref<100001x64xf32, #tpu.memory_space<hbm>>) target(%arg7 : memref<104x64xf32, #tpu.memory_space<vmem>>) offsets(%dma_start3A_684 : memref<104xi32, #tpu.memory_space<vmem>>) semaphore(%arg16 : memref<!tpu.dma_semaphore, #tpu.memory_space<semaphore_mem>>)
      } else {
      }
      %mul3A_218 = arith.constant 8 : i32
      %mul3A_219 = arith.muli %scan3A_68, %mul3A_218 : i32
      %add3A_220 = arith.constant 2 : i32
      %add3A_221 = arith.addi %mul3A_219, %add3A_220 : i32
      %dma_wait3A_222 = arith.constant 0 : i32
      %dma_wait3A_223 = arith.constant 0 : i32
      %dma_wait3A_224 = tpu.memref_slice %arg3[%dma_wait3A_222, %dma_wait3A_223] : memref<100001x64xf32, #tpu.memory_space<hbm>> -> memref<104x64xf32, #tpu.memory_space<hbm>>
      %dma_wait3A_225 = arith.constant 0 : i32
      %dma_wait3A_226 = arith.constant 0 : i32
      %dma_wait3A_227 = tpu.memref_slice %arg3[%dma_wait3A_225, %dma_wait3A_226] : memref<100001x64xf32, #tpu.memory_space<hbm>> -> memref<104x64xf32, #tpu.memory_space<hbm>>
      tpu.wait_dma2 semaphore(%arg17 : memref<!tpu.dma_semaphore, #tpu.memory_space<semaphore_mem>>) src(%dma_wait3A_227 : memref<104x64xf32, #tpu.memory_space<hbm>>) dst(%arg8 : memref<104x64xf32, #tpu.memory_space<vmem>>)
      %scan3A_228 = arith.constant 0 : i32
      %scan3A_229 = arith.constant 13 : i32
      %scan3A_230 = arith.addi %scan3A_228, %scan3A_229 : i32
      %scan3A_231 = arith.constant 1 : i32
      %scan3A_232:4 = scf.for %scan3A_680 = %scan3A_228 to %scan3A_230 step %scan3A_231 iter_args(%scan3A_681 = %broadcast_in_dim3A_56, %scan3A_682 = %broadcast_in_dim3A_58, %scan3A_683 = %broadcast_in_dim3A_60, %scan3A_684 = %broadcast_in_dim3A_62) -> (vector<16xf32>, vector<16xf32>, vector<16xf32>, vector<16xf32>)  : i32 {
        %mul3A_685 = arith.constant 4 : i32
        %mul3A_686 = arith.muli %scan3A_680, %mul3A_685 : i32
        %add3A_687 = arith.constant 0 : i32
        %add3A_688 = arith.addi %add3A_687, %mul3A_686 : i32
        %add3A_689 = arith.constant 0 : i32
        %add3A_690 = arith.addi %add3A_688, %add3A_689 : i32
        %get3A = arith.index_cast %add3A_690 : i32 to index
        %get3A_691 = arith.constant 0 : index
        %get3A_692 = tpu.vector_load %arg8[%get3A, %get3A_691] {strides = array<i32>} : memref<104x64xf32, #tpu.memory_space<vmem>>, vector<1x16xf32>,
        %get3A_693 = vector.shape_cast %get3A_692 : vector<1x16xf32> to vector<16xf32>
        %add3A_694 = arith.addf %scan3A_681, %get3A_693 : vector<16xf32>
        %get3A_695 = arith.index_cast %add3A_690 : i32 to index
        %get3A_696 = arith.constant 16 : index
        %get3A_697 = tpu.vector_load %arg8[%get3A_695, %get3A_696] {strides = array<i32>} : memref<104x64xf32, #tpu.memory_space<vmem>>, vector<1x16xf32>,
        %get3A_698 = vector.shape_cast %get3A_697 : vector<1x16xf32> to vector<16xf32>
        %add3A_699 = arith.addf %scan3A_682, %get3A_698 : vector<16xf32>
        %get3A_700 = arith.index_cast %add3A_690 : i32 to index
        %get3A_701 = arith.constant 32 : index
        %get3A_702 = tpu.vector_load %arg8[%get3A_700, %get3A_701] {strides = array<i32>} : memref<104x64xf32, #tpu.memory_space<vmem>>, vector<1x16xf32>,
        %get3A_703 = vector.shape_cast %get3A_702 : vector<1x16xf32> to vector<16xf32>
        %add3A_704 = arith.addf %scan3A_683, %get3A_703 : vector<16xf32>
        %get3A_705 = arith.index_cast %add3A_690 : i32 to index
        %get3A_706 = arith.constant 48 : index
        %get3A_707 = tpu.vector_load %arg8[%get3A_705, %get3A_706] {strides = array<i32>} : memref<104x64xf32, #tpu.memory_space<vmem>>, vector<1x16xf32>,
        %get3A_708 = vector.shape_cast %get3A_707 : vector<1x16xf32> to vector<16xf32>
        %add3A_709 = arith.addf %scan3A_684, %get3A_708 : vector<16xf32>
        %mul3A_710 = arith.constant 4 : i32
        %mul3A_711 = arith.muli %scan3A_680, %mul3A_710 : i32
        %add3A_712 = arith.constant 0 : i32
        %add3A_713 = arith.addi %add3A_712, %mul3A_711 : i32
        %add3A_714 = arith.constant 1 : i32
        %add3A_715 = arith.addi %add3A_713, %add3A_714 : i32
        %get3A_716 = arith.index_cast %add3A_715 : i32 to index
        %get3A_717 = arith.constant 0 : index
        %get3A_718 = tpu.vector_load %arg8[%get3A_716, %get3A_717] {strides = array<i32>} : memref<104x64xf32, #tpu.memory_space<vmem>>, vector<1x16xf32>,
        %get3A_719 = vector.shape_cast %get3A_718 : vector<1x16xf32> to vector<16xf32>
        %add3A_720 = arith.addf %add3A_694, %get3A_719 : vector<16xf32>
        %get3A_721 = arith.index_cast %add3A_715 : i32 to index
        %get3A_722 = arith.constant 16 : index
        %get3A_723 = tpu.vector_load %arg8[%get3A_721, %get3A_722] {strides = array<i32>} : memref<104x64xf32, #tpu.memory_space<vmem>>, vector<1x16xf32>,
        %get3A_724 = vector.shape_cast %get3A_723 : vector<1x16xf32> to vector<16xf32>
        %add3A_725 = arith.addf %add3A_699, %get3A_724 : vector<16xf32>
        %get3A_726 = arith.index_cast %add3A_715 : i32 to index
        %get3A_727 = arith.constant 32 : index
        %get3A_728 = tpu.vector_load %arg8[%get3A_726, %get3A_727] {strides = array<i32>} : memref<104x64xf32, #tpu.memory_space<vmem>>, vector<1x16xf32>,
        %get3A_729 = vector.shape_cast %get3A_728 : vector<1x16xf32> to vector<16xf32>
        %add3A_730 = arith.addf %add3A_704, %get3A_729 : vector<16xf32>
        %get3A_731 = arith.index_cast %add3A_715 : i32 to index
        %get3A_732 = arith.constant 48 : index
        %get3A_733 = tpu.vector_load %arg8[%get3A_731, %get3A_732] {strides = array<i32>} : memref<104x64xf32, #tpu.memory_space<vmem>>, vector<1x16xf32>,
        %get3A_734 = vector.shape_cast %get3A_733 : vector<1x16xf32> to vector<16xf32>
        %add3A_735 = arith.addf %add3A_709, %get3A_734 : vector<16xf32>
        %mul3A_736 = arith.constant 4 : i32
        %mul3A_737 = arith.muli %scan3A_680, %mul3A_736 : i32
        %add3A_738 = arith.constant 0 : i32
        %add3A_739 = arith.addi %add3A_738, %mul3A_737 : i32
        %add3A_740 = arith.constant 2 : i32
        %add3A_741 = arith.addi %add3A_739, %add3A_740 : i32
        %get3A_742 = arith.index_cast %add3A_741 : i32 to index
        %get3A_743 = arith.constant 0 : index
        %get3A_744 = tpu.vector_load %arg8[%get3A_742, %get3A_743] {strides = array<i32>} : memref<104x64xf32, #tpu.memory_space<vmem>>, vector<1x16xf32>,
        %get3A_745 = vector.shape_cast %get3A_744 : vector<1x16xf32> to vector<16xf32>
        %add3A_746 = arith.addf %add3A_720, %get3A_745 : vector<16xf32>
        %get3A_747 = arith.index_cast %add3A_741 : i32 to index
        %get3A_748 = arith.constant 16 : index
        %get3A_749 = tpu.vector_load %arg8[%get3A_747, %get3A_748] {strides = array<i32>} : memref<104x64xf32, #tpu.memory_space<vmem>>, vector<1x16xf32>,
        %get3A_750 = vector.shape_cast %get3A_749 : vector<1x16xf32> to vector<16xf32>
        %add3A_751 = arith.addf %add3A_725, %get3A_750 : vector<16xf32>
        %get3A_752 = arith.index_cast %add3A_741 : i32 to index
        %get3A_753 = arith.constant 32 : index
        %get3A_754 = tpu.vector_load %arg8[%get3A_752, %get3A_753] {strides = array<i32>} : memref<104x64xf32, #tpu.memory_space<vmem>>, vector<1x16xf32>,
        %get3A_755 = vector.shape_cast %get3A_754 : vector<1x16xf32> to vector<16xf32>
        %add3A_756 = arith.addf %add3A_730, %get3A_755 : vector<16xf32>
        %get3A_757 = arith.index_cast %add3A_741 : i32 to index
        %get3A_758 = arith.constant 48 : index
        %get3A_759 = tpu.vector_load %arg8[%get3A_757, %get3A_758] {strides = array<i32>} : memref<104x64xf32, #tpu.memory_space<vmem>>, vector<1x16xf32>,
        %get3A_760 = vector.shape_cast %get3A_759 : vector<1x16xf32> to vector<16xf32>
        %add3A_761 = arith.addf %add3A_735, %get3A_760 : vector<16xf32>
        %mul3A_762 = arith.constant 4 : i32
        %mul3A_763 = arith.muli %scan3A_680, %mul3A_762 : i32
        %add3A_764 = arith.constant 0 : i32
        %add3A_765 = arith.addi %add3A_764, %mul3A_763 : i32
        %add3A_766 = arith.constant 3 : i32
        %add3A_767 = arith.addi %add3A_765, %add3A_766 : i32
        %get3A_768 = arith.index_cast %add3A_767 : i32 to index
        %get3A_769 = arith.constant 0 : index
        %get3A_770 = tpu.vector_load %arg8[%get3A_768, %get3A_769] {strides = array<i32>} : memref<104x64xf32, #tpu.memory_space<vmem>>, vector<1x16xf32>,
        %get3A_771 = vector.shape_cast %get3A_770 : vector<1x16xf32> to vector<16xf32>
        %add3A_772 = arith.addf %add3A_746, %get3A_771 : vector<16xf32>
        %get3A_773 = arith.index_cast %add3A_767 : i32 to index
        %get3A_774 = arith.constant 16 : index
        %get3A_775 = tpu.vector_load %arg8[%get3A_773, %get3A_774] {strides = array<i32>} : memref<104x64xf32, #tpu.memory_space<vmem>>, vector<1x16xf32>,
        %get3A_776 = vector.shape_cast %get3A_775 : vector<1x16xf32> to vector<16xf32>
        %add3A_777 = arith.addf %add3A_751, %get3A_776 : vector<16xf32>
        %get3A_778 = arith.index_cast %add3A_767 : i32 to index
        %get3A_779 = arith.constant 32 : index
        %get3A_780 = tpu.vector_load %arg8[%get3A_778, %get3A_779] {strides = array<i32>} : memref<104x64xf32, #tpu.memory_space<vmem>>, vector<1x16xf32>,
        %get3A_781 = vector.shape_cast %get3A_780 : vector<1x16xf32> to vector<16xf32>
        %add3A_782 = arith.addf %add3A_756, %get3A_781 : vector<16xf32>
        %get3A_783 = arith.index_cast %add3A_767 : i32 to index
        %get3A_784 = arith.constant 48 : index
        %get3A_785 = tpu.vector_load %arg8[%get3A_783, %get3A_784] {strides = array<i32>} : memref<104x64xf32, #tpu.memory_space<vmem>>, vector<1x16xf32>,
        %get3A_786 = vector.shape_cast %get3A_785 : vector<1x16xf32> to vector<16xf32>
        %add3A_787 = arith.addf %add3A_761, %get3A_786 : vector<16xf32>
        scf.yield %add3A_772, %add3A_777, %add3A_782, %add3A_787 : vector<16xf32>, vector<16xf32>, vector<16xf32>, vector<16xf32>
      }
      %scan3A_233 = arith.constant 13 : i32
      %mul3A_234 = arith.constant 2 : i32
      %mul3A_235 = arith.muli %add3A_221, %mul3A_234 : i32
      %add3A_236 = arith.constant 0 : i32
      %add3A_237 = arith.addi %mul3A_235, %add3A_236 : i32
      %swap3A_238 = arith.index_cast %add3A_237 : i32 to index
      %swap3A_239 = arith.constant 0 : index
      %swap3A_240 = tpu.vector_load %arg14[%swap3A_238, %swap3A_239] {strides = array<i32>} : memref<128x64xf32, #tpu.memory_space<vmem>>, vector<1x16xf32>,
      %swap3A_241 = vector.shape_cast %swap3A_240 : vector<1x16xf32> to vector<16xf32>
      %swap3A_242 = vector.shape_cast %scan3A_232#0 : vector<16xf32> to vector<1x16xf32>
      tpu.vector_store %arg14[%swap3A_238, %swap3A_239], %swap3A_242 {strides = array<i32>} : memref<128x64xf32, #tpu.memory_space<vmem>>, vector<1x16xf32>,
      %swap3A_243 = arith.index_cast %add3A_237 : i32 to index
      %swap3A_244 = arith.constant 16 : index
      %swap3A_245 = tpu.vector_load %arg14[%swap3A_243, %swap3A_244] {strides = array<i32>} : memref<128x64xf32, #tpu.memory_space<vmem>>, vector<1x16xf32>,
      %swap3A_246 = vector.shape_cast %swap3A_245 : vector<1x16xf32> to vector<16xf32>
      %swap3A_247 = vector.shape_cast %scan3A_232#1 : vector<16xf32> to vector<1x16xf32>
      tpu.vector_store %arg14[%swap3A_243, %swap3A_244], %swap3A_247 {strides = array<i32>} : memref<128x64xf32, #tpu.memory_space<vmem>>, vector<1x16xf32>,
      %swap3A_248 = arith.index_cast %add3A_237 : i32 to index
      %swap3A_249 = arith.constant 32 : index
      %swap3A_250 = tpu.vector_load %arg14[%swap3A_248, %swap3A_249] {strides = array<i32>} : memref<128x64xf32, #tpu.memory_space<vmem>>, vector<1x16xf32>,
      %swap3A_251 = vector.shape_cast %swap3A_250 : vector<1x16xf32> to vector<16xf32>
      %swap3A_252 = vector.shape_cast %scan3A_232#2 : vector<16xf32> to vector<1x16xf32>
      tpu.vector_store %arg14[%swap3A_248, %swap3A_249], %swap3A_252 {strides = array<i32>} : memref<128x64xf32, #tpu.memory_space<vmem>>, vector<1x16xf32>,
      %swap3A_253 = arith.index_cast %add3A_237 : i32 to index
      %swap3A_254 = arith.constant 48 : index
      %swap3A_255 = tpu.vector_load %arg14[%swap3A_253, %swap3A_254] {strides = array<i32>} : memref<128x64xf32, #tpu.memory_space<vmem>>, vector<1x16xf32>,
      %swap3A_256 = vector.shape_cast %swap3A_255 : vector<1x16xf32> to vector<16xf32>
      %swap3A_257 = vector.shape_cast %scan3A_232#3 : vector<16xf32> to vector<1x16xf32>
      tpu.vector_store %arg14[%swap3A_253, %swap3A_254], %swap3A_257 {strides = array<i32>} : memref<128x64xf32, #tpu.memory_space<vmem>>, vector<1x16xf32>,
      %scan3A_258 = arith.constant 0 : i32
      %scan3A_259 = arith.constant 13 : i32
      %scan3A_260 = arith.addi %scan3A_258, %scan3A_259 : i32
      %scan3A_261 = arith.constant 1 : i32
      %scan3A_262:4 = scf.for %scan3A_680 = %scan3A_258 to %scan3A_260 step %scan3A_261 iter_args(%scan3A_681 = %broadcast_in_dim3A_56, %scan3A_682 = %broadcast_in_dim3A_58, %scan3A_683 = %broadcast_in_dim3A_60, %scan3A_684 = %broadcast_in_dim3A_62) -> (vector<16xf32>, vector<16xf32>, vector<16xf32>, vector<16xf32>)  : i32 {
        %mul3A_685 = arith.constant 4 : i32
        %mul3A_686 = arith.muli %scan3A_680, %mul3A_685 : i32
        %add3A_687 = arith.constant 52 : i32
        %add3A_688 = arith.addi %add3A_687, %mul3A_686 : i32
        %add3A_689 = arith.constant 0 : i32
        %add3A_690 = arith.addi %add3A_688, %add3A_689 : i32
        %get3A = arith.index_cast %add3A_690 : i32 to index
        %get3A_691 = arith.constant 0 : index
        %get3A_692 = tpu.vector_load %arg8[%get3A, %get3A_691] {strides = array<i32>} : memref<104x64xf32, #tpu.memory_space<vmem>>, vector<1x16xf32>,
        %get3A_693 = vector.shape_cast %get3A_692 : vector<1x16xf32> to vector<16xf32>
        %add3A_694 = arith.addf %scan3A_681, %get3A_693 : vector<16xf32>
        %get3A_695 = arith.index_cast %add3A_690 : i32 to index
        %get3A_696 = arith.constant 16 : index
        %get3A_697 = tpu.vector_load %arg8[%get3A_695, %get3A_696] {strides = array<i32>} : memref<104x64xf32, #tpu.memory_space<vmem>>, vector<1x16xf32>,
        %get3A_698 = vector.shape_cast %get3A_697 : vector<1x16xf32> to vector<16xf32>
        %add3A_699 = arith.addf %scan3A_682, %get3A_698 : vector<16xf32>
        %get3A_700 = arith.index_cast %add3A_690 : i32 to index
        %get3A_701 = arith.constant 32 : index
        %get3A_702 = tpu.vector_load %arg8[%get3A_700, %get3A_701] {strides = array<i32>} : memref<104x64xf32, #tpu.memory_space<vmem>>, vector<1x16xf32>,
        %get3A_703 = vector.shape_cast %get3A_702 : vector<1x16xf32> to vector<16xf32>
        %add3A_704 = arith.addf %scan3A_683, %get3A_703 : vector<16xf32>
        %get3A_705 = arith.index_cast %add3A_690 : i32 to index
        %get3A_706 = arith.constant 48 : index
        %get3A_707 = tpu.vector_load %arg8[%get3A_705, %get3A_706] {strides = array<i32>} : memref<104x64xf32, #tpu.memory_space<vmem>>, vector<1x16xf32>,
        %get3A_708 = vector.shape_cast %get3A_707 : vector<1x16xf32> to vector<16xf32>
        %add3A_709 = arith.addf %scan3A_684, %get3A_708 : vector<16xf32>
        %mul3A_710 = arith.constant 4 : i32
        %mul3A_711 = arith.muli %scan3A_680, %mul3A_710 : i32
        %add3A_712 = arith.constant 52 : i32
        %add3A_713 = arith.addi %add3A_712, %mul3A_711 : i32
        %add3A_714 = arith.constant 1 : i32
        %add3A_715 = arith.addi %add3A_713, %add3A_714 : i32
        %get3A_716 = arith.index_cast %add3A_715 : i32 to index
        %get3A_717 = arith.constant 0 : index
        %get3A_718 = tpu.vector_load %arg8[%get3A_716, %get3A_717] {strides = array<i32>} : memref<104x64xf32, #tpu.memory_space<vmem>>, vector<1x16xf32>,
        %get3A_719 = vector.shape_cast %get3A_718 : vector<1x16xf32> to vector<16xf32>
        %add3A_720 = arith.addf %add3A_694, %get3A_719 : vector<16xf32>
        %get3A_721 = arith.index_cast %add3A_715 : i32 to index
        %get3A_722 = arith.constant 16 : index
        %get3A_723 = tpu.vector_load %arg8[%get3A_721, %get3A_722] {strides = array<i32>} : memref<104x64xf32, #tpu.memory_space<vmem>>, vector<1x16xf32>,
        %get3A_724 = vector.shape_cast %get3A_723 : vector<1x16xf32> to vector<16xf32>
        %add3A_725 = arith.addf %add3A_699, %get3A_724 : vector<16xf32>
        %get3A_726 = arith.index_cast %add3A_715 : i32 to index
        %get3A_727 = arith.constant 32 : index
        %get3A_728 = tpu.vector_load %arg8[%get3A_726, %get3A_727] {strides = array<i32>} : memref<104x64xf32, #tpu.memory_space<vmem>>, vector<1x16xf32>,
        %get3A_729 = vector.shape_cast %get3A_728 : vector<1x16xf32> to vector<16xf32>
        %add3A_730 = arith.addf %add3A_704, %get3A_729 : vector<16xf32>
        %get3A_731 = arith.index_cast %add3A_715 : i32 to index
        %get3A_732 = arith.constant 48 : index
        %get3A_733 = tpu.vector_load %arg8[%get3A_731, %get3A_732] {strides = array<i32>} : memref<104x64xf32, #tpu.memory_space<vmem>>, vector<1x16xf32>,
        %get3A_734 = vector.shape_cast %get3A_733 : vector<1x16xf32> to vector<16xf32>
        %add3A_735 = arith.addf %add3A_709, %get3A_734 : vector<16xf32>
        %mul3A_736 = arith.constant 4 : i32
        %mul3A_737 = arith.muli %scan3A_680, %mul3A_736 : i32
        %add3A_738 = arith.constant 52 : i32
        %add3A_739 = arith.addi %add3A_738, %mul3A_737 : i32
        %add3A_740 = arith.constant 2 : i32
        %add3A_741 = arith.addi %add3A_739, %add3A_740 : i32
        %get3A_742 = arith.index_cast %add3A_741 : i32 to index
        %get3A_743 = arith.constant 0 : index
        %get3A_744 = tpu.vector_load %arg8[%get3A_742, %get3A_743] {strides = array<i32>} : memref<104x64xf32, #tpu.memory_space<vmem>>, vector<1x16xf32>,
        %get3A_745 = vector.shape_cast %get3A_744 : vector<1x16xf32> to vector<16xf32>
        %add3A_746 = arith.addf %add3A_720, %get3A_745 : vector<16xf32>
        %get3A_747 = arith.index_cast %add3A_741 : i32 to index
        %get3A_748 = arith.constant 16 : index
        %get3A_749 = tpu.vector_load %arg8[%get3A_747, %get3A_748] {strides = array<i32>} : memref<104x64xf32, #tpu.memory_space<vmem>>, vector<1x16xf32>,
        %get3A_750 = vector.shape_cast %get3A_749 : vector<1x16xf32> to vector<16xf32>
        %add3A_751 = arith.addf %add3A_725, %get3A_750 : vector<16xf32>
        %get3A_752 = arith.index_cast %add3A_741 : i32 to index
        %get3A_753 = arith.constant 32 : index
        %get3A_754 = tpu.vector_load %arg8[%get3A_752, %get3A_753] {strides = array<i32>} : memref<104x64xf32, #tpu.memory_space<vmem>>, vector<1x16xf32>,
        %get3A_755 = vector.shape_cast %get3A_754 : vector<1x16xf32> to vector<16xf32>
        %add3A_756 = arith.addf %add3A_730, %get3A_755 : vector<16xf32>
        %get3A_757 = arith.index_cast %add3A_741 : i32 to index
        %get3A_758 = arith.constant 48 : index
        %get3A_759 = tpu.vector_load %arg8[%get3A_757, %get3A_758] {strides = array<i32>} : memref<104x64xf32, #tpu.memory_space<vmem>>, vector<1x16xf32>,
        %get3A_760 = vector.shape_cast %get3A_759 : vector<1x16xf32> to vector<16xf32>
        %add3A_761 = arith.addf %add3A_735, %get3A_760 : vector<16xf32>
        %mul3A_762 = arith.constant 4 : i32
        %mul3A_763 = arith.muli %scan3A_680, %mul3A_762 : i32
        %add3A_764 = arith.constant 52 : i32
        %add3A_765 = arith.addi %add3A_764, %mul3A_763 : i32
        %add3A_766 = arith.constant 3 : i32
        %add3A_767 = arith.addi %add3A_765, %add3A_766 : i32
        %get3A_768 = arith.index_cast %add3A_767 : i32 to index
        %get3A_769 = arith.constant 0 : index
        %get3A_770 = tpu.vector_load %arg8[%get3A_768, %get3A_769] {strides = array<i32>} : memref<104x64xf32, #tpu.memory_space<vmem>>, vector<1x16xf32>,
        %get3A_771 = vector.shape_cast %get3A_770 : vector<1x16xf32> to vector<16xf32>
        %add3A_772 = arith.addf %add3A_746, %get3A_771 : vector<16xf32>
        %get3A_773 = arith.index_cast %add3A_767 : i32 to index
        %get3A_774 = arith.constant 16 : index
        %get3A_775 = tpu.vector_load %arg8[%get3A_773, %get3A_774] {strides = array<i32>} : memref<104x64xf32, #tpu.memory_space<vmem>>, vector<1x16xf32>,
        %get3A_776 = vector.shape_cast %get3A_775 : vector<1x16xf32> to vector<16xf32>
        %add3A_777 = arith.addf %add3A_751, %get3A_776 : vector<16xf32>
        %get3A_778 = arith.index_cast %add3A_767 : i32 to index
        %get3A_779 = arith.constant 32 : index
        %get3A_780 = tpu.vector_load %arg8[%get3A_778, %get3A_779] {strides = array<i32>} : memref<104x64xf32, #tpu.memory_space<vmem>>, vector<1x16xf32>,
        %get3A_781 = vector.shape_cast %get3A_780 : vector<1x16xf32> to vector<16xf32>
        %add3A_782 = arith.addf %add3A_756, %get3A_781 : vector<16xf32>
        %get3A_783 = arith.index_cast %add3A_767 : i32 to index
        %get3A_784 = arith.constant 48 : index
        %get3A_785 = tpu.vector_load %arg8[%get3A_783, %get3A_784] {strides = array<i32>} : memref<104x64xf32, #tpu.memory_space<vmem>>, vector<1x16xf32>,
        %get3A_786 = vector.shape_cast %get3A_785 : vector<1x16xf32> to vector<16xf32>
        %add3A_787 = arith.addf %add3A_761, %get3A_786 : vector<16xf32>
        scf.yield %add3A_772, %add3A_777, %add3A_782, %add3A_787 : vector<16xf32>, vector<16xf32>, vector<16xf32>, vector<16xf32>
      }
      %scan3A_263 = arith.constant 13 : i32
      %mul3A_264 = arith.constant 2 : i32
      %mul3A_265 = arith.muli %add3A_221, %mul3A_264 : i32
      %add3A_266 = arith.constant 1 : i32
      %add3A_267 = arith.addi %mul3A_265, %add3A_266 : i32
      %swap3A_268 = arith.index_cast %add3A_267 : i32 to index
      %swap3A_269 = arith.constant 0 : index
      %swap3A_270 = tpu.vector_load %arg14[%swap3A_268, %swap3A_269] {strides = array<i32>} : memref<128x64xf32, #tpu.memory_space<vmem>>, vector<1x16xf32>,
      %swap3A_271 = vector.shape_cast %swap3A_270 : vector<1x16xf32> to vector<16xf32>
      %swap3A_272 = vector.shape_cast %scan3A_262#0 : vector<16xf32> to vector<1x16xf32>
      tpu.vector_store %arg14[%swap3A_268, %swap3A_269], %swap3A_272 {strides = array<i32>} : memref<128x64xf32, #tpu.memory_space<vmem>>, vector<1x16xf32>,
      %swap3A_273 = arith.index_cast %add3A_267 : i32 to index
      %swap3A_274 = arith.constant 16 : index
      %swap3A_275 = tpu.vector_load %arg14[%swap3A_273, %swap3A_274] {strides = array<i32>} : memref<128x64xf32, #tpu.memory_space<vmem>>, vector<1x16xf32>,
      %swap3A_276 = vector.shape_cast %swap3A_275 : vector<1x16xf32> to vector<16xf32>
      %swap3A_277 = vector.shape_cast %scan3A_262#1 : vector<16xf32> to vector<1x16xf32>
      tpu.vector_store %arg14[%swap3A_273, %swap3A_274], %swap3A_277 {strides = array<i32>} : memref<128x64xf32, #tpu.memory_space<vmem>>, vector<1x16xf32>,
      %swap3A_278 = arith.index_cast %add3A_267 : i32 to index
      %swap3A_279 = arith.constant 32 : index
      %swap3A_280 = tpu.vector_load %arg14[%swap3A_278, %swap3A_279] {strides = array<i32>} : memref<128x64xf32, #tpu.memory_space<vmem>>, vector<1x16xf32>,
      %swap3A_281 = vector.shape_cast %swap3A_280 : vector<1x16xf32> to vector<16xf32>
      %swap3A_282 = vector.shape_cast %scan3A_262#2 : vector<16xf32> to vector<1x16xf32>
      tpu.vector_store %arg14[%swap3A_278, %swap3A_279], %swap3A_282 {strides = array<i32>} : memref<128x64xf32, #tpu.memory_space<vmem>>, vector<1x16xf32>,
      %swap3A_283 = arith.index_cast %add3A_267 : i32 to index
      %swap3A_284 = arith.constant 48 : index
      %swap3A_285 = tpu.vector_load %arg14[%swap3A_283, %swap3A_284] {strides = array<i32>} : memref<128x64xf32, #tpu.memory_space<vmem>>, vector<1x16xf32>,
      %swap3A_286 = vector.shape_cast %swap3A_285 : vector<1x16xf32> to vector<16xf32>
      %swap3A_287 = vector.shape_cast %scan3A_262#3 : vector<16xf32> to vector<1x16xf32>
      tpu.vector_store %arg14[%swap3A_283, %swap3A_284], %swap3A_287 {strides = array<i32>} : memref<128x64xf32, #tpu.memory_space<vmem>>, vector<1x16xf32>,
      %add3A_288 = arith.constant 8 : i32
      %add3A_289 = arith.addi %add3A_221, %add3A_288 : i32
      %lt3A_290 = arith.constant 64 : i32
      %lt3A_291 = arith.cmpi slt, %add3A_289, %lt3A_290 : i32
      %convert_element_type3A_292 = arith.extui %lt3A_291 : i1 to i32
      %cond3A_293 = arith.constant 0 : i32
      %cond3A_294 = arith.cmpi ne, %convert_element_type3A_292, %cond3A_293 : i32
      scf.if %cond3A_294 {
        %add3A_680 = arith.constant 8 : i32
        %add3A_681 = arith.addi %add3A_221, %add3A_680 : i32
        %dma_start3A_682 = arith.constant 0 : i32
        %dma_start3A_683 = tpu.memref_slice %arg5[%add3A_681, %dma_start3A_682] : memref<64x104xi32, #tpu.memory_space<vmem>> -> memref<1x104xi32, #tpu.memory_space<vmem>>
        %dma_start3A_684 = tpu.memref_squeeze %dma_start3A_683 : memref<1x104xi32, #tpu.memory_space<vmem>> -> memref<104xi32, #tpu.memory_space<vmem>>
        %dma_start3A_685 = arith.constant 0 : i32
        %dma_start3A_686 = arith.constant 0 : i32
        %dma_start3A_687 = tpu.memref_slice %arg3[%dma_start3A_685, %dma_start3A_686] : memref<100001x64xf32, #tpu.memory_space<hbm>> -> memref<100001x64xf32, #tpu.memory_space<hbm>>
        tpu.enqueue_indirect_dma source(%dma_start3A_687 : memref<100001x64xf32, #tpu.memory_space<hbm>>) target(%arg8 : memref<104x64xf32, #tpu.memory_space<vmem>>) offsets(%dma_start3A_684 : memref<104xi32, #tpu.memory_space<vmem>>) semaphore(%arg17 : memref<!tpu.dma_semaphore, #tpu.memory_space<semaphore_mem>>)
      } else {
      }
      %mul3A_295 = arith.constant 8 : i32
      %mul3A_296 = arith.muli %scan3A_68, %mul3A_295 : i32
      %add3A_297 = arith.constant 3 : i32
      %add3A_298 = arith.addi %mul3A_296, %add3A_297 : i32
      %dma_wait3A_299 = arith.constant 0 : i32
      %dma_wait3A_300 = arith.constant 0 : i32
      %dma_wait3A_301 = tpu.memref_slice %arg3[%dma_wait3A_299, %dma_wait3A_300] : memref<100001x64xf32, #tpu.memory_space<hbm>> -> memref<104x64xf32, #tpu.memory_space<hbm>>
      %dma_wait3A_302 = arith.constant 0 : i32
      %dma_wait3A_303 = arith.constant 0 : i32
      %dma_wait3A_304 = tpu.memref_slice %arg3[%dma_wait3A_302, %dma_wait3A_303] : memref<100001x64xf32, #tpu.memory_space<hbm>> -> memref<104x64xf32, #tpu.memory_space<hbm>>
      tpu.wait_dma2 semaphore(%arg18 : memref<!tpu.dma_semaphore, #tpu.memory_space<semaphore_mem>>) src(%dma_wait3A_304 : memref<104x64xf32, #tpu.memory_space<hbm>>) dst(%arg9 : memref<104x64xf32, #tpu.memory_space<vmem>>)
      %scan3A_305 = arith.constant 0 : i32
      %scan3A_306 = arith.constant 13 : i32
      %scan3A_307 = arith.addi %scan3A_305, %scan3A_306 : i32
      %scan3A_308 = arith.constant 1 : i32
      %scan3A_309:4 = scf.for %scan3A_680 = %scan3A_305 to %scan3A_307 step %scan3A_308 iter_args(%scan3A_681 = %broadcast_in_dim3A_56, %scan3A_682 = %broadcast_in_dim3A_58, %scan3A_683 = %broadcast_in_dim3A_60, %scan3A_684 = %broadcast_in_dim3A_62) -> (vector<16xf32>, vector<16xf32>, vector<16xf32>, vector<16xf32>)  : i32 {
        %mul3A_685 = arith.constant 4 : i32
        %mul3A_686 = arith.muli %scan3A_680, %mul3A_685 : i32
        %add3A_687 = arith.constant 0 : i32
        %add3A_688 = arith.addi %add3A_687, %mul3A_686 : i32
        %add3A_689 = arith.constant 0 : i32
        %add3A_690 = arith.addi %add3A_688, %add3A_689 : i32
        %get3A = arith.index_cast %add3A_690 : i32 to index
        %get3A_691 = arith.constant 0 : index
        %get3A_692 = tpu.vector_load %arg9[%get3A, %get3A_691] {strides = array<i32>} : memref<104x64xf32, #tpu.memory_space<vmem>>, vector<1x16xf32>,
        %get3A_693 = vector.shape_cast %get3A_692 : vector<1x16xf32> to vector<16xf32>
        %add3A_694 = arith.addf %scan3A_681, %get3A_693 : vector<16xf32>
        %get3A_695 = arith.index_cast %add3A_690 : i32 to index
        %get3A_696 = arith.constant 16 : index
        %get3A_697 = tpu.vector_load %arg9[%get3A_695, %get3A_696] {strides = array<i32>} : memref<104x64xf32, #tpu.memory_space<vmem>>, vector<1x16xf32>,
        %get3A_698 = vector.shape_cast %get3A_697 : vector<1x16xf32> to vector<16xf32>
        %add3A_699 = arith.addf %scan3A_682, %get3A_698 : vector<16xf32>
        %get3A_700 = arith.index_cast %add3A_690 : i32 to index
        %get3A_701 = arith.constant 32 : index
        %get3A_702 = tpu.vector_load %arg9[%get3A_700, %get3A_701] {strides = array<i32>} : memref<104x64xf32, #tpu.memory_space<vmem>>, vector<1x16xf32>,
        %get3A_703 = vector.shape_cast %get3A_702 : vector<1x16xf32> to vector<16xf32>
        %add3A_704 = arith.addf %scan3A_683, %get3A_703 : vector<16xf32>
        %get3A_705 = arith.index_cast %add3A_690 : i32 to index
        %get3A_706 = arith.constant 48 : index
        %get3A_707 = tpu.vector_load %arg9[%get3A_705, %get3A_706] {strides = array<i32>} : memref<104x64xf32, #tpu.memory_space<vmem>>, vector<1x16xf32>,
        %get3A_708 = vector.shape_cast %get3A_707 : vector<1x16xf32> to vector<16xf32>
        %add3A_709 = arith.addf %scan3A_684, %get3A_708 : vector<16xf32>
        %mul3A_710 = arith.constant 4 : i32
        %mul3A_711 = arith.muli %scan3A_680, %mul3A_710 : i32
        %add3A_712 = arith.constant 0 : i32
        %add3A_713 = arith.addi %add3A_712, %mul3A_711 : i32
        %add3A_714 = arith.constant 1 : i32
        %add3A_715 = arith.addi %add3A_713, %add3A_714 : i32
        %get3A_716 = arith.index_cast %add3A_715 : i32 to index
        %get3A_717 = arith.constant 0 : index
        %get3A_718 = tpu.vector_load %arg9[%get3A_716, %get3A_717] {strides = array<i32>} : memref<104x64xf32, #tpu.memory_space<vmem>>, vector<1x16xf32>,
        %get3A_719 = vector.shape_cast %get3A_718 : vector<1x16xf32> to vector<16xf32>
        %add3A_720 = arith.addf %add3A_694, %get3A_719 : vector<16xf32>
        %get3A_721 = arith.index_cast %add3A_715 : i32 to index
        %get3A_722 = arith.constant 16 : index
        %get3A_723 = tpu.vector_load %arg9[%get3A_721, %get3A_722] {strides = array<i32>} : memref<104x64xf32, #tpu.memory_space<vmem>>, vector<1x16xf32>,
        %get3A_724 = vector.shape_cast %get3A_723 : vector<1x16xf32> to vector<16xf32>
        %add3A_725 = arith.addf %add3A_699, %get3A_724 : vector<16xf32>
        %get3A_726 = arith.index_cast %add3A_715 : i32 to index
        %get3A_727 = arith.constant 32 : index
        %get3A_728 = tpu.vector_load %arg9[%get3A_726, %get3A_727] {strides = array<i32>} : memref<104x64xf32, #tpu.memory_space<vmem>>, vector<1x16xf32>,
        %get3A_729 = vector.shape_cast %get3A_728 : vector<1x16xf32> to vector<16xf32>
        %add3A_730 = arith.addf %add3A_704, %get3A_729 : vector<16xf32>
        %get3A_731 = arith.index_cast %add3A_715 : i32 to index
        %get3A_732 = arith.constant 48 : index
        %get3A_733 = tpu.vector_load %arg9[%get3A_731, %get3A_732] {strides = array<i32>} : memref<104x64xf32, #tpu.memory_space<vmem>>, vector<1x16xf32>,
        %get3A_734 = vector.shape_cast %get3A_733 : vector<1x16xf32> to vector<16xf32>
        %add3A_735 = arith.addf %add3A_709, %get3A_734 : vector<16xf32>
        %mul3A_736 = arith.constant 4 : i32
        %mul3A_737 = arith.muli %scan3A_680, %mul3A_736 : i32
        %add3A_738 = arith.constant 0 : i32
        %add3A_739 = arith.addi %add3A_738, %mul3A_737 : i32
        %add3A_740 = arith.constant 2 : i32
        %add3A_741 = arith.addi %add3A_739, %add3A_740 : i32
        %get3A_742 = arith.index_cast %add3A_741 : i32 to index
        %get3A_743 = arith.constant 0 : index
        %get3A_744 = tpu.vector_load %arg9[%get3A_742, %get3A_743] {strides = array<i32>} : memref<104x64xf32, #tpu.memory_space<vmem>>, vector<1x16xf32>,
        %get3A_745 = vector.shape_cast %get3A_744 : vector<1x16xf32> to vector<16xf32>
        %add3A_746 = arith.addf %add3A_720, %get3A_745 : vector<16xf32>
        %get3A_747 = arith.index_cast %add3A_741 : i32 to index
        %get3A_748 = arith.constant 16 : index
        %get3A_749 = tpu.vector_load %arg9[%get3A_747, %get3A_748] {strides = array<i32>} : memref<104x64xf32, #tpu.memory_space<vmem>>, vector<1x16xf32>,
        %get3A_750 = vector.shape_cast %get3A_749 : vector<1x16xf32> to vector<16xf32>
        %add3A_751 = arith.addf %add3A_725, %get3A_750 : vector<16xf32>
        %get3A_752 = arith.index_cast %add3A_741 : i32 to index
        %get3A_753 = arith.constant 32 : index
        %get3A_754 = tpu.vector_load %arg9[%get3A_752, %get3A_753] {strides = array<i32>} : memref<104x64xf32, #tpu.memory_space<vmem>>, vector<1x16xf32>,
        %get3A_755 = vector.shape_cast %get3A_754 : vector<1x16xf32> to vector<16xf32>
        %add3A_756 = arith.addf %add3A_730, %get3A_755 : vector<16xf32>
        %get3A_757 = arith.index_cast %add3A_741 : i32 to index
        %get3A_758 = arith.constant 48 : index
        %get3A_759 = tpu.vector_load %arg9[%get3A_757, %get3A_758] {strides = array<i32>} : memref<104x64xf32, #tpu.memory_space<vmem>>, vector<1x16xf32>,
        %get3A_760 = vector.shape_cast %get3A_759 : vector<1x16xf32> to vector<16xf32>
        %add3A_761 = arith.addf %add3A_735, %get3A_760 : vector<16xf32>
        %mul3A_762 = arith.constant 4 : i32
        %mul3A_763 = arith.muli %scan3A_680, %mul3A_762 : i32
        %add3A_764 = arith.constant 0 : i32
        %add3A_765 = arith.addi %add3A_764, %mul3A_763 : i32
        %add3A_766 = arith.constant 3 : i32
        %add3A_767 = arith.addi %add3A_765, %add3A_766 : i32
        %get3A_768 = arith.index_cast %add3A_767 : i32 to index
        %get3A_769 = arith.constant 0 : index
        %get3A_770 = tpu.vector_load %arg9[%get3A_768, %get3A_769] {strides = array<i32>} : memref<104x64xf32, #tpu.memory_space<vmem>>, vector<1x16xf32>,
        %get3A_771 = vector.shape_cast %get3A_770 : vector<1x16xf32> to vector<16xf32>
        %add3A_772 = arith.addf %add3A_746, %get3A_771 : vector<16xf32>
        %get3A_773 = arith.index_cast %add3A_767 : i32 to index
        %get3A_774 = arith.constant 16 : index
        %get3A_775 = tpu.vector_load %arg9[%get3A_773, %get3A_774] {strides = array<i32>} : memref<104x64xf32, #tpu.memory_space<vmem>>, vector<1x16xf32>,
        %get3A_776 = vector.shape_cast %get3A_775 : vector<1x16xf32> to vector<16xf32>
        %add3A_777 = arith.addf %add3A_751, %get3A_776 : vector<16xf32>
        %get3A_778 = arith.index_cast %add3A_767 : i32 to index
        %get3A_779 = arith.constant 32 : index
        %get3A_780 = tpu.vector_load %arg9[%get3A_778, %get3A_779] {strides = array<i32>} : memref<104x64xf32, #tpu.memory_space<vmem>>, vector<1x16xf32>,
        %get3A_781 = vector.shape_cast %get3A_780 : vector<1x16xf32> to vector<16xf32>
        %add3A_782 = arith.addf %add3A_756, %get3A_781 : vector<16xf32>
        %get3A_783 = arith.index_cast %add3A_767 : i32 to index
        %get3A_784 = arith.constant 48 : index
        %get3A_785 = tpu.vector_load %arg9[%get3A_783, %get3A_784] {strides = array<i32>} : memref<104x64xf32, #tpu.memory_space<vmem>>, vector<1x16xf32>,
        %get3A_786 = vector.shape_cast %get3A_785 : vector<1x16xf32> to vector<16xf32>
        %add3A_787 = arith.addf %add3A_761, %get3A_786 : vector<16xf32>
        scf.yield %add3A_772, %add3A_777, %add3A_782, %add3A_787 : vector<16xf32>, vector<16xf32>, vector<16xf32>, vector<16xf32>
      }
      %scan3A_310 = arith.constant 13 : i32
      %mul3A_311 = arith.constant 2 : i32
      %mul3A_312 = arith.muli %add3A_298, %mul3A_311 : i32
      %add3A_313 = arith.constant 0 : i32
      %add3A_314 = arith.addi %mul3A_312, %add3A_313 : i32
      %swap3A_315 = arith.index_cast %add3A_314 : i32 to index
      %swap3A_316 = arith.constant 0 : index
      %swap3A_317 = tpu.vector_load %arg14[%swap3A_315, %swap3A_316] {strides = array<i32>} : memref<128x64xf32, #tpu.memory_space<vmem>>, vector<1x16xf32>,
      %swap3A_318 = vector.shape_cast %swap3A_317 : vector<1x16xf32> to vector<16xf32>
      %swap3A_319 = vector.shape_cast %scan3A_309#0 : vector<16xf32> to vector<1x16xf32>
      tpu.vector_store %arg14[%swap3A_315, %swap3A_316], %swap3A_319 {strides = array<i32>} : memref<128x64xf32, #tpu.memory_space<vmem>>, vector<1x16xf32>,
      %swap3A_320 = arith.index_cast %add3A_314 : i32 to index
      %swap3A_321 = arith.constant 16 : index
      %swap3A_322 = tpu.vector_load %arg14[%swap3A_320, %swap3A_321] {strides = array<i32>} : memref<128x64xf32, #tpu.memory_space<vmem>>, vector<1x16xf32>,
      %swap3A_323 = vector.shape_cast %swap3A_322 : vector<1x16xf32> to vector<16xf32>
      %swap3A_324 = vector.shape_cast %scan3A_309#1 : vector<16xf32> to vector<1x16xf32>
      tpu.vector_store %arg14[%swap3A_320, %swap3A_321], %swap3A_324 {strides = array<i32>} : memref<128x64xf32, #tpu.memory_space<vmem>>, vector<1x16xf32>,
      %swap3A_325 = arith.index_cast %add3A_314 : i32 to index
      %swap3A_326 = arith.constant 32 : index
      %swap3A_327 = tpu.vector_load %arg14[%swap3A_325, %swap3A_326] {strides = array<i32>} : memref<128x64xf32, #tpu.memory_space<vmem>>, vector<1x16xf32>,
      %swap3A_328 = vector.shape_cast %swap3A_327 : vector<1x16xf32> to vector<16xf32>
      %swap3A_329 = vector.shape_cast %scan3A_309#2 : vector<16xf32> to vector<1x16xf32>
      tpu.vector_store %arg14[%swap3A_325, %swap3A_326], %swap3A_329 {strides = array<i32>} : memref<128x64xf32, #tpu.memory_space<vmem>>, vector<1x16xf32>,
      %swap3A_330 = arith.index_cast %add3A_314 : i32 to index
      %swap3A_331 = arith.constant 48 : index
      %swap3A_332 = tpu.vector_load %arg14[%swap3A_330, %swap3A_331] {strides = array<i32>} : memref<128x64xf32, #tpu.memory_space<vmem>>, vector<1x16xf32>,
      %swap3A_333 = vector.shape_cast %swap3A_332 : vector<1x16xf32> to vector<16xf32>
      %swap3A_334 = vector.shape_cast %scan3A_309#3 : vector<16xf32> to vector<1x16xf32>
      tpu.vector_store %arg14[%swap3A_330, %swap3A_331], %swap3A_334 {strides = array<i32>} : memref<128x64xf32, #tpu.memory_space<vmem>>, vector<1x16xf32>,
      %scan3A_335 = arith.constant 0 : i32
      %scan3A_336 = arith.constant 13 : i32
      %scan3A_337 = arith.addi %scan3A_335, %scan3A_336 : i32
      %scan3A_338 = arith.constant 1 : i32
      %scan3A_339:4 = scf.for %scan3A_680 = %scan3A_335 to %scan3A_337 step %scan3A_338 iter_args(%scan3A_681 = %broadcast_in_dim3A_56, %scan3A_682 = %broadcast_in_dim3A_58, %scan3A_683 = %broadcast_in_dim3A_60, %scan3A_684 = %broadcast_in_dim3A_62) -> (vector<16xf32>, vector<16xf32>, vector<16xf32>, vector<16xf32>)  : i32 {
        %mul3A_685 = arith.constant 4 : i32
        %mul3A_686 = arith.muli %scan3A_680, %mul3A_685 : i32
        %add3A_687 = arith.constant 52 : i32
        %add3A_688 = arith.addi %add3A_687, %mul3A_686 : i32
        %add3A_689 = arith.constant 0 : i32
        %add3A_690 = arith.addi %add3A_688, %add3A_689 : i32
        %get3A = arith.index_cast %add3A_690 : i32 to index
        %get3A_691 = arith.constant 0 : index
        %get3A_692 = tpu.vector_load %arg9[%get3A, %get3A_691] {strides = array<i32>} : memref<104x64xf32, #tpu.memory_space<vmem>>, vector<1x16xf32>,
        %get3A_693 = vector.shape_cast %get3A_692 : vector<1x16xf32> to vector<16xf32>
        %add3A_694 = arith.addf %scan3A_681, %get3A_693 : vector<16xf32>
        %get3A_695 = arith.index_cast %add3A_690 : i32 to index
        %get3A_696 = arith.constant 16 : index
        %get3A_697 = tpu.vector_load %arg9[%get3A_695, %get3A_696] {strides = array<i32>} : memref<104x64xf32, #tpu.memory_space<vmem>>, vector<1x16xf32>,
        %get3A_698 = vector.shape_cast %get3A_697 : vector<1x16xf32> to vector<16xf32>
        %add3A_699 = arith.addf %scan3A_682, %get3A_698 : vector<16xf32>
        %get3A_700 = arith.index_cast %add3A_690 : i32 to index
        %get3A_701 = arith.constant 32 : index
        %get3A_702 = tpu.vector_load %arg9[%get3A_700, %get3A_701] {strides = array<i32>} : memref<104x64xf32, #tpu.memory_space<vmem>>, vector<1x16xf32>,
        %get3A_703 = vector.shape_cast %get3A_702 : vector<1x16xf32> to vector<16xf32>
        %add3A_704 = arith.addf %scan3A_683, %get3A_703 : vector<16xf32>
        %get3A_705 = arith.index_cast %add3A_690 : i32 to index
        %get3A_706 = arith.constant 48 : index
        %get3A_707 = tpu.vector_load %arg9[%get3A_705, %get3A_706] {strides = array<i32>} : memref<104x64xf32, #tpu.memory_space<vmem>>, vector<1x16xf32>,
        %get3A_708 = vector.shape_cast %get3A_707 : vector<1x16xf32> to vector<16xf32>
        %add3A_709 = arith.addf %scan3A_684, %get3A_708 : vector<16xf32>
        %mul3A_710 = arith.constant 4 : i32
        %mul3A_711 = arith.muli %scan3A_680, %mul3A_710 : i32
        %add3A_712 = arith.constant 52 : i32
        %add3A_713 = arith.addi %add3A_712, %mul3A_711 : i32
        %add3A_714 = arith.constant 1 : i32
        %add3A_715 = arith.addi %add3A_713, %add3A_714 : i32
        %get3A_716 = arith.index_cast %add3A_715 : i32 to index
        %get3A_717 = arith.constant 0 : index
        %get3A_718 = tpu.vector_load %arg9[%get3A_716, %get3A_717] {strides = array<i32>} : memref<104x64xf32, #tpu.memory_space<vmem>>, vector<1x16xf32>,
        %get3A_719 = vector.shape_cast %get3A_718 : vector<1x16xf32> to vector<16xf32>
        %add3A_720 = arith.addf %add3A_694, %get3A_719 : vector<16xf32>
        %get3A_721 = arith.index_cast %add3A_715 : i32 to index
        %get3A_722 = arith.constant 16 : index
        %get3A_723 = tpu.vector_load %arg9[%get3A_721, %get3A_722] {strides = array<i32>} : memref<104x64xf32, #tpu.memory_space<vmem>>, vector<1x16xf32>,
        %get3A_724 = vector.shape_cast %get3A_723 : vector<1x16xf32> to vector<16xf32>
        %add3A_725 = arith.addf %add3A_699, %get3A_724 : vector<16xf32>
        %get3A_726 = arith.index_cast %add3A_715 : i32 to index
        %get3A_727 = arith.constant 32 : index
        %get3A_728 = tpu.vector_load %arg9[%get3A_726, %get3A_727] {strides = array<i32>} : memref<104x64xf32, #tpu.memory_space<vmem>>, vector<1x16xf32>,
        %get3A_729 = vector.shape_cast %get3A_728 : vector<1x16xf32> to vector<16xf32>
        %add3A_730 = arith.addf %add3A_704, %get3A_729 : vector<16xf32>
        %get3A_731 = arith.index_cast %add3A_715 : i32 to index
        %get3A_732 = arith.constant 48 : index
        %get3A_733 = tpu.vector_load %arg9[%get3A_731, %get3A_732] {strides = array<i32>} : memref<104x64xf32, #tpu.memory_space<vmem>>, vector<1x16xf32>,
        %get3A_734 = vector.shape_cast %get3A_733 : vector<1x16xf32> to vector<16xf32>
        %add3A_735 = arith.addf %add3A_709, %get3A_734 : vector<16xf32>
        %mul3A_736 = arith.constant 4 : i32
        %mul3A_737 = arith.muli %scan3A_680, %mul3A_736 : i32
        %add3A_738 = arith.constant 52 : i32
        %add3A_739 = arith.addi %add3A_738, %mul3A_737 : i32
        %add3A_740 = arith.constant 2 : i32
        %add3A_741 = arith.addi %add3A_739, %add3A_740 : i32
        %get3A_742 = arith.index_cast %add3A_741 : i32 to index
        %get3A_743 = arith.constant 0 : index
        %get3A_744 = tpu.vector_load %arg9[%get3A_742, %get3A_743] {strides = array<i32>} : memref<104x64xf32, #tpu.memory_space<vmem>>, vector<1x16xf32>,
        %get3A_745 = vector.shape_cast %get3A_744 : vector<1x16xf32> to vector<16xf32>
        %add3A_746 = arith.addf %add3A_720, %get3A_745 : vector<16xf32>
        %get3A_747 = arith.index_cast %add3A_741 : i32 to index
        %get3A_748 = arith.constant 16 : index
        %get3A_749 = tpu.vector_load %arg9[%get3A_747, %get3A_748] {strides = array<i32>} : memref<104x64xf32, #tpu.memory_space<vmem>>, vector<1x16xf32>,
        %get3A_750 = vector.shape_cast %get3A_749 : vector<1x16xf32> to vector<16xf32>
        %add3A_751 = arith.addf %add3A_725, %get3A_750 : vector<16xf32>
        %get3A_752 = arith.index_cast %add3A_741 : i32 to index
        %get3A_753 = arith.constant 32 : index
        %get3A_754 = tpu.vector_load %arg9[%get3A_752, %get3A_753] {strides = array<i32>} : memref<104x64xf32, #tpu.memory_space<vmem>>, vector<1x16xf32>,
        %get3A_755 = vector.shape_cast %get3A_754 : vector<1x16xf32> to vector<16xf32>
        %add3A_756 = arith.addf %add3A_730, %get3A_755 : vector<16xf32>
        %get3A_757 = arith.index_cast %add3A_741 : i32 to index
        %get3A_758 = arith.constant 48 : index
        %get3A_759 = tpu.vector_load %arg9[%get3A_757, %get3A_758] {strides = array<i32>} : memref<104x64xf32, #tpu.memory_space<vmem>>, vector<1x16xf32>,
        %get3A_760 = vector.shape_cast %get3A_759 : vector<1x16xf32> to vector<16xf32>
        %add3A_761 = arith.addf %add3A_735, %get3A_760 : vector<16xf32>
        %mul3A_762 = arith.constant 4 : i32
        %mul3A_763 = arith.muli %scan3A_680, %mul3A_762 : i32
        %add3A_764 = arith.constant 52 : i32
        %add3A_765 = arith.addi %add3A_764, %mul3A_763 : i32
        %add3A_766 = arith.constant 3 : i32
        %add3A_767 = arith.addi %add3A_765, %add3A_766 : i32
        %get3A_768 = arith.index_cast %add3A_767 : i32 to index
        %get3A_769 = arith.constant 0 : index
        %get3A_770 = tpu.vector_load %arg9[%get3A_768, %get3A_769] {strides = array<i32>} : memref<104x64xf32, #tpu.memory_space<vmem>>, vector<1x16xf32>,
        %get3A_771 = vector.shape_cast %get3A_770 : vector<1x16xf32> to vector<16xf32>
        %add3A_772 = arith.addf %add3A_746, %get3A_771 : vector<16xf32>
        %get3A_773 = arith.index_cast %add3A_767 : i32 to index
        %get3A_774 = arith.constant 16 : index
        %get3A_775 = tpu.vector_load %arg9[%get3A_773, %get3A_774] {strides = array<i32>} : memref<104x64xf32, #tpu.memory_space<vmem>>, vector<1x16xf32>,
        %get3A_776 = vector.shape_cast %get3A_775 : vector<1x16xf32> to vector<16xf32>
        %add3A_777 = arith.addf %add3A_751, %get3A_776 : vector<16xf32>
        %get3A_778 = arith.index_cast %add3A_767 : i32 to index
        %get3A_779 = arith.constant 32 : index
        %get3A_780 = tpu.vector_load %arg9[%get3A_778, %get3A_779] {strides = array<i32>} : memref<104x64xf32, #tpu.memory_space<vmem>>, vector<1x16xf32>,
        %get3A_781 = vector.shape_cast %get3A_780 : vector<1x16xf32> to vector<16xf32>
        %add3A_782 = arith.addf %add3A_756, %get3A_781 : vector<16xf32>
        %get3A_783 = arith.index_cast %add3A_767 : i32 to index
        %get3A_784 = arith.constant 48 : index
        %get3A_785 = tpu.vector_load %arg9[%get3A_783, %get3A_784] {strides = array<i32>} : memref<104x64xf32, #tpu.memory_space<vmem>>, vector<1x16xf32>,
        %get3A_786 = vector.shape_cast %get3A_785 : vector<1x16xf32> to vector<16xf32>
        %add3A_787 = arith.addf %add3A_761, %get3A_786 : vector<16xf32>
        scf.yield %add3A_772, %add3A_777, %add3A_782, %add3A_787 : vector<16xf32>, vector<16xf32>, vector<16xf32>, vector<16xf32>
      }
      %scan3A_340 = arith.constant 13 : i32
      %mul3A_341 = arith.constant 2 : i32
      %mul3A_342 = arith.muli %add3A_298, %mul3A_341 : i32
      %add3A_343 = arith.constant 1 : i32
      %add3A_344 = arith.addi %mul3A_342, %add3A_343 : i32
      %swap3A_345 = arith.index_cast %add3A_344 : i32 to index
      %swap3A_346 = arith.constant 0 : index
      %swap3A_347 = tpu.vector_load %arg14[%swap3A_345, %swap3A_346] {strides = array<i32>} : memref<128x64xf32, #tpu.memory_space<vmem>>, vector<1x16xf32>,
      %swap3A_348 = vector.shape_cast %swap3A_347 : vector<1x16xf32> to vector<16xf32>
      %swap3A_349 = vector.shape_cast %scan3A_339#0 : vector<16xf32> to vector<1x16xf32>
      tpu.vector_store %arg14[%swap3A_345, %swap3A_346], %swap3A_349 {strides = array<i32>} : memref<128x64xf32, #tpu.memory_space<vmem>>, vector<1x16xf32>,
      %swap3A_350 = arith.index_cast %add3A_344 : i32 to index
      %swap3A_351 = arith.constant 16 : index
      %swap3A_352 = tpu.vector_load %arg14[%swap3A_350, %swap3A_351] {strides = array<i32>} : memref<128x64xf32, #tpu.memory_space<vmem>>, vector<1x16xf32>,
      %swap3A_353 = vector.shape_cast %swap3A_352 : vector<1x16xf32> to vector<16xf32>
      %swap3A_354 = vector.shape_cast %scan3A_339#1 : vector<16xf32> to vector<1x16xf32>
      tpu.vector_store %arg14[%swap3A_350, %swap3A_351], %swap3A_354 {strides = array<i32>} : memref<128x64xf32, #tpu.memory_space<vmem>>, vector<1x16xf32>,
      %swap3A_355 = arith.index_cast %add3A_344 : i32 to index
      %swap3A_356 = arith.constant 32 : index
      %swap3A_357 = tpu.vector_load %arg14[%swap3A_355, %swap3A_356] {strides = array<i32>} : memref<128x64xf32, #tpu.memory_space<vmem>>, vector<1x16xf32>,
      %swap3A_358 = vector.shape_cast %swap3A_357 : vector<1x16xf32> to vector<16xf32>
      %swap3A_359 = vector.shape_cast %scan3A_339#2 : vector<16xf32> to vector<1x16xf32>
      tpu.vector_store %arg14[%swap3A_355, %swap3A_356], %swap3A_359 {strides = array<i32>} : memref<128x64xf32, #tpu.memory_space<vmem>>, vector<1x16xf32>,
      %swap3A_360 = arith.index_cast %add3A_344 : i32 to index
      %swap3A_361 = arith.constant 48 : index
      %swap3A_362 = tpu.vector_load %arg14[%swap3A_360, %swap3A_361] {strides = array<i32>} : memref<128x64xf32, #tpu.memory_space<vmem>>, vector<1x16xf32>,
      %swap3A_363 = vector.shape_cast %swap3A_362 : vector<1x16xf32> to vector<16xf32>
      %swap3A_364 = vector.shape_cast %scan3A_339#3 : vector<16xf32> to vector<1x16xf32>
      tpu.vector_store %arg14[%swap3A_360, %swap3A_361], %swap3A_364 {strides = array<i32>} : memref<128x64xf32, #tpu.memory_space<vmem>>, vector<1x16xf32>,
      %add3A_365 = arith.constant 8 : i32
      %add3A_366 = arith.addi %add3A_298, %add3A_365 : i32
      %lt3A_367 = arith.constant 64 : i32
      %lt3A_368 = arith.cmpi slt, %add3A_366, %lt3A_367 : i32
      %convert_element_type3A_369 = arith.extui %lt3A_368 : i1 to i32
      %cond3A_370 = arith.constant 0 : i32
      %cond3A_371 = arith.cmpi ne, %convert_element_type3A_369, %cond3A_370 : i32
      scf.if %cond3A_371 {
        %add3A_680 = arith.constant 8 : i32
        %add3A_681 = arith.addi %add3A_298, %add3A_680 : i32
        %dma_start3A_682 = arith.constant 0 : i32
        %dma_start3A_683 = tpu.memref_slice %arg5[%add3A_681, %dma_start3A_682] : memref<64x104xi32, #tpu.memory_space<vmem>> -> memref<1x104xi32, #tpu.memory_space<vmem>>
        %dma_start3A_684 = tpu.memref_squeeze %dma_start3A_683 : memref<1x104xi32, #tpu.memory_space<vmem>> -> memref<104xi32, #tpu.memory_space<vmem>>
        %dma_start3A_685 = arith.constant 0 : i32
        %dma_start3A_686 = arith.constant 0 : i32
        %dma_start3A_687 = tpu.memref_slice %arg3[%dma_start3A_685, %dma_start3A_686] : memref<100001x64xf32, #tpu.memory_space<hbm>> -> memref<100001x64xf32, #tpu.memory_space<hbm>>
        tpu.enqueue_indirect_dma source(%dma_start3A_687 : memref<100001x64xf32, #tpu.memory_space<hbm>>) target(%arg9 : memref<104x64xf32, #tpu.memory_space<vmem>>) offsets(%dma_start3A_684 : memref<104xi32, #tpu.memory_space<vmem>>) semaphore(%arg18 : memref<!tpu.dma_semaphore, #tpu.memory_space<semaphore_mem>>)
      } else {
      }
      %mul3A_372 = arith.constant 8 : i32
      %mul3A_373 = arith.muli %scan3A_68, %mul3A_372 : i32
      %add3A_374 = arith.constant 4 : i32
      %add3A_375 = arith.addi %mul3A_373, %add3A_374 : i32
      %dma_wait3A_376 = arith.constant 0 : i32
      %dma_wait3A_377 = arith.constant 0 : i32
      %dma_wait3A_378 = tpu.memref_slice %arg3[%dma_wait3A_376, %dma_wait3A_377] : memref<100001x64xf32, #tpu.memory_space<hbm>> -> memref<104x64xf32, #tpu.memory_space<hbm>>
      %dma_wait3A_379 = arith.constant 0 : i32
      %dma_wait3A_380 = arith.constant 0 : i32
      %dma_wait3A_381 = tpu.memref_slice %arg3[%dma_wait3A_379, %dma_wait3A_380] : memref<100001x64xf32, #tpu.memory_space<hbm>> -> memref<104x64xf32, #tpu.memory_space<hbm>>
      tpu.wait_dma2 semaphore(%arg19 : memref<!tpu.dma_semaphore, #tpu.memory_space<semaphore_mem>>) src(%dma_wait3A_381 : memref<104x64xf32, #tpu.memory_space<hbm>>) dst(%arg10 : memref<104x64xf32, #tpu.memory_space<vmem>>)
      %scan3A_382 = arith.constant 0 : i32
      %scan3A_383 = arith.constant 13 : i32
      %scan3A_384 = arith.addi %scan3A_382, %scan3A_383 : i32
      %scan3A_385 = arith.constant 1 : i32
      %scan3A_386:4 = scf.for %scan3A_680 = %scan3A_382 to %scan3A_384 step %scan3A_385 iter_args(%scan3A_681 = %broadcast_in_dim3A_56, %scan3A_682 = %broadcast_in_dim3A_58, %scan3A_683 = %broadcast_in_dim3A_60, %scan3A_684 = %broadcast_in_dim3A_62) -> (vector<16xf32>, vector<16xf32>, vector<16xf32>, vector<16xf32>)  : i32 {
        %mul3A_685 = arith.constant 4 : i32
        %mul3A_686 = arith.muli %scan3A_680, %mul3A_685 : i32
        %add3A_687 = arith.constant 0 : i32
        %add3A_688 = arith.addi %add3A_687, %mul3A_686 : i32
        %add3A_689 = arith.constant 0 : i32
        %add3A_690 = arith.addi %add3A_688, %add3A_689 : i32
        %get3A = arith.index_cast %add3A_690 : i32 to index
        %get3A_691 = arith.constant 0 : index
        %get3A_692 = tpu.vector_load %arg10[%get3A, %get3A_691] {strides = array<i32>} : memref<104x64xf32, #tpu.memory_space<vmem>>, vector<1x16xf32>,
        %get3A_693 = vector.shape_cast %get3A_692 : vector<1x16xf32> to vector<16xf32>
        %add3A_694 = arith.addf %scan3A_681, %get3A_693 : vector<16xf32>
        %get3A_695 = arith.index_cast %add3A_690 : i32 to index
        %get3A_696 = arith.constant 16 : index
        %get3A_697 = tpu.vector_load %arg10[%get3A_695, %get3A_696] {strides = array<i32>} : memref<104x64xf32, #tpu.memory_space<vmem>>, vector<1x16xf32>,
        %get3A_698 = vector.shape_cast %get3A_697 : vector<1x16xf32> to vector<16xf32>
        %add3A_699 = arith.addf %scan3A_682, %get3A_698 : vector<16xf32>
        %get3A_700 = arith.index_cast %add3A_690 : i32 to index
        %get3A_701 = arith.constant 32 : index
        %get3A_702 = tpu.vector_load %arg10[%get3A_700, %get3A_701] {strides = array<i32>} : memref<104x64xf32, #tpu.memory_space<vmem>>, vector<1x16xf32>,
        %get3A_703 = vector.shape_cast %get3A_702 : vector<1x16xf32> to vector<16xf32>
        %add3A_704 = arith.addf %scan3A_683, %get3A_703 : vector<16xf32>
        %get3A_705 = arith.index_cast %add3A_690 : i32 to index
        %get3A_706 = arith.constant 48 : index
        %get3A_707 = tpu.vector_load %arg10[%get3A_705, %get3A_706] {strides = array<i32>} : memref<104x64xf32, #tpu.memory_space<vmem>>, vector<1x16xf32>,
        %get3A_708 = vector.shape_cast %get3A_707 : vector<1x16xf32> to vector<16xf32>
        %add3A_709 = arith.addf %scan3A_684, %get3A_708 : vector<16xf32>
        %mul3A_710 = arith.constant 4 : i32
        %mul3A_711 = arith.muli %scan3A_680, %mul3A_710 : i32
        %add3A_712 = arith.constant 0 : i32
        %add3A_713 = arith.addi %add3A_712, %mul3A_711 : i32
        %add3A_714 = arith.constant 1 : i32
        %add3A_715 = arith.addi %add3A_713, %add3A_714 : i32
        %get3A_716 = arith.index_cast %add3A_715 : i32 to index
        %get3A_717 = arith.constant 0 : index
        %get3A_718 = tpu.vector_load %arg10[%get3A_716, %get3A_717] {strides = array<i32>} : memref<104x64xf32, #tpu.memory_space<vmem>>, vector<1x16xf32>,
        %get3A_719 = vector.shape_cast %get3A_718 : vector<1x16xf32> to vector<16xf32>
        %add3A_720 = arith.addf %add3A_694, %get3A_719 : vector<16xf32>
        %get3A_721 = arith.index_cast %add3A_715 : i32 to index
        %get3A_722 = arith.constant 16 : index
        %get3A_723 = tpu.vector_load %arg10[%get3A_721, %get3A_722] {strides = array<i32>} : memref<104x64xf32, #tpu.memory_space<vmem>>, vector<1x16xf32>,
        %get3A_724 = vector.shape_cast %get3A_723 : vector<1x16xf32> to vector<16xf32>
        %add3A_725 = arith.addf %add3A_699, %get3A_724 : vector<16xf32>
        %get3A_726 = arith.index_cast %add3A_715 : i32 to index
        %get3A_727 = arith.constant 32 : index
        %get3A_728 = tpu.vector_load %arg10[%get3A_726, %get3A_727] {strides = array<i32>} : memref<104x64xf32, #tpu.memory_space<vmem>>, vector<1x16xf32>,
        %get3A_729 = vector.shape_cast %get3A_728 : vector<1x16xf32> to vector<16xf32>
        %add3A_730 = arith.addf %add3A_704, %get3A_729 : vector<16xf32>
        %get3A_731 = arith.index_cast %add3A_715 : i32 to index
        %get3A_732 = arith.constant 48 : index
        %get3A_733 = tpu.vector_load %arg10[%get3A_731, %get3A_732] {strides = array<i32>} : memref<104x64xf32, #tpu.memory_space<vmem>>, vector<1x16xf32>,
        %get3A_734 = vector.shape_cast %get3A_733 : vector<1x16xf32> to vector<16xf32>
        %add3A_735 = arith.addf %add3A_709, %get3A_734 : vector<16xf32>
        %mul3A_736 = arith.constant 4 : i32
        %mul3A_737 = arith.muli %scan3A_680, %mul3A_736 : i32
        %add3A_738 = arith.constant 0 : i32
        %add3A_739 = arith.addi %add3A_738, %mul3A_737 : i32
        %add3A_740 = arith.constant 2 : i32
        %add3A_741 = arith.addi %add3A_739, %add3A_740 : i32
        %get3A_742 = arith.index_cast %add3A_741 : i32 to index
        %get3A_743 = arith.constant 0 : index
        %get3A_744 = tpu.vector_load %arg10[%get3A_742, %get3A_743] {strides = array<i32>} : memref<104x64xf32, #tpu.memory_space<vmem>>, vector<1x16xf32>,
        %get3A_745 = vector.shape_cast %get3A_744 : vector<1x16xf32> to vector<16xf32>
        %add3A_746 = arith.addf %add3A_720, %get3A_745 : vector<16xf32>
        %get3A_747 = arith.index_cast %add3A_741 : i32 to index
        %get3A_748 = arith.constant 16 : index
        %get3A_749 = tpu.vector_load %arg10[%get3A_747, %get3A_748] {strides = array<i32>} : memref<104x64xf32, #tpu.memory_space<vmem>>, vector<1x16xf32>,
        %get3A_750 = vector.shape_cast %get3A_749 : vector<1x16xf32> to vector<16xf32>
        %add3A_751 = arith.addf %add3A_725, %get3A_750 : vector<16xf32>
        %get3A_752 = arith.index_cast %add3A_741 : i32 to index
        %get3A_753 = arith.constant 32 : index
        %get3A_754 = tpu.vector_load %arg10[%get3A_752, %get3A_753] {strides = array<i32>} : memref<104x64xf32, #tpu.memory_space<vmem>>, vector<1x16xf32>,
        %get3A_755 = vector.shape_cast %get3A_754 : vector<1x16xf32> to vector<16xf32>
        %add3A_756 = arith.addf %add3A_730, %get3A_755 : vector<16xf32>
        %get3A_757 = arith.index_cast %add3A_741 : i32 to index
        %get3A_758 = arith.constant 48 : index
        %get3A_759 = tpu.vector_load %arg10[%get3A_757, %get3A_758] {strides = array<i32>} : memref<104x64xf32, #tpu.memory_space<vmem>>, vector<1x16xf32>,
        %get3A_760 = vector.shape_cast %get3A_759 : vector<1x16xf32> to vector<16xf32>
        %add3A_761 = arith.addf %add3A_735, %get3A_760 : vector<16xf32>
        %mul3A_762 = arith.constant 4 : i32
        %mul3A_763 = arith.muli %scan3A_680, %mul3A_762 : i32
        %add3A_764 = arith.constant 0 : i32
        %add3A_765 = arith.addi %add3A_764, %mul3A_763 : i32
        %add3A_766 = arith.constant 3 : i32
        %add3A_767 = arith.addi %add3A_765, %add3A_766 : i32
        %get3A_768 = arith.index_cast %add3A_767 : i32 to index
        %get3A_769 = arith.constant 0 : index
        %get3A_770 = tpu.vector_load %arg10[%get3A_768, %get3A_769] {strides = array<i32>} : memref<104x64xf32, #tpu.memory_space<vmem>>, vector<1x16xf32>,
        %get3A_771 = vector.shape_cast %get3A_770 : vector<1x16xf32> to vector<16xf32>
        %add3A_772 = arith.addf %add3A_746, %get3A_771 : vector<16xf32>
        %get3A_773 = arith.index_cast %add3A_767 : i32 to index
        %get3A_774 = arith.constant 16 : index
        %get3A_775 = tpu.vector_load %arg10[%get3A_773, %get3A_774] {strides = array<i32>} : memref<104x64xf32, #tpu.memory_space<vmem>>, vector<1x16xf32>,
        %get3A_776 = vector.shape_cast %get3A_775 : vector<1x16xf32> to vector<16xf32>
        %add3A_777 = arith.addf %add3A_751, %get3A_776 : vector<16xf32>
        %get3A_778 = arith.index_cast %add3A_767 : i32 to index
        %get3A_779 = arith.constant 32 : index
        %get3A_780 = tpu.vector_load %arg10[%get3A_778, %get3A_779] {strides = array<i32>} : memref<104x64xf32, #tpu.memory_space<vmem>>, vector<1x16xf32>,
        %get3A_781 = vector.shape_cast %get3A_780 : vector<1x16xf32> to vector<16xf32>
        %add3A_782 = arith.addf %add3A_756, %get3A_781 : vector<16xf32>
        %get3A_783 = arith.index_cast %add3A_767 : i32 to index
        %get3A_784 = arith.constant 48 : index
        %get3A_785 = tpu.vector_load %arg10[%get3A_783, %get3A_784] {strides = array<i32>} : memref<104x64xf32, #tpu.memory_space<vmem>>, vector<1x16xf32>,
        %get3A_786 = vector.shape_cast %get3A_785 : vector<1x16xf32> to vector<16xf32>
        %add3A_787 = arith.addf %add3A_761, %get3A_786 : vector<16xf32>
        scf.yield %add3A_772, %add3A_777, %add3A_782, %add3A_787 : vector<16xf32>, vector<16xf32>, vector<16xf32>, vector<16xf32>
      }
      %scan3A_387 = arith.constant 13 : i32
      %mul3A_388 = arith.constant 2 : i32
      %mul3A_389 = arith.muli %add3A_375, %mul3A_388 : i32
      %add3A_390 = arith.constant 0 : i32
      %add3A_391 = arith.addi %mul3A_389, %add3A_390 : i32
      %swap3A_392 = arith.index_cast %add3A_391 : i32 to index
      %swap3A_393 = arith.constant 0 : index
      %swap3A_394 = tpu.vector_load %arg14[%swap3A_392, %swap3A_393] {strides = array<i32>} : memref<128x64xf32, #tpu.memory_space<vmem>>, vector<1x16xf32>,
      %swap3A_395 = vector.shape_cast %swap3A_394 : vector<1x16xf32> to vector<16xf32>
      %swap3A_396 = vector.shape_cast %scan3A_386#0 : vector<16xf32> to vector<1x16xf32>
      tpu.vector_store %arg14[%swap3A_392, %swap3A_393], %swap3A_396 {strides = array<i32>} : memref<128x64xf32, #tpu.memory_space<vmem>>, vector<1x16xf32>,
      %swap3A_397 = arith.index_cast %add3A_391 : i32 to index
      %swap3A_398 = arith.constant 16 : index
      %swap3A_399 = tpu.vector_load %arg14[%swap3A_397, %swap3A_398] {strides = array<i32>} : memref<128x64xf32, #tpu.memory_space<vmem>>, vector<1x16xf32>,
      %swap3A_400 = vector.shape_cast %swap3A_399 : vector<1x16xf32> to vector<16xf32>
      %swap3A_401 = vector.shape_cast %scan3A_386#1 : vector<16xf32> to vector<1x16xf32>
      tpu.vector_store %arg14[%swap3A_397, %swap3A_398], %swap3A_401 {strides = array<i32>} : memref<128x64xf32, #tpu.memory_space<vmem>>, vector<1x16xf32>,
      %swap3A_402 = arith.index_cast %add3A_391 : i32 to index
      %swap3A_403 = arith.constant 32 : index
      %swap3A_404 = tpu.vector_load %arg14[%swap3A_402, %swap3A_403] {strides = array<i32>} : memref<128x64xf32, #tpu.memory_space<vmem>>, vector<1x16xf32>,
      %swap3A_405 = vector.shape_cast %swap3A_404 : vector<1x16xf32> to vector<16xf32>
      %swap3A_406 = vector.shape_cast %scan3A_386#2 : vector<16xf32> to vector<1x16xf32>
      tpu.vector_store %arg14[%swap3A_402, %swap3A_403], %swap3A_406 {strides = array<i32>} : memref<128x64xf32, #tpu.memory_space<vmem>>, vector<1x16xf32>,
      %swap3A_407 = arith.index_cast %add3A_391 : i32 to index
      %swap3A_408 = arith.constant 48 : index
      %swap3A_409 = tpu.vector_load %arg14[%swap3A_407, %swap3A_408] {strides = array<i32>} : memref<128x64xf32, #tpu.memory_space<vmem>>, vector<1x16xf32>,
      %swap3A_410 = vector.shape_cast %swap3A_409 : vector<1x16xf32> to vector<16xf32>
      %swap3A_411 = vector.shape_cast %scan3A_386#3 : vector<16xf32> to vector<1x16xf32>
      tpu.vector_store %arg14[%swap3A_407, %swap3A_408], %swap3A_411 {strides = array<i32>} : memref<128x64xf32, #tpu.memory_space<vmem>>, vector<1x16xf32>,
      %scan3A_412 = arith.constant 0 : i32
      %scan3A_413 = arith.constant 13 : i32
      %scan3A_414 = arith.addi %scan3A_412, %scan3A_413 : i32
      %scan3A_415 = arith.constant 1 : i32
      %scan3A_416:4 = scf.for %scan3A_680 = %scan3A_412 to %scan3A_414 step %scan3A_415 iter_args(%scan3A_681 = %broadcast_in_dim3A_56, %scan3A_682 = %broadcast_in_dim3A_58, %scan3A_683 = %broadcast_in_dim3A_60, %scan3A_684 = %broadcast_in_dim3A_62) -> (vector<16xf32>, vector<16xf32>, vector<16xf32>, vector<16xf32>)  : i32 {
        %mul3A_685 = arith.constant 4 : i32
        %mul3A_686 = arith.muli %scan3A_680, %mul3A_685 : i32
        %add3A_687 = arith.constant 52 : i32
        %add3A_688 = arith.addi %add3A_687, %mul3A_686 : i32
        %add3A_689 = arith.constant 0 : i32
        %add3A_690 = arith.addi %add3A_688, %add3A_689 : i32
        %get3A = arith.index_cast %add3A_690 : i32 to index
        %get3A_691 = arith.constant 0 : index
        %get3A_692 = tpu.vector_load %arg10[%get3A, %get3A_691] {strides = array<i32>} : memref<104x64xf32, #tpu.memory_space<vmem>>, vector<1x16xf32>,
        %get3A_693 = vector.shape_cast %get3A_692 : vector<1x16xf32> to vector<16xf32>
        %add3A_694 = arith.addf %scan3A_681, %get3A_693 : vector<16xf32>
        %get3A_695 = arith.index_cast %add3A_690 : i32 to index
        %get3A_696 = arith.constant 16 : index
        %get3A_697 = tpu.vector_load %arg10[%get3A_695, %get3A_696] {strides = array<i32>} : memref<104x64xf32, #tpu.memory_space<vmem>>, vector<1x16xf32>,
        %get3A_698 = vector.shape_cast %get3A_697 : vector<1x16xf32> to vector<16xf32>
        %add3A_699 = arith.addf %scan3A_682, %get3A_698 : vector<16xf32>
        %get3A_700 = arith.index_cast %add3A_690 : i32 to index
        %get3A_701 = arith.constant 32 : index
        %get3A_702 = tpu.vector_load %arg10[%get3A_700, %get3A_701] {strides = array<i32>} : memref<104x64xf32, #tpu.memory_space<vmem>>, vector<1x16xf32>,
        %get3A_703 = vector.shape_cast %get3A_702 : vector<1x16xf32> to vector<16xf32>
        %add3A_704 = arith.addf %scan3A_683, %get3A_703 : vector<16xf32>
        %get3A_705 = arith.index_cast %add3A_690 : i32 to index
        %get3A_706 = arith.constant 48 : index
        %get3A_707 = tpu.vector_load %arg10[%get3A_705, %get3A_706] {strides = array<i32>} : memref<104x64xf32, #tpu.memory_space<vmem>>, vector<1x16xf32>,
        %get3A_708 = vector.shape_cast %get3A_707 : vector<1x16xf32> to vector<16xf32>
        %add3A_709 = arith.addf %scan3A_684, %get3A_708 : vector<16xf32>
        %mul3A_710 = arith.constant 4 : i32
        %mul3A_711 = arith.muli %scan3A_680, %mul3A_710 : i32
        %add3A_712 = arith.constant 52 : i32
        %add3A_713 = arith.addi %add3A_712, %mul3A_711 : i32
        %add3A_714 = arith.constant 1 : i32
        %add3A_715 = arith.addi %add3A_713, %add3A_714 : i32
        %get3A_716 = arith.index_cast %add3A_715 : i32 to index
        %get3A_717 = arith.constant 0 : index
        %get3A_718 = tpu.vector_load %arg10[%get3A_716, %get3A_717] {strides = array<i32>} : memref<104x64xf32, #tpu.memory_space<vmem>>, vector<1x16xf32>,
        %get3A_719 = vector.shape_cast %get3A_718 : vector<1x16xf32> to vector<16xf32>
        %add3A_720 = arith.addf %add3A_694, %get3A_719 : vector<16xf32>
        %get3A_721 = arith.index_cast %add3A_715 : i32 to index
        %get3A_722 = arith.constant 16 : index
        %get3A_723 = tpu.vector_load %arg10[%get3A_721, %get3A_722] {strides = array<i32>} : memref<104x64xf32, #tpu.memory_space<vmem>>, vector<1x16xf32>,
        %get3A_724 = vector.shape_cast %get3A_723 : vector<1x16xf32> to vector<16xf32>
        %add3A_725 = arith.addf %add3A_699, %get3A_724 : vector<16xf32>
        %get3A_726 = arith.index_cast %add3A_715 : i32 to index
        %get3A_727 = arith.constant 32 : index
        %get3A_728 = tpu.vector_load %arg10[%get3A_726, %get3A_727] {strides = array<i32>} : memref<104x64xf32, #tpu.memory_space<vmem>>, vector<1x16xf32>,
        %get3A_729 = vector.shape_cast %get3A_728 : vector<1x16xf32> to vector<16xf32>
        %add3A_730 = arith.addf %add3A_704, %get3A_729 : vector<16xf32>
        %get3A_731 = arith.index_cast %add3A_715 : i32 to index
        %get3A_732 = arith.constant 48 : index
        %get3A_733 = tpu.vector_load %arg10[%get3A_731, %get3A_732] {strides = array<i32>} : memref<104x64xf32, #tpu.memory_space<vmem>>, vector<1x16xf32>,
        %get3A_734 = vector.shape_cast %get3A_733 : vector<1x16xf32> to vector<16xf32>
        %add3A_735 = arith.addf %add3A_709, %get3A_734 : vector<16xf32>
        %mul3A_736 = arith.constant 4 : i32
        %mul3A_737 = arith.muli %scan3A_680, %mul3A_736 : i32
        %add3A_738 = arith.constant 52 : i32
        %add3A_739 = arith.addi %add3A_738, %mul3A_737 : i32
        %add3A_740 = arith.constant 2 : i32
        %add3A_741 = arith.addi %add3A_739, %add3A_740 : i32
        %get3A_742 = arith.index_cast %add3A_741 : i32 to index
        %get3A_743 = arith.constant 0 : index
        %get3A_744 = tpu.vector_load %arg10[%get3A_742, %get3A_743] {strides = array<i32>} : memref<104x64xf32, #tpu.memory_space<vmem>>, vector<1x16xf32>,
        %get3A_745 = vector.shape_cast %get3A_744 : vector<1x16xf32> to vector<16xf32>
        %add3A_746 = arith.addf %add3A_720, %get3A_745 : vector<16xf32>
        %get3A_747 = arith.index_cast %add3A_741 : i32 to index
        %get3A_748 = arith.constant 16 : index
        %get3A_749 = tpu.vector_load %arg10[%get3A_747, %get3A_748] {strides = array<i32>} : memref<104x64xf32, #tpu.memory_space<vmem>>, vector<1x16xf32>,
        %get3A_750 = vector.shape_cast %get3A_749 : vector<1x16xf32> to vector<16xf32>
        %add3A_751 = arith.addf %add3A_725, %get3A_750 : vector<16xf32>
        %get3A_752 = arith.index_cast %add3A_741 : i32 to index
        %get3A_753 = arith.constant 32 : index
        %get3A_754 = tpu.vector_load %arg10[%get3A_752, %get3A_753] {strides = array<i32>} : memref<104x64xf32, #tpu.memory_space<vmem>>, vector<1x16xf32>,
        %get3A_755 = vector.shape_cast %get3A_754 : vector<1x16xf32> to vector<16xf32>
        %add3A_756 = arith.addf %add3A_730, %get3A_755 : vector<16xf32>
        %get3A_757 = arith.index_cast %add3A_741 : i32 to index
        %get3A_758 = arith.constant 48 : index
        %get3A_759 = tpu.vector_load %arg10[%get3A_757, %get3A_758] {strides = array<i32>} : memref<104x64xf32, #tpu.memory_space<vmem>>, vector<1x16xf32>,
        %get3A_760 = vector.shape_cast %get3A_759 : vector<1x16xf32> to vector<16xf32>
        %add3A_761 = arith.addf %add3A_735, %get3A_760 : vector<16xf32>
        %mul3A_762 = arith.constant 4 : i32
        %mul3A_763 = arith.muli %scan3A_680, %mul3A_762 : i32
        %add3A_764 = arith.constant 52 : i32
        %add3A_765 = arith.addi %add3A_764, %mul3A_763 : i32
        %add3A_766 = arith.constant 3 : i32
        %add3A_767 = arith.addi %add3A_765, %add3A_766 : i32
        %get3A_768 = arith.index_cast %add3A_767 : i32 to index
        %get3A_769 = arith.constant 0 : index
        %get3A_770 = tpu.vector_load %arg10[%get3A_768, %get3A_769] {strides = array<i32>} : memref<104x64xf32, #tpu.memory_space<vmem>>, vector<1x16xf32>,
        %get3A_771 = vector.shape_cast %get3A_770 : vector<1x16xf32> to vector<16xf32>
        %add3A_772 = arith.addf %add3A_746, %get3A_771 : vector<16xf32>
        %get3A_773 = arith.index_cast %add3A_767 : i32 to index
        %get3A_774 = arith.constant 16 : index
        %get3A_775 = tpu.vector_load %arg10[%get3A_773, %get3A_774] {strides = array<i32>} : memref<104x64xf32, #tpu.memory_space<vmem>>, vector<1x16xf32>,
        %get3A_776 = vector.shape_cast %get3A_775 : vector<1x16xf32> to vector<16xf32>
        %add3A_777 = arith.addf %add3A_751, %get3A_776 : vector<16xf32>
        %get3A_778 = arith.index_cast %add3A_767 : i32 to index
        %get3A_779 = arith.constant 32 : index
        %get3A_780 = tpu.vector_load %arg10[%get3A_778, %get3A_779] {strides = array<i32>} : memref<104x64xf32, #tpu.memory_space<vmem>>, vector<1x16xf32>,
        %get3A_781 = vector.shape_cast %get3A_780 : vector<1x16xf32> to vector<16xf32>
        %add3A_782 = arith.addf %add3A_756, %get3A_781 : vector<16xf32>
        %get3A_783 = arith.index_cast %add3A_767 : i32 to index
        %get3A_784 = arith.constant 48 : index
        %get3A_785 = tpu.vector_load %arg10[%get3A_783, %get3A_784] {strides = array<i32>} : memref<104x64xf32, #tpu.memory_space<vmem>>, vector<1x16xf32>,
        %get3A_786 = vector.shape_cast %get3A_785 : vector<1x16xf32> to vector<16xf32>
        %add3A_787 = arith.addf %add3A_761, %get3A_786 : vector<16xf32>
        scf.yield %add3A_772, %add3A_777, %add3A_782, %add3A_787 : vector<16xf32>, vector<16xf32>, vector<16xf32>, vector<16xf32>
      }
      %scan3A_417 = arith.constant 13 : i32
      %mul3A_418 = arith.constant 2 : i32
      %mul3A_419 = arith.muli %add3A_375, %mul3A_418 : i32
      %add3A_420 = arith.constant 1 : i32
      %add3A_421 = arith.addi %mul3A_419, %add3A_420 : i32
      %swap3A_422 = arith.index_cast %add3A_421 : i32 to index
      %swap3A_423 = arith.constant 0 : index
      %swap3A_424 = tpu.vector_load %arg14[%swap3A_422, %swap3A_423] {strides = array<i32>} : memref<128x64xf32, #tpu.memory_space<vmem>>, vector<1x16xf32>,
      %swap3A_425 = vector.shape_cast %swap3A_424 : vector<1x16xf32> to vector<16xf32>
      %swap3A_426 = vector.shape_cast %scan3A_416#0 : vector<16xf32> to vector<1x16xf32>
      tpu.vector_store %arg14[%swap3A_422, %swap3A_423], %swap3A_426 {strides = array<i32>} : memref<128x64xf32, #tpu.memory_space<vmem>>, vector<1x16xf32>,
      %swap3A_427 = arith.index_cast %add3A_421 : i32 to index
      %swap3A_428 = arith.constant 16 : index
      %swap3A_429 = tpu.vector_load %arg14[%swap3A_427, %swap3A_428] {strides = array<i32>} : memref<128x64xf32, #tpu.memory_space<vmem>>, vector<1x16xf32>,
      %swap3A_430 = vector.shape_cast %swap3A_429 : vector<1x16xf32> to vector<16xf32>
      %swap3A_431 = vector.shape_cast %scan3A_416#1 : vector<16xf32> to vector<1x16xf32>
      tpu.vector_store %arg14[%swap3A_427, %swap3A_428], %swap3A_431 {strides = array<i32>} : memref<128x64xf32, #tpu.memory_space<vmem>>, vector<1x16xf32>,
      %swap3A_432 = arith.index_cast %add3A_421 : i32 to index
      %swap3A_433 = arith.constant 32 : index
      %swap3A_434 = tpu.vector_load %arg14[%swap3A_432, %swap3A_433] {strides = array<i32>} : memref<128x64xf32, #tpu.memory_space<vmem>>, vector<1x16xf32>,
      %swap3A_435 = vector.shape_cast %swap3A_434 : vector<1x16xf32> to vector<16xf32>
      %swap3A_436 = vector.shape_cast %scan3A_416#2 : vector<16xf32> to vector<1x16xf32>
      tpu.vector_store %arg14[%swap3A_432, %swap3A_433], %swap3A_436 {strides = array<i32>} : memref<128x64xf32, #tpu.memory_space<vmem>>, vector<1x16xf32>,
      %swap3A_437 = arith.index_cast %add3A_421 : i32 to index
      %swap3A_438 = arith.constant 48 : index
      %swap3A_439 = tpu.vector_load %arg14[%swap3A_437, %swap3A_438] {strides = array<i32>} : memref<128x64xf32, #tpu.memory_space<vmem>>, vector<1x16xf32>,
      %swap3A_440 = vector.shape_cast %swap3A_439 : vector<1x16xf32> to vector<16xf32>
      %swap3A_441 = vector.shape_cast %scan3A_416#3 : vector<16xf32> to vector<1x16xf32>
      tpu.vector_store %arg14[%swap3A_437, %swap3A_438], %swap3A_441 {strides = array<i32>} : memref<128x64xf32, #tpu.memory_space<vmem>>, vector<1x16xf32>,
      %add3A_442 = arith.constant 8 : i32
      %add3A_443 = arith.addi %add3A_375, %add3A_442 : i32
      %lt3A_444 = arith.constant 64 : i32
      %lt3A_445 = arith.cmpi slt, %add3A_443, %lt3A_444 : i32
      %convert_element_type3A_446 = arith.extui %lt3A_445 : i1 to i32
      %cond3A_447 = arith.constant 0 : i32
      %cond3A_448 = arith.cmpi ne, %convert_element_type3A_446, %cond3A_447 : i32
      scf.if %cond3A_448 {
        %add3A_680 = arith.constant 8 : i32
        %add3A_681 = arith.addi %add3A_375, %add3A_680 : i32
        %dma_start3A_682 = arith.constant 0 : i32
        %dma_start3A_683 = tpu.memref_slice %arg5[%add3A_681, %dma_start3A_682] : memref<64x104xi32, #tpu.memory_space<vmem>> -> memref<1x104xi32, #tpu.memory_space<vmem>>
        %dma_start3A_684 = tpu.memref_squeeze %dma_start3A_683 : memref<1x104xi32, #tpu.memory_space<vmem>> -> memref<104xi32, #tpu.memory_space<vmem>>
        %dma_start3A_685 = arith.constant 0 : i32
        %dma_start3A_686 = arith.constant 0 : i32
        %dma_start3A_687 = tpu.memref_slice %arg3[%dma_start3A_685, %dma_start3A_686] : memref<100001x64xf32, #tpu.memory_space<hbm>> -> memref<100001x64xf32, #tpu.memory_space<hbm>>
        tpu.enqueue_indirect_dma source(%dma_start3A_687 : memref<100001x64xf32, #tpu.memory_space<hbm>>) target(%arg10 : memref<104x64xf32, #tpu.memory_space<vmem>>) offsets(%dma_start3A_684 : memref<104xi32, #tpu.memory_space<vmem>>) semaphore(%arg19 : memref<!tpu.dma_semaphore, #tpu.memory_space<semaphore_mem>>)
      } else {
      }
      %mul3A_449 = arith.constant 8 : i32
      %mul3A_450 = arith.muli %scan3A_68, %mul3A_449 : i32
      %add3A_451 = arith.constant 5 : i32
      %add3A_452 = arith.addi %mul3A_450, %add3A_451 : i32
      %dma_wait3A_453 = arith.constant 0 : i32
      %dma_wait3A_454 = arith.constant 0 : i32
      %dma_wait3A_455 = tpu.memref_slice %arg3[%dma_wait3A_453, %dma_wait3A_454] : memref<100001x64xf32, #tpu.memory_space<hbm>> -> memref<104x64xf32, #tpu.memory_space<hbm>>
      %dma_wait3A_456 = arith.constant 0 : i32
      %dma_wait3A_457 = arith.constant 0 : i32
      %dma_wait3A_458 = tpu.memref_slice %arg3[%dma_wait3A_456, %dma_wait3A_457] : memref<100001x64xf32, #tpu.memory_space<hbm>> -> memref<104x64xf32, #tpu.memory_space<hbm>>
      tpu.wait_dma2 semaphore(%arg20 : memref<!tpu.dma_semaphore, #tpu.memory_space<semaphore_mem>>) src(%dma_wait3A_458 : memref<104x64xf32, #tpu.memory_space<hbm>>) dst(%arg11 : memref<104x64xf32, #tpu.memory_space<vmem>>)
      %scan3A_459 = arith.constant 0 : i32
      %scan3A_460 = arith.constant 13 : i32
      %scan3A_461 = arith.addi %scan3A_459, %scan3A_460 : i32
      %scan3A_462 = arith.constant 1 : i32
      %scan3A_463:4 = scf.for %scan3A_680 = %scan3A_459 to %scan3A_461 step %scan3A_462 iter_args(%scan3A_681 = %broadcast_in_dim3A_56, %scan3A_682 = %broadcast_in_dim3A_58, %scan3A_683 = %broadcast_in_dim3A_60, %scan3A_684 = %broadcast_in_dim3A_62) -> (vector<16xf32>, vector<16xf32>, vector<16xf32>, vector<16xf32>)  : i32 {
        %mul3A_685 = arith.constant 4 : i32
        %mul3A_686 = arith.muli %scan3A_680, %mul3A_685 : i32
        %add3A_687 = arith.constant 0 : i32
        %add3A_688 = arith.addi %add3A_687, %mul3A_686 : i32
        %add3A_689 = arith.constant 0 : i32
        %add3A_690 = arith.addi %add3A_688, %add3A_689 : i32
        %get3A = arith.index_cast %add3A_690 : i32 to index
        %get3A_691 = arith.constant 0 : index
        %get3A_692 = tpu.vector_load %arg11[%get3A, %get3A_691] {strides = array<i32>} : memref<104x64xf32, #tpu.memory_space<vmem>>, vector<1x16xf32>,
        %get3A_693 = vector.shape_cast %get3A_692 : vector<1x16xf32> to vector<16xf32>
        %add3A_694 = arith.addf %scan3A_681, %get3A_693 : vector<16xf32>
        %get3A_695 = arith.index_cast %add3A_690 : i32 to index
        %get3A_696 = arith.constant 16 : index
        %get3A_697 = tpu.vector_load %arg11[%get3A_695, %get3A_696] {strides = array<i32>} : memref<104x64xf32, #tpu.memory_space<vmem>>, vector<1x16xf32>,
        %get3A_698 = vector.shape_cast %get3A_697 : vector<1x16xf32> to vector<16xf32>
        %add3A_699 = arith.addf %scan3A_682, %get3A_698 : vector<16xf32>
        %get3A_700 = arith.index_cast %add3A_690 : i32 to index
        %get3A_701 = arith.constant 32 : index
        %get3A_702 = tpu.vector_load %arg11[%get3A_700, %get3A_701] {strides = array<i32>} : memref<104x64xf32, #tpu.memory_space<vmem>>, vector<1x16xf32>,
        %get3A_703 = vector.shape_cast %get3A_702 : vector<1x16xf32> to vector<16xf32>
        %add3A_704 = arith.addf %scan3A_683, %get3A_703 : vector<16xf32>
        %get3A_705 = arith.index_cast %add3A_690 : i32 to index
        %get3A_706 = arith.constant 48 : index
        %get3A_707 = tpu.vector_load %arg11[%get3A_705, %get3A_706] {strides = array<i32>} : memref<104x64xf32, #tpu.memory_space<vmem>>, vector<1x16xf32>,
        %get3A_708 = vector.shape_cast %get3A_707 : vector<1x16xf32> to vector<16xf32>
        %add3A_709 = arith.addf %scan3A_684, %get3A_708 : vector<16xf32>
        %mul3A_710 = arith.constant 4 : i32
        %mul3A_711 = arith.muli %scan3A_680, %mul3A_710 : i32
        %add3A_712 = arith.constant 0 : i32
        %add3A_713 = arith.addi %add3A_712, %mul3A_711 : i32
        %add3A_714 = arith.constant 1 : i32
        %add3A_715 = arith.addi %add3A_713, %add3A_714 : i32
        %get3A_716 = arith.index_cast %add3A_715 : i32 to index
        %get3A_717 = arith.constant 0 : index
        %get3A_718 = tpu.vector_load %arg11[%get3A_716, %get3A_717] {strides = array<i32>} : memref<104x64xf32, #tpu.memory_space<vmem>>, vector<1x16xf32>,
        %get3A_719 = vector.shape_cast %get3A_718 : vector<1x16xf32> to vector<16xf32>
        %add3A_720 = arith.addf %add3A_694, %get3A_719 : vector<16xf32>
        %get3A_721 = arith.index_cast %add3A_715 : i32 to index
        %get3A_722 = arith.constant 16 : index
        %get3A_723 = tpu.vector_load %arg11[%get3A_721, %get3A_722] {strides = array<i32>} : memref<104x64xf32, #tpu.memory_space<vmem>>, vector<1x16xf32>,
        %get3A_724 = vector.shape_cast %get3A_723 : vector<1x16xf32> to vector<16xf32>
        %add3A_725 = arith.addf %add3A_699, %get3A_724 : vector<16xf32>
        %get3A_726 = arith.index_cast %add3A_715 : i32 to index
        %get3A_727 = arith.constant 32 : index
        %get3A_728 = tpu.vector_load %arg11[%get3A_726, %get3A_727] {strides = array<i32>} : memref<104x64xf32, #tpu.memory_space<vmem>>, vector<1x16xf32>,
        %get3A_729 = vector.shape_cast %get3A_728 : vector<1x16xf32> to vector<16xf32>
        %add3A_730 = arith.addf %add3A_704, %get3A_729 : vector<16xf32>
        %get3A_731 = arith.index_cast %add3A_715 : i32 to index
        %get3A_732 = arith.constant 48 : index
        %get3A_733 = tpu.vector_load %arg11[%get3A_731, %get3A_732] {strides = array<i32>} : memref<104x64xf32, #tpu.memory_space<vmem>>, vector<1x16xf32>,
        %get3A_734 = vector.shape_cast %get3A_733 : vector<1x16xf32> to vector<16xf32>
        %add3A_735 = arith.addf %add3A_709, %get3A_734 : vector<16xf32>
        %mul3A_736 = arith.constant 4 : i32
        %mul3A_737 = arith.muli %scan3A_680, %mul3A_736 : i32
        %add3A_738 = arith.constant 0 : i32
        %add3A_739 = arith.addi %add3A_738, %mul3A_737 : i32
        %add3A_740 = arith.constant 2 : i32
        %add3A_741 = arith.addi %add3A_739, %add3A_740 : i32
        %get3A_742 = arith.index_cast %add3A_741 : i32 to index
        %get3A_743 = arith.constant 0 : index
        %get3A_744 = tpu.vector_load %arg11[%get3A_742, %get3A_743] {strides = array<i32>} : memref<104x64xf32, #tpu.memory_space<vmem>>, vector<1x16xf32>,
        %get3A_745 = vector.shape_cast %get3A_744 : vector<1x16xf32> to vector<16xf32>
        %add3A_746 = arith.addf %add3A_720, %get3A_745 : vector<16xf32>
        %get3A_747 = arith.index_cast %add3A_741 : i32 to index
        %get3A_748 = arith.constant 16 : index
        %get3A_749 = tpu.vector_load %arg11[%get3A_747, %get3A_748] {strides = array<i32>} : memref<104x64xf32, #tpu.memory_space<vmem>>, vector<1x16xf32>,
        %get3A_750 = vector.shape_cast %get3A_749 : vector<1x16xf32> to vector<16xf32>
        %add3A_751 = arith.addf %add3A_725, %get3A_750 : vector<16xf32>
        %get3A_752 = arith.index_cast %add3A_741 : i32 to index
        %get3A_753 = arith.constant 32 : index
        %get3A_754 = tpu.vector_load %arg11[%get3A_752, %get3A_753] {strides = array<i32>} : memref<104x64xf32, #tpu.memory_space<vmem>>, vector<1x16xf32>,
        %get3A_755 = vector.shape_cast %get3A_754 : vector<1x16xf32> to vector<16xf32>
        %add3A_756 = arith.addf %add3A_730, %get3A_755 : vector<16xf32>
        %get3A_757 = arith.index_cast %add3A_741 : i32 to index
        %get3A_758 = arith.constant 48 : index
        %get3A_759 = tpu.vector_load %arg11[%get3A_757, %get3A_758] {strides = array<i32>} : memref<104x64xf32, #tpu.memory_space<vmem>>, vector<1x16xf32>,
        %get3A_760 = vector.shape_cast %get3A_759 : vector<1x16xf32> to vector<16xf32>
        %add3A_761 = arith.addf %add3A_735, %get3A_760 : vector<16xf32>
        %mul3A_762 = arith.constant 4 : i32
        %mul3A_763 = arith.muli %scan3A_680, %mul3A_762 : i32
        %add3A_764 = arith.constant 0 : i32
        %add3A_765 = arith.addi %add3A_764, %mul3A_763 : i32
        %add3A_766 = arith.constant 3 : i32
        %add3A_767 = arith.addi %add3A_765, %add3A_766 : i32
        %get3A_768 = arith.index_cast %add3A_767 : i32 to index
        %get3A_769 = arith.constant 0 : index
        %get3A_770 = tpu.vector_load %arg11[%get3A_768, %get3A_769] {strides = array<i32>} : memref<104x64xf32, #tpu.memory_space<vmem>>, vector<1x16xf32>,
        %get3A_771 = vector.shape_cast %get3A_770 : vector<1x16xf32> to vector<16xf32>
        %add3A_772 = arith.addf %add3A_746, %get3A_771 : vector<16xf32>
        %get3A_773 = arith.index_cast %add3A_767 : i32 to index
        %get3A_774 = arith.constant 16 : index
        %get3A_775 = tpu.vector_load %arg11[%get3A_773, %get3A_774] {strides = array<i32>} : memref<104x64xf32, #tpu.memory_space<vmem>>, vector<1x16xf32>,
        %get3A_776 = vector.shape_cast %get3A_775 : vector<1x16xf32> to vector<16xf32>
        %add3A_777 = arith.addf %add3A_751, %get3A_776 : vector<16xf32>
        %get3A_778 = arith.index_cast %add3A_767 : i32 to index
        %get3A_779 = arith.constant 32 : index
        %get3A_780 = tpu.vector_load %arg11[%get3A_778, %get3A_779] {strides = array<i32>} : memref<104x64xf32, #tpu.memory_space<vmem>>, vector<1x16xf32>,
        %get3A_781 = vector.shape_cast %get3A_780 : vector<1x16xf32> to vector<16xf32>
        %add3A_782 = arith.addf %add3A_756, %get3A_781 : vector<16xf32>
        %get3A_783 = arith.index_cast %add3A_767 : i32 to index
        %get3A_784 = arith.constant 48 : index
        %get3A_785 = tpu.vector_load %arg11[%get3A_783, %get3A_784] {strides = array<i32>} : memref<104x64xf32, #tpu.memory_space<vmem>>, vector<1x16xf32>,
        %get3A_786 = vector.shape_cast %get3A_785 : vector<1x16xf32> to vector<16xf32>
        %add3A_787 = arith.addf %add3A_761, %get3A_786 : vector<16xf32>
        scf.yield %add3A_772, %add3A_777, %add3A_782, %add3A_787 : vector<16xf32>, vector<16xf32>, vector<16xf32>, vector<16xf32>
      }
      %scan3A_464 = arith.constant 13 : i32
      %mul3A_465 = arith.constant 2 : i32
      %mul3A_466 = arith.muli %add3A_452, %mul3A_465 : i32
      %add3A_467 = arith.constant 0 : i32
      %add3A_468 = arith.addi %mul3A_466, %add3A_467 : i32
      %swap3A_469 = arith.index_cast %add3A_468 : i32 to index
      %swap3A_470 = arith.constant 0 : index
      %swap3A_471 = tpu.vector_load %arg14[%swap3A_469, %swap3A_470] {strides = array<i32>} : memref<128x64xf32, #tpu.memory_space<vmem>>, vector<1x16xf32>,
      %swap3A_472 = vector.shape_cast %swap3A_471 : vector<1x16xf32> to vector<16xf32>
      %swap3A_473 = vector.shape_cast %scan3A_463#0 : vector<16xf32> to vector<1x16xf32>
      tpu.vector_store %arg14[%swap3A_469, %swap3A_470], %swap3A_473 {strides = array<i32>} : memref<128x64xf32, #tpu.memory_space<vmem>>, vector<1x16xf32>,
      %swap3A_474 = arith.index_cast %add3A_468 : i32 to index
      %swap3A_475 = arith.constant 16 : index
      %swap3A_476 = tpu.vector_load %arg14[%swap3A_474, %swap3A_475] {strides = array<i32>} : memref<128x64xf32, #tpu.memory_space<vmem>>, vector<1x16xf32>,
      %swap3A_477 = vector.shape_cast %swap3A_476 : vector<1x16xf32> to vector<16xf32>
      %swap3A_478 = vector.shape_cast %scan3A_463#1 : vector<16xf32> to vector<1x16xf32>
      tpu.vector_store %arg14[%swap3A_474, %swap3A_475], %swap3A_478 {strides = array<i32>} : memref<128x64xf32, #tpu.memory_space<vmem>>, vector<1x16xf32>,
      %swap3A_479 = arith.index_cast %add3A_468 : i32 to index
      %swap3A_480 = arith.constant 32 : index
      %swap3A_481 = tpu.vector_load %arg14[%swap3A_479, %swap3A_480] {strides = array<i32>} : memref<128x64xf32, #tpu.memory_space<vmem>>, vector<1x16xf32>,
      %swap3A_482 = vector.shape_cast %swap3A_481 : vector<1x16xf32> to vector<16xf32>
      %swap3A_483 = vector.shape_cast %scan3A_463#2 : vector<16xf32> to vector<1x16xf32>
      tpu.vector_store %arg14[%swap3A_479, %swap3A_480], %swap3A_483 {strides = array<i32>} : memref<128x64xf32, #tpu.memory_space<vmem>>, vector<1x16xf32>,
      %swap3A_484 = arith.index_cast %add3A_468 : i32 to index
      %swap3A_485 = arith.constant 48 : index
      %swap3A_486 = tpu.vector_load %arg14[%swap3A_484, %swap3A_485] {strides = array<i32>} : memref<128x64xf32, #tpu.memory_space<vmem>>, vector<1x16xf32>,
      %swap3A_487 = vector.shape_cast %swap3A_486 : vector<1x16xf32> to vector<16xf32>
      %swap3A_488 = vector.shape_cast %scan3A_463#3 : vector<16xf32> to vector<1x16xf32>
      tpu.vector_store %arg14[%swap3A_484, %swap3A_485], %swap3A_488 {strides = array<i32>} : memref<128x64xf32, #tpu.memory_space<vmem>>, vector<1x16xf32>,
      %scan3A_489 = arith.constant 0 : i32
      %scan3A_490 = arith.constant 13 : i32
      %scan3A_491 = arith.addi %scan3A_489, %scan3A_490 : i32
      %scan3A_492 = arith.constant 1 : i32
      %scan3A_493:4 = scf.for %scan3A_680 = %scan3A_489 to %scan3A_491 step %scan3A_492 iter_args(%scan3A_681 = %broadcast_in_dim3A_56, %scan3A_682 = %broadcast_in_dim3A_58, %scan3A_683 = %broadcast_in_dim3A_60, %scan3A_684 = %broadcast_in_dim3A_62) -> (vector<16xf32>, vector<16xf32>, vector<16xf32>, vector<16xf32>)  : i32 {
        %mul3A_685 = arith.constant 4 : i32
        %mul3A_686 = arith.muli %scan3A_680, %mul3A_685 : i32
        %add3A_687 = arith.constant 52 : i32
        %add3A_688 = arith.addi %add3A_687, %mul3A_686 : i32
        %add3A_689 = arith.constant 0 : i32
        %add3A_690 = arith.addi %add3A_688, %add3A_689 : i32
        %get3A = arith.index_cast %add3A_690 : i32 to index
        %get3A_691 = arith.constant 0 : index
        %get3A_692 = tpu.vector_load %arg11[%get3A, %get3A_691] {strides = array<i32>} : memref<104x64xf32, #tpu.memory_space<vmem>>, vector<1x16xf32>,
        %get3A_693 = vector.shape_cast %get3A_692 : vector<1x16xf32> to vector<16xf32>
        %add3A_694 = arith.addf %scan3A_681, %get3A_693 : vector<16xf32>
        %get3A_695 = arith.index_cast %add3A_690 : i32 to index
        %get3A_696 = arith.constant 16 : index
        %get3A_697 = tpu.vector_load %arg11[%get3A_695, %get3A_696] {strides = array<i32>} : memref<104x64xf32, #tpu.memory_space<vmem>>, vector<1x16xf32>,
        %get3A_698 = vector.shape_cast %get3A_697 : vector<1x16xf32> to vector<16xf32>
        %add3A_699 = arith.addf %scan3A_682, %get3A_698 : vector<16xf32>
        %get3A_700 = arith.index_cast %add3A_690 : i32 to index
        %get3A_701 = arith.constant 32 : index
        %get3A_702 = tpu.vector_load %arg11[%get3A_700, %get3A_701] {strides = array<i32>} : memref<104x64xf32, #tpu.memory_space<vmem>>, vector<1x16xf32>,
        %get3A_703 = vector.shape_cast %get3A_702 : vector<1x16xf32> to vector<16xf32>
        %add3A_704 = arith.addf %scan3A_683, %get3A_703 : vector<16xf32>
        %get3A_705 = arith.index_cast %add3A_690 : i32 to index
        %get3A_706 = arith.constant 48 : index
        %get3A_707 = tpu.vector_load %arg11[%get3A_705, %get3A_706] {strides = array<i32>} : memref<104x64xf32, #tpu.memory_space<vmem>>, vector<1x16xf32>,
        %get3A_708 = vector.shape_cast %get3A_707 : vector<1x16xf32> to vector<16xf32>
        %add3A_709 = arith.addf %scan3A_684, %get3A_708 : vector<16xf32>
        %mul3A_710 = arith.constant 4 : i32
        %mul3A_711 = arith.muli %scan3A_680, %mul3A_710 : i32
        %add3A_712 = arith.constant 52 : i32
        %add3A_713 = arith.addi %add3A_712, %mul3A_711 : i32
        %add3A_714 = arith.constant 1 : i32
        %add3A_715 = arith.addi %add3A_713, %add3A_714 : i32
        %get3A_716 = arith.index_cast %add3A_715 : i32 to index
        %get3A_717 = arith.constant 0 : index
        %get3A_718 = tpu.vector_load %arg11[%get3A_716, %get3A_717] {strides = array<i32>} : memref<104x64xf32, #tpu.memory_space<vmem>>, vector<1x16xf32>,
        %get3A_719 = vector.shape_cast %get3A_718 : vector<1x16xf32> to vector<16xf32>
        %add3A_720 = arith.addf %add3A_694, %get3A_719 : vector<16xf32>
        %get3A_721 = arith.index_cast %add3A_715 : i32 to index
        %get3A_722 = arith.constant 16 : index
        %get3A_723 = tpu.vector_load %arg11[%get3A_721, %get3A_722] {strides = array<i32>} : memref<104x64xf32, #tpu.memory_space<vmem>>, vector<1x16xf32>,
        %get3A_724 = vector.shape_cast %get3A_723 : vector<1x16xf32> to vector<16xf32>
        %add3A_725 = arith.addf %add3A_699, %get3A_724 : vector<16xf32>
        %get3A_726 = arith.index_cast %add3A_715 : i32 to index
        %get3A_727 = arith.constant 32 : index
        %get3A_728 = tpu.vector_load %arg11[%get3A_726, %get3A_727] {strides = array<i32>} : memref<104x64xf32, #tpu.memory_space<vmem>>, vector<1x16xf32>,
        %get3A_729 = vector.shape_cast %get3A_728 : vector<1x16xf32> to vector<16xf32>
        %add3A_730 = arith.addf %add3A_704, %get3A_729 : vector<16xf32>
        %get3A_731 = arith.index_cast %add3A_715 : i32 to index
        %get3A_732 = arith.constant 48 : index
        %get3A_733 = tpu.vector_load %arg11[%get3A_731, %get3A_732] {strides = array<i32>} : memref<104x64xf32, #tpu.memory_space<vmem>>, vector<1x16xf32>,
        %get3A_734 = vector.shape_cast %get3A_733 : vector<1x16xf32> to vector<16xf32>
        %add3A_735 = arith.addf %add3A_709, %get3A_734 : vector<16xf32>
        %mul3A_736 = arith.constant 4 : i32
        %mul3A_737 = arith.muli %scan3A_680, %mul3A_736 : i32
        %add3A_738 = arith.constant 52 : i32
        %add3A_739 = arith.addi %add3A_738, %mul3A_737 : i32
        %add3A_740 = arith.constant 2 : i32
        %add3A_741 = arith.addi %add3A_739, %add3A_740 : i32
        %get3A_742 = arith.index_cast %add3A_741 : i32 to index
        %get3A_743 = arith.constant 0 : index
        %get3A_744 = tpu.vector_load %arg11[%get3A_742, %get3A_743] {strides = array<i32>} : memref<104x64xf32, #tpu.memory_space<vmem>>, vector<1x16xf32>,
        %get3A_745 = vector.shape_cast %get3A_744 : vector<1x16xf32> to vector<16xf32>
        %add3A_746 = arith.addf %add3A_720, %get3A_745 : vector<16xf32>
        %get3A_747 = arith.index_cast %add3A_741 : i32 to index
        %get3A_748 = arith.constant 16 : index
        %get3A_749 = tpu.vector_load %arg11[%get3A_747, %get3A_748] {strides = array<i32>} : memref<104x64xf32, #tpu.memory_space<vmem>>, vector<1x16xf32>,
        %get3A_750 = vector.shape_cast %get3A_749 : vector<1x16xf32> to vector<16xf32>
        %add3A_751 = arith.addf %add3A_725, %get3A_750 : vector<16xf32>
        %get3A_752 = arith.index_cast %add3A_741 : i32 to index
        %get3A_753 = arith.constant 32 : index
        %get3A_754 = tpu.vector_load %arg11[%get3A_752, %get3A_753] {strides = array<i32>} : memref<104x64xf32, #tpu.memory_space<vmem>>, vector<1x16xf32>,
        %get3A_755 = vector.shape_cast %get3A_754 : vector<1x16xf32> to vector<16xf32>
        %add3A_756 = arith.addf %add3A_730, %get3A_755 : vector<16xf32>
        %get3A_757 = arith.index_cast %add3A_741 : i32 to index
        %get3A_758 = arith.constant 48 : index
        %get3A_759 = tpu.vector_load %arg11[%get3A_757, %get3A_758] {strides = array<i32>} : memref<104x64xf32, #tpu.memory_space<vmem>>, vector<1x16xf32>,
        %get3A_760 = vector.shape_cast %get3A_759 : vector<1x16xf32> to vector<16xf32>
        %add3A_761 = arith.addf %add3A_735, %get3A_760 : vector<16xf32>
        %mul3A_762 = arith.constant 4 : i32
        %mul3A_763 = arith.muli %scan3A_680, %mul3A_762 : i32
        %add3A_764 = arith.constant 52 : i32
        %add3A_765 = arith.addi %add3A_764, %mul3A_763 : i32
        %add3A_766 = arith.constant 3 : i32
        %add3A_767 = arith.addi %add3A_765, %add3A_766 : i32
        %get3A_768 = arith.index_cast %add3A_767 : i32 to index
        %get3A_769 = arith.constant 0 : index
        %get3A_770 = tpu.vector_load %arg11[%get3A_768, %get3A_769] {strides = array<i32>} : memref<104x64xf32, #tpu.memory_space<vmem>>, vector<1x16xf32>,
        %get3A_771 = vector.shape_cast %get3A_770 : vector<1x16xf32> to vector<16xf32>
        %add3A_772 = arith.addf %add3A_746, %get3A_771 : vector<16xf32>
        %get3A_773 = arith.index_cast %add3A_767 : i32 to index
        %get3A_774 = arith.constant 16 : index
        %get3A_775 = tpu.vector_load %arg11[%get3A_773, %get3A_774] {strides = array<i32>} : memref<104x64xf32, #tpu.memory_space<vmem>>, vector<1x16xf32>,
        %get3A_776 = vector.shape_cast %get3A_775 : vector<1x16xf32> to vector<16xf32>
        %add3A_777 = arith.addf %add3A_751, %get3A_776 : vector<16xf32>
        %get3A_778 = arith.index_cast %add3A_767 : i32 to index
        %get3A_779 = arith.constant 32 : index
        %get3A_780 = tpu.vector_load %arg11[%get3A_778, %get3A_779] {strides = array<i32>} : memref<104x64xf32, #tpu.memory_space<vmem>>, vector<1x16xf32>,
        %get3A_781 = vector.shape_cast %get3A_780 : vector<1x16xf32> to vector<16xf32>
        %add3A_782 = arith.addf %add3A_756, %get3A_781 : vector<16xf32>
        %get3A_783 = arith.index_cast %add3A_767 : i32 to index
        %get3A_784 = arith.constant 48 : index
        %get3A_785 = tpu.vector_load %arg11[%get3A_783, %get3A_784] {strides = array<i32>} : memref<104x64xf32, #tpu.memory_space<vmem>>, vector<1x16xf32>,
        %get3A_786 = vector.shape_cast %get3A_785 : vector<1x16xf32> to vector<16xf32>
        %add3A_787 = arith.addf %add3A_761, %get3A_786 : vector<16xf32>
        scf.yield %add3A_772, %add3A_777, %add3A_782, %add3A_787 : vector<16xf32>, vector<16xf32>, vector<16xf32>, vector<16xf32>
      }
      %scan3A_494 = arith.constant 13 : i32
      %mul3A_495 = arith.constant 2 : i32
      %mul3A_496 = arith.muli %add3A_452, %mul3A_495 : i32
      %add3A_497 = arith.constant 1 : i32
      %add3A_498 = arith.addi %mul3A_496, %add3A_497 : i32
      %swap3A_499 = arith.index_cast %add3A_498 : i32 to index
      %swap3A_500 = arith.constant 0 : index
      %swap3A_501 = tpu.vector_load %arg14[%swap3A_499, %swap3A_500] {strides = array<i32>} : memref<128x64xf32, #tpu.memory_space<vmem>>, vector<1x16xf32>,
      %swap3A_502 = vector.shape_cast %swap3A_501 : vector<1x16xf32> to vector<16xf32>
      %swap3A_503 = vector.shape_cast %scan3A_493#0 : vector<16xf32> to vector<1x16xf32>
      tpu.vector_store %arg14[%swap3A_499, %swap3A_500], %swap3A_503 {strides = array<i32>} : memref<128x64xf32, #tpu.memory_space<vmem>>, vector<1x16xf32>,
      %swap3A_504 = arith.index_cast %add3A_498 : i32 to index
      %swap3A_505 = arith.constant 16 : index
      %swap3A_506 = tpu.vector_load %arg14[%swap3A_504, %swap3A_505] {strides = array<i32>} : memref<128x64xf32, #tpu.memory_space<vmem>>, vector<1x16xf32>,
      %swap3A_507 = vector.shape_cast %swap3A_506 : vector<1x16xf32> to vector<16xf32>
      %swap3A_508 = vector.shape_cast %scan3A_493#1 : vector<16xf32> to vector<1x16xf32>
      tpu.vector_store %arg14[%swap3A_504, %swap3A_505], %swap3A_508 {strides = array<i32>} : memref<128x64xf32, #tpu.memory_space<vmem>>, vector<1x16xf32>,
      %swap3A_509 = arith.index_cast %add3A_498 : i32 to index
      %swap3A_510 = arith.constant 32 : index
      %swap3A_511 = tpu.vector_load %arg14[%swap3A_509, %swap3A_510] {strides = array<i32>} : memref<128x64xf32, #tpu.memory_space<vmem>>, vector<1x16xf32>,
      %swap3A_512 = vector.shape_cast %swap3A_511 : vector<1x16xf32> to vector<16xf32>
      %swap3A_513 = vector.shape_cast %scan3A_493#2 : vector<16xf32> to vector<1x16xf32>
      tpu.vector_store %arg14[%swap3A_509, %swap3A_510], %swap3A_513 {strides = array<i32>} : memref<128x64xf32, #tpu.memory_space<vmem>>, vector<1x16xf32>,
      %swap3A_514 = arith.index_cast %add3A_498 : i32 to index
      %swap3A_515 = arith.constant 48 : index
      %swap3A_516 = tpu.vector_load %arg14[%swap3A_514, %swap3A_515] {strides = array<i32>} : memref<128x64xf32, #tpu.memory_space<vmem>>, vector<1x16xf32>,
      %swap3A_517 = vector.shape_cast %swap3A_516 : vector<1x16xf32> to vector<16xf32>
      %swap3A_518 = vector.shape_cast %scan3A_493#3 : vector<16xf32> to vector<1x16xf32>
      tpu.vector_store %arg14[%swap3A_514, %swap3A_515], %swap3A_518 {strides = array<i32>} : memref<128x64xf32, #tpu.memory_space<vmem>>, vector<1x16xf32>,
      %add3A_519 = arith.constant 8 : i32
      %add3A_520 = arith.addi %add3A_452, %add3A_519 : i32
      %lt3A_521 = arith.constant 64 : i32
      %lt3A_522 = arith.cmpi slt, %add3A_520, %lt3A_521 : i32
      %convert_element_type3A_523 = arith.extui %lt3A_522 : i1 to i32
      %cond3A_524 = arith.constant 0 : i32
      %cond3A_525 = arith.cmpi ne, %convert_element_type3A_523, %cond3A_524 : i32
      scf.if %cond3A_525 {
        %add3A_680 = arith.constant 8 : i32
        %add3A_681 = arith.addi %add3A_452, %add3A_680 : i32
        %dma_start3A_682 = arith.constant 0 : i32
        %dma_start3A_683 = tpu.memref_slice %arg5[%add3A_681, %dma_start3A_682] : memref<64x104xi32, #tpu.memory_space<vmem>> -> memref<1x104xi32, #tpu.memory_space<vmem>>
        %dma_start3A_684 = tpu.memref_squeeze %dma_start3A_683 : memref<1x104xi32, #tpu.memory_space<vmem>> -> memref<104xi32, #tpu.memory_space<vmem>>
        %dma_start3A_685 = arith.constant 0 : i32
        %dma_start3A_686 = arith.constant 0 : i32
        %dma_start3A_687 = tpu.memref_slice %arg3[%dma_start3A_685, %dma_start3A_686] : memref<100001x64xf32, #tpu.memory_space<hbm>> -> memref<100001x64xf32, #tpu.memory_space<hbm>>
        tpu.enqueue_indirect_dma source(%dma_start3A_687 : memref<100001x64xf32, #tpu.memory_space<hbm>>) target(%arg11 : memref<104x64xf32, #tpu.memory_space<vmem>>) offsets(%dma_start3A_684 : memref<104xi32, #tpu.memory_space<vmem>>) semaphore(%arg20 : memref<!tpu.dma_semaphore, #tpu.memory_space<semaphore_mem>>)
      } else {
      }
      %mul3A_526 = arith.constant 8 : i32
      %mul3A_527 = arith.muli %scan3A_68, %mul3A_526 : i32
      %add3A_528 = arith.constant 6 : i32
      %add3A_529 = arith.addi %mul3A_527, %add3A_528 : i32
      %dma_wait3A_530 = arith.constant 0 : i32
      %dma_wait3A_531 = arith.constant 0 : i32
      %dma_wait3A_532 = tpu.memref_slice %arg3[%dma_wait3A_530, %dma_wait3A_531] : memref<100001x64xf32, #tpu.memory_space<hbm>> -> memref<104x64xf32, #tpu.memory_space<hbm>>
      %dma_wait3A_533 = arith.constant 0 : i32
      %dma_wait3A_534 = arith.constant 0 : i32
      %dma_wait3A_535 = tpu.memref_slice %arg3[%dma_wait3A_533, %dma_wait3A_534] : memref<100001x64xf32, #tpu.memory_space<hbm>> -> memref<104x64xf32, #tpu.memory_space<hbm>>
      tpu.wait_dma2 semaphore(%arg21 : memref<!tpu.dma_semaphore, #tpu.memory_space<semaphore_mem>>) src(%dma_wait3A_535 : memref<104x64xf32, #tpu.memory_space<hbm>>) dst(%arg12 : memref<104x64xf32, #tpu.memory_space<vmem>>)
      %scan3A_536 = arith.constant 0 : i32
      %scan3A_537 = arith.constant 13 : i32
      %scan3A_538 = arith.addi %scan3A_536, %scan3A_537 : i32
      %scan3A_539 = arith.constant 1 : i32
      %scan3A_540:4 = scf.for %scan3A_680 = %scan3A_536 to %scan3A_538 step %scan3A_539 iter_args(%scan3A_681 = %broadcast_in_dim3A_56, %scan3A_682 = %broadcast_in_dim3A_58, %scan3A_683 = %broadcast_in_dim3A_60, %scan3A_684 = %broadcast_in_dim3A_62) -> (vector<16xf32>, vector<16xf32>, vector<16xf32>, vector<16xf32>)  : i32 {
        %mul3A_685 = arith.constant 4 : i32
        %mul3A_686 = arith.muli %scan3A_680, %mul3A_685 : i32
        %add3A_687 = arith.constant 0 : i32
        %add3A_688 = arith.addi %add3A_687, %mul3A_686 : i32
        %add3A_689 = arith.constant 0 : i32
        %add3A_690 = arith.addi %add3A_688, %add3A_689 : i32
        %get3A = arith.index_cast %add3A_690 : i32 to index
        %get3A_691 = arith.constant 0 : index
        %get3A_692 = tpu.vector_load %arg12[%get3A, %get3A_691] {strides = array<i32>} : memref<104x64xf32, #tpu.memory_space<vmem>>, vector<1x16xf32>,
        %get3A_693 = vector.shape_cast %get3A_692 : vector<1x16xf32> to vector<16xf32>
        %add3A_694 = arith.addf %scan3A_681, %get3A_693 : vector<16xf32>
        %get3A_695 = arith.index_cast %add3A_690 : i32 to index
        %get3A_696 = arith.constant 16 : index
        %get3A_697 = tpu.vector_load %arg12[%get3A_695, %get3A_696] {strides = array<i32>} : memref<104x64xf32, #tpu.memory_space<vmem>>, vector<1x16xf32>,
        %get3A_698 = vector.shape_cast %get3A_697 : vector<1x16xf32> to vector<16xf32>
        %add3A_699 = arith.addf %scan3A_682, %get3A_698 : vector<16xf32>
        %get3A_700 = arith.index_cast %add3A_690 : i32 to index
        %get3A_701 = arith.constant 32 : index
        %get3A_702 = tpu.vector_load %arg12[%get3A_700, %get3A_701] {strides = array<i32>} : memref<104x64xf32, #tpu.memory_space<vmem>>, vector<1x16xf32>,
        %get3A_703 = vector.shape_cast %get3A_702 : vector<1x16xf32> to vector<16xf32>
        %add3A_704 = arith.addf %scan3A_683, %get3A_703 : vector<16xf32>
        %get3A_705 = arith.index_cast %add3A_690 : i32 to index
        %get3A_706 = arith.constant 48 : index
        %get3A_707 = tpu.vector_load %arg12[%get3A_705, %get3A_706] {strides = array<i32>} : memref<104x64xf32, #tpu.memory_space<vmem>>, vector<1x16xf32>,
        %get3A_708 = vector.shape_cast %get3A_707 : vector<1x16xf32> to vector<16xf32>
        %add3A_709 = arith.addf %scan3A_684, %get3A_708 : vector<16xf32>
        %mul3A_710 = arith.constant 4 : i32
        %mul3A_711 = arith.muli %scan3A_680, %mul3A_710 : i32
        %add3A_712 = arith.constant 0 : i32
        %add3A_713 = arith.addi %add3A_712, %mul3A_711 : i32
        %add3A_714 = arith.constant 1 : i32
        %add3A_715 = arith.addi %add3A_713, %add3A_714 : i32
        %get3A_716 = arith.index_cast %add3A_715 : i32 to index
        %get3A_717 = arith.constant 0 : index
        %get3A_718 = tpu.vector_load %arg12[%get3A_716, %get3A_717] {strides = array<i32>} : memref<104x64xf32, #tpu.memory_space<vmem>>, vector<1x16xf32>,
        %get3A_719 = vector.shape_cast %get3A_718 : vector<1x16xf32> to vector<16xf32>
        %add3A_720 = arith.addf %add3A_694, %get3A_719 : vector<16xf32>
        %get3A_721 = arith.index_cast %add3A_715 : i32 to index
        %get3A_722 = arith.constant 16 : index
        %get3A_723 = tpu.vector_load %arg12[%get3A_721, %get3A_722] {strides = array<i32>} : memref<104x64xf32, #tpu.memory_space<vmem>>, vector<1x16xf32>,
        %get3A_724 = vector.shape_cast %get3A_723 : vector<1x16xf32> to vector<16xf32>
        %add3A_725 = arith.addf %add3A_699, %get3A_724 : vector<16xf32>
        %get3A_726 = arith.index_cast %add3A_715 : i32 to index
        %get3A_727 = arith.constant 32 : index
        %get3A_728 = tpu.vector_load %arg12[%get3A_726, %get3A_727] {strides = array<i32>} : memref<104x64xf32, #tpu.memory_space<vmem>>, vector<1x16xf32>,
        %get3A_729 = vector.shape_cast %get3A_728 : vector<1x16xf32> to vector<16xf32>
        %add3A_730 = arith.addf %add3A_704, %get3A_729 : vector<16xf32>
        %get3A_731 = arith.index_cast %add3A_715 : i32 to index
        %get3A_732 = arith.constant 48 : index
        %get3A_733 = tpu.vector_load %arg12[%get3A_731, %get3A_732] {strides = array<i32>} : memref<104x64xf32, #tpu.memory_space<vmem>>, vector<1x16xf32>,
        %get3A_734 = vector.shape_cast %get3A_733 : vector<1x16xf32> to vector<16xf32>
        %add3A_735 = arith.addf %add3A_709, %get3A_734 : vector<16xf32>
        %mul3A_736 = arith.constant 4 : i32
        %mul3A_737 = arith.muli %scan3A_680, %mul3A_736 : i32
        %add3A_738 = arith.constant 0 : i32
        %add3A_739 = arith.addi %add3A_738, %mul3A_737 : i32
        %add3A_740 = arith.constant 2 : i32
        %add3A_741 = arith.addi %add3A_739, %add3A_740 : i32
        %get3A_742 = arith.index_cast %add3A_741 : i32 to index
        %get3A_743 = arith.constant 0 : index
        %get3A_744 = tpu.vector_load %arg12[%get3A_742, %get3A_743] {strides = array<i32>} : memref<104x64xf32, #tpu.memory_space<vmem>>, vector<1x16xf32>,
        %get3A_745 = vector.shape_cast %get3A_744 : vector<1x16xf32> to vector<16xf32>
        %add3A_746 = arith.addf %add3A_720, %get3A_745 : vector<16xf32>
        %get3A_747 = arith.index_cast %add3A_741 : i32 to index
        %get3A_748 = arith.constant 16 : index
        %get3A_749 = tpu.vector_load %arg12[%get3A_747, %get3A_748] {strides = array<i32>} : memref<104x64xf32, #tpu.memory_space<vmem>>, vector<1x16xf32>,
        %get3A_750 = vector.shape_cast %get3A_749 : vector<1x16xf32> to vector<16xf32>
        %add3A_751 = arith.addf %add3A_725, %get3A_750 : vector<16xf32>
        %get3A_752 = arith.index_cast %add3A_741 : i32 to index
        %get3A_753 = arith.constant 32 : index
        %get3A_754 = tpu.vector_load %arg12[%get3A_752, %get3A_753] {strides = array<i32>} : memref<104x64xf32, #tpu.memory_space<vmem>>, vector<1x16xf32>,
        %get3A_755 = vector.shape_cast %get3A_754 : vector<1x16xf32> to vector<16xf32>
        %add3A_756 = arith.addf %add3A_730, %get3A_755 : vector<16xf32>
        %get3A_757 = arith.index_cast %add3A_741 : i32 to index
        %get3A_758 = arith.constant 48 : index
        %get3A_759 = tpu.vector_load %arg12[%get3A_757, %get3A_758] {strides = array<i32>} : memref<104x64xf32, #tpu.memory_space<vmem>>, vector<1x16xf32>,
        %get3A_760 = vector.shape_cast %get3A_759 : vector<1x16xf32> to vector<16xf32>
        %add3A_761 = arith.addf %add3A_735, %get3A_760 : vector<16xf32>
        %mul3A_762 = arith.constant 4 : i32
        %mul3A_763 = arith.muli %scan3A_680, %mul3A_762 : i32
        %add3A_764 = arith.constant 0 : i32
        %add3A_765 = arith.addi %add3A_764, %mul3A_763 : i32
        %add3A_766 = arith.constant 3 : i32
        %add3A_767 = arith.addi %add3A_765, %add3A_766 : i32
        %get3A_768 = arith.index_cast %add3A_767 : i32 to index
        %get3A_769 = arith.constant 0 : index
        %get3A_770 = tpu.vector_load %arg12[%get3A_768, %get3A_769] {strides = array<i32>} : memref<104x64xf32, #tpu.memory_space<vmem>>, vector<1x16xf32>,
        %get3A_771 = vector.shape_cast %get3A_770 : vector<1x16xf32> to vector<16xf32>
        %add3A_772 = arith.addf %add3A_746, %get3A_771 : vector<16xf32>
        %get3A_773 = arith.index_cast %add3A_767 : i32 to index
        %get3A_774 = arith.constant 16 : index
        %get3A_775 = tpu.vector_load %arg12[%get3A_773, %get3A_774] {strides = array<i32>} : memref<104x64xf32, #tpu.memory_space<vmem>>, vector<1x16xf32>,
        %get3A_776 = vector.shape_cast %get3A_775 : vector<1x16xf32> to vector<16xf32>
        %add3A_777 = arith.addf %add3A_751, %get3A_776 : vector<16xf32>
        %get3A_778 = arith.index_cast %add3A_767 : i32 to index
        %get3A_779 = arith.constant 32 : index
        %get3A_780 = tpu.vector_load %arg12[%get3A_778, %get3A_779] {strides = array<i32>} : memref<104x64xf32, #tpu.memory_space<vmem>>, vector<1x16xf32>,
        %get3A_781 = vector.shape_cast %get3A_780 : vector<1x16xf32> to vector<16xf32>
        %add3A_782 = arith.addf %add3A_756, %get3A_781 : vector<16xf32>
        %get3A_783 = arith.index_cast %add3A_767 : i32 to index
        %get3A_784 = arith.constant 48 : index
        %get3A_785 = tpu.vector_load %arg12[%get3A_783, %get3A_784] {strides = array<i32>} : memref<104x64xf32, #tpu.memory_space<vmem>>, vector<1x16xf32>,
        %get3A_786 = vector.shape_cast %get3A_785 : vector<1x16xf32> to vector<16xf32>
        %add3A_787 = arith.addf %add3A_761, %get3A_786 : vector<16xf32>
        scf.yield %add3A_772, %add3A_777, %add3A_782, %add3A_787 : vector<16xf32>, vector<16xf32>, vector<16xf32>, vector<16xf32>
      }
      %scan3A_541 = arith.constant 13 : i32
      %mul3A_542 = arith.constant 2 : i32
      %mul3A_543 = arith.muli %add3A_529, %mul3A_542 : i32
      %add3A_544 = arith.constant 0 : i32
      %add3A_545 = arith.addi %mul3A_543, %add3A_544 : i32
      %swap3A_546 = arith.index_cast %add3A_545 : i32 to index
      %swap3A_547 = arith.constant 0 : index
      %swap3A_548 = tpu.vector_load %arg14[%swap3A_546, %swap3A_547] {strides = array<i32>} : memref<128x64xf32, #tpu.memory_space<vmem>>, vector<1x16xf32>,
      %swap3A_549 = vector.shape_cast %swap3A_548 : vector<1x16xf32> to vector<16xf32>
      %swap3A_550 = vector.shape_cast %scan3A_540#0 : vector<16xf32> to vector<1x16xf32>
      tpu.vector_store %arg14[%swap3A_546, %swap3A_547], %swap3A_550 {strides = array<i32>} : memref<128x64xf32, #tpu.memory_space<vmem>>, vector<1x16xf32>,
      %swap3A_551 = arith.index_cast %add3A_545 : i32 to index
      %swap3A_552 = arith.constant 16 : index
      %swap3A_553 = tpu.vector_load %arg14[%swap3A_551, %swap3A_552] {strides = array<i32>} : memref<128x64xf32, #tpu.memory_space<vmem>>, vector<1x16xf32>,
      %swap3A_554 = vector.shape_cast %swap3A_553 : vector<1x16xf32> to vector<16xf32>
      %swap3A_555 = vector.shape_cast %scan3A_540#1 : vector<16xf32> to vector<1x16xf32>
      tpu.vector_store %arg14[%swap3A_551, %swap3A_552], %swap3A_555 {strides = array<i32>} : memref<128x64xf32, #tpu.memory_space<vmem>>, vector<1x16xf32>,
      %swap3A_556 = arith.index_cast %add3A_545 : i32 to index
      %swap3A_557 = arith.constant 32 : index
      %swap3A_558 = tpu.vector_load %arg14[%swap3A_556, %swap3A_557] {strides = array<i32>} : memref<128x64xf32, #tpu.memory_space<vmem>>, vector<1x16xf32>,
      %swap3A_559 = vector.shape_cast %swap3A_558 : vector<1x16xf32> to vector<16xf32>
      %swap3A_560 = vector.shape_cast %scan3A_540#2 : vector<16xf32> to vector<1x16xf32>
      tpu.vector_store %arg14[%swap3A_556, %swap3A_557], %swap3A_560 {strides = array<i32>} : memref<128x64xf32, #tpu.memory_space<vmem>>, vector<1x16xf32>,
      %swap3A_561 = arith.index_cast %add3A_545 : i32 to index
      %swap3A_562 = arith.constant 48 : index
      %swap3A_563 = tpu.vector_load %arg14[%swap3A_561, %swap3A_562] {strides = array<i32>} : memref<128x64xf32, #tpu.memory_space<vmem>>, vector<1x16xf32>,
      %swap3A_564 = vector.shape_cast %swap3A_563 : vector<1x16xf32> to vector<16xf32>
      %swap3A_565 = vector.shape_cast %scan3A_540#3 : vector<16xf32> to vector<1x16xf32>
      tpu.vector_store %arg14[%swap3A_561, %swap3A_562], %swap3A_565 {strides = array<i32>} : memref<128x64xf32, #tpu.memory_space<vmem>>, vector<1x16xf32>,
      %scan3A_566 = arith.constant 0 : i32
      %scan3A_567 = arith.constant 13 : i32
      %scan3A_568 = arith.addi %scan3A_566, %scan3A_567 : i32
      %scan3A_569 = arith.constant 1 : i32
      %scan3A_570:4 = scf.for %scan3A_680 = %scan3A_566 to %scan3A_568 step %scan3A_569 iter_args(%scan3A_681 = %broadcast_in_dim3A_56, %scan3A_682 = %broadcast_in_dim3A_58, %scan3A_683 = %broadcast_in_dim3A_60, %scan3A_684 = %broadcast_in_dim3A_62) -> (vector<16xf32>, vector<16xf32>, vector<16xf32>, vector<16xf32>)  : i32 {
        %mul3A_685 = arith.constant 4 : i32
        %mul3A_686 = arith.muli %scan3A_680, %mul3A_685 : i32
        %add3A_687 = arith.constant 52 : i32
        %add3A_688 = arith.addi %add3A_687, %mul3A_686 : i32
        %add3A_689 = arith.constant 0 : i32
        %add3A_690 = arith.addi %add3A_688, %add3A_689 : i32
        %get3A = arith.index_cast %add3A_690 : i32 to index
        %get3A_691 = arith.constant 0 : index
        %get3A_692 = tpu.vector_load %arg12[%get3A, %get3A_691] {strides = array<i32>} : memref<104x64xf32, #tpu.memory_space<vmem>>, vector<1x16xf32>,
        %get3A_693 = vector.shape_cast %get3A_692 : vector<1x16xf32> to vector<16xf32>
        %add3A_694 = arith.addf %scan3A_681, %get3A_693 : vector<16xf32>
        %get3A_695 = arith.index_cast %add3A_690 : i32 to index
        %get3A_696 = arith.constant 16 : index
        %get3A_697 = tpu.vector_load %arg12[%get3A_695, %get3A_696] {strides = array<i32>} : memref<104x64xf32, #tpu.memory_space<vmem>>, vector<1x16xf32>,
        %get3A_698 = vector.shape_cast %get3A_697 : vector<1x16xf32> to vector<16xf32>
        %add3A_699 = arith.addf %scan3A_682, %get3A_698 : vector<16xf32>
        %get3A_700 = arith.index_cast %add3A_690 : i32 to index
        %get3A_701 = arith.constant 32 : index
        %get3A_702 = tpu.vector_load %arg12[%get3A_700, %get3A_701] {strides = array<i32>} : memref<104x64xf32, #tpu.memory_space<vmem>>, vector<1x16xf32>,
        %get3A_703 = vector.shape_cast %get3A_702 : vector<1x16xf32> to vector<16xf32>
        %add3A_704 = arith.addf %scan3A_683, %get3A_703 : vector<16xf32>
        %get3A_705 = arith.index_cast %add3A_690 : i32 to index
        %get3A_706 = arith.constant 48 : index
        %get3A_707 = tpu.vector_load %arg12[%get3A_705, %get3A_706] {strides = array<i32>} : memref<104x64xf32, #tpu.memory_space<vmem>>, vector<1x16xf32>,
        %get3A_708 = vector.shape_cast %get3A_707 : vector<1x16xf32> to vector<16xf32>
        %add3A_709 = arith.addf %scan3A_684, %get3A_708 : vector<16xf32>
        %mul3A_710 = arith.constant 4 : i32
        %mul3A_711 = arith.muli %scan3A_680, %mul3A_710 : i32
        %add3A_712 = arith.constant 52 : i32
        %add3A_713 = arith.addi %add3A_712, %mul3A_711 : i32
        %add3A_714 = arith.constant 1 : i32
        %add3A_715 = arith.addi %add3A_713, %add3A_714 : i32
        %get3A_716 = arith.index_cast %add3A_715 : i32 to index
        %get3A_717 = arith.constant 0 : index
        %get3A_718 = tpu.vector_load %arg12[%get3A_716, %get3A_717] {strides = array<i32>} : memref<104x64xf32, #tpu.memory_space<vmem>>, vector<1x16xf32>,
        %get3A_719 = vector.shape_cast %get3A_718 : vector<1x16xf32> to vector<16xf32>
        %add3A_720 = arith.addf %add3A_694, %get3A_719 : vector<16xf32>
        %get3A_721 = arith.index_cast %add3A_715 : i32 to index
        %get3A_722 = arith.constant 16 : index
        %get3A_723 = tpu.vector_load %arg12[%get3A_721, %get3A_722] {strides = array<i32>} : memref<104x64xf32, #tpu.memory_space<vmem>>, vector<1x16xf32>,
        %get3A_724 = vector.shape_cast %get3A_723 : vector<1x16xf32> to vector<16xf32>
        %add3A_725 = arith.addf %add3A_699, %get3A_724 : vector<16xf32>
        %get3A_726 = arith.index_cast %add3A_715 : i32 to index
        %get3A_727 = arith.constant 32 : index
        %get3A_728 = tpu.vector_load %arg12[%get3A_726, %get3A_727] {strides = array<i32>} : memref<104x64xf32, #tpu.memory_space<vmem>>, vector<1x16xf32>,
        %get3A_729 = vector.shape_cast %get3A_728 : vector<1x16xf32> to vector<16xf32>
        %add3A_730 = arith.addf %add3A_704, %get3A_729 : vector<16xf32>
        %get3A_731 = arith.index_cast %add3A_715 : i32 to index
        %get3A_732 = arith.constant 48 : index
        %get3A_733 = tpu.vector_load %arg12[%get3A_731, %get3A_732] {strides = array<i32>} : memref<104x64xf32, #tpu.memory_space<vmem>>, vector<1x16xf32>,
        %get3A_734 = vector.shape_cast %get3A_733 : vector<1x16xf32> to vector<16xf32>
        %add3A_735 = arith.addf %add3A_709, %get3A_734 : vector<16xf32>
        %mul3A_736 = arith.constant 4 : i32
        %mul3A_737 = arith.muli %scan3A_680, %mul3A_736 : i32
        %add3A_738 = arith.constant 52 : i32
        %add3A_739 = arith.addi %add3A_738, %mul3A_737 : i32
        %add3A_740 = arith.constant 2 : i32
        %add3A_741 = arith.addi %add3A_739, %add3A_740 : i32
        %get3A_742 = arith.index_cast %add3A_741 : i32 to index
        %get3A_743 = arith.constant 0 : index
        %get3A_744 = tpu.vector_load %arg12[%get3A_742, %get3A_743] {strides = array<i32>} : memref<104x64xf32, #tpu.memory_space<vmem>>, vector<1x16xf32>,
        %get3A_745 = vector.shape_cast %get3A_744 : vector<1x16xf32> to vector<16xf32>
        %add3A_746 = arith.addf %add3A_720, %get3A_745 : vector<16xf32>
        %get3A_747 = arith.index_cast %add3A_741 : i32 to index
        %get3A_748 = arith.constant 16 : index
        %get3A_749 = tpu.vector_load %arg12[%get3A_747, %get3A_748] {strides = array<i32>} : memref<104x64xf32, #tpu.memory_space<vmem>>, vector<1x16xf32>,
        %get3A_750 = vector.shape_cast %get3A_749 : vector<1x16xf32> to vector<16xf32>
        %add3A_751 = arith.addf %add3A_725, %get3A_750 : vector<16xf32>
        %get3A_752 = arith.index_cast %add3A_741 : i32 to index
        %get3A_753 = arith.constant 32 : index
        %get3A_754 = tpu.vector_load %arg12[%get3A_752, %get3A_753] {strides = array<i32>} : memref<104x64xf32, #tpu.memory_space<vmem>>, vector<1x16xf32>,
        %get3A_755 = vector.shape_cast %get3A_754 : vector<1x16xf32> to vector<16xf32>
        %add3A_756 = arith.addf %add3A_730, %get3A_755 : vector<16xf32>
        %get3A_757 = arith.index_cast %add3A_741 : i32 to index
        %get3A_758 = arith.constant 48 : index
        %get3A_759 = tpu.vector_load %arg12[%get3A_757, %get3A_758] {strides = array<i32>} : memref<104x64xf32, #tpu.memory_space<vmem>>, vector<1x16xf32>,
        %get3A_760 = vector.shape_cast %get3A_759 : vector<1x16xf32> to vector<16xf32>
        %add3A_761 = arith.addf %add3A_735, %get3A_760 : vector<16xf32>
        %mul3A_762 = arith.constant 4 : i32
        %mul3A_763 = arith.muli %scan3A_680, %mul3A_762 : i32
        %add3A_764 = arith.constant 52 : i32
        %add3A_765 = arith.addi %add3A_764, %mul3A_763 : i32
        %add3A_766 = arith.constant 3 : i32
        %add3A_767 = arith.addi %add3A_765, %add3A_766 : i32
        %get3A_768 = arith.index_cast %add3A_767 : i32 to index
        %get3A_769 = arith.constant 0 : index
        %get3A_770 = tpu.vector_load %arg12[%get3A_768, %get3A_769] {strides = array<i32>} : memref<104x64xf32, #tpu.memory_space<vmem>>, vector<1x16xf32>,
        %get3A_771 = vector.shape_cast %get3A_770 : vector<1x16xf32> to vector<16xf32>
        %add3A_772 = arith.addf %add3A_746, %get3A_771 : vector<16xf32>
        %get3A_773 = arith.index_cast %add3A_767 : i32 to index
        %get3A_774 = arith.constant 16 : index
        %get3A_775 = tpu.vector_load %arg12[%get3A_773, %get3A_774] {strides = array<i32>} : memref<104x64xf32, #tpu.memory_space<vmem>>, vector<1x16xf32>,
        %get3A_776 = vector.shape_cast %get3A_775 : vector<1x16xf32> to vector<16xf32>
        %add3A_777 = arith.addf %add3A_751, %get3A_776 : vector<16xf32>
        %get3A_778 = arith.index_cast %add3A_767 : i32 to index
        %get3A_779 = arith.constant 32 : index
        %get3A_780 = tpu.vector_load %arg12[%get3A_778, %get3A_779] {strides = array<i32>} : memref<104x64xf32, #tpu.memory_space<vmem>>, vector<1x16xf32>,
        %get3A_781 = vector.shape_cast %get3A_780 : vector<1x16xf32> to vector<16xf32>
        %add3A_782 = arith.addf %add3A_756, %get3A_781 : vector<16xf32>
        %get3A_783 = arith.index_cast %add3A_767 : i32 to index
        %get3A_784 = arith.constant 48 : index
        %get3A_785 = tpu.vector_load %arg12[%get3A_783, %get3A_784] {strides = array<i32>} : memref<104x64xf32, #tpu.memory_space<vmem>>, vector<1x16xf32>,
        %get3A_786 = vector.shape_cast %get3A_785 : vector<1x16xf32> to vector<16xf32>
        %add3A_787 = arith.addf %add3A_761, %get3A_786 : vector<16xf32>
        scf.yield %add3A_772, %add3A_777, %add3A_782, %add3A_787 : vector<16xf32>, vector<16xf32>, vector<16xf32>, vector<16xf32>
      }
      %scan3A_571 = arith.constant 13 : i32
      %mul3A_572 = arith.constant 2 : i32
      %mul3A_573 = arith.muli %add3A_529, %mul3A_572 : i32
      %add3A_574 = arith.constant 1 : i32
      %add3A_575 = arith.addi %mul3A_573, %add3A_574 : i32
      %swap3A_576 = arith.index_cast %add3A_575 : i32 to index
      %swap3A_577 = arith.constant 0 : index
      %swap3A_578 = tpu.vector_load %arg14[%swap3A_576, %swap3A_577] {strides = array<i32>} : memref<128x64xf32, #tpu.memory_space<vmem>>, vector<1x16xf32>,
      %swap3A_579 = vector.shape_cast %swap3A_578 : vector<1x16xf32> to vector<16xf32>
      %swap3A_580 = vector.shape_cast %scan3A_570#0 : vector<16xf32> to vector<1x16xf32>
      tpu.vector_store %arg14[%swap3A_576, %swap3A_577], %swap3A_580 {strides = array<i32>} : memref<128x64xf32, #tpu.memory_space<vmem>>, vector<1x16xf32>,
      %swap3A_581 = arith.index_cast %add3A_575 : i32 to index
      %swap3A_582 = arith.constant 16 : index
      %swap3A_583 = tpu.vector_load %arg14[%swap3A_581, %swap3A_582] {strides = array<i32>} : memref<128x64xf32, #tpu.memory_space<vmem>>, vector<1x16xf32>,
      %swap3A_584 = vector.shape_cast %swap3A_583 : vector<1x16xf32> to vector<16xf32>
      %swap3A_585 = vector.shape_cast %scan3A_570#1 : vector<16xf32> to vector<1x16xf32>
      tpu.vector_store %arg14[%swap3A_581, %swap3A_582], %swap3A_585 {strides = array<i32>} : memref<128x64xf32, #tpu.memory_space<vmem>>, vector<1x16xf32>,
      %swap3A_586 = arith.index_cast %add3A_575 : i32 to index
      %swap3A_587 = arith.constant 32 : index
      %swap3A_588 = tpu.vector_load %arg14[%swap3A_586, %swap3A_587] {strides = array<i32>} : memref<128x64xf32, #tpu.memory_space<vmem>>, vector<1x16xf32>,
      %swap3A_589 = vector.shape_cast %swap3A_588 : vector<1x16xf32> to vector<16xf32>
      %swap3A_590 = vector.shape_cast %scan3A_570#2 : vector<16xf32> to vector<1x16xf32>
      tpu.vector_store %arg14[%swap3A_586, %swap3A_587], %swap3A_590 {strides = array<i32>} : memref<128x64xf32, #tpu.memory_space<vmem>>, vector<1x16xf32>,
      %swap3A_591 = arith.index_cast %add3A_575 : i32 to index
      %swap3A_592 = arith.constant 48 : index
      %swap3A_593 = tpu.vector_load %arg14[%swap3A_591, %swap3A_592] {strides = array<i32>} : memref<128x64xf32, #tpu.memory_space<vmem>>, vector<1x16xf32>,
      %swap3A_594 = vector.shape_cast %swap3A_593 : vector<1x16xf32> to vector<16xf32>
      %swap3A_595 = vector.shape_cast %scan3A_570#3 : vector<16xf32> to vector<1x16xf32>
      tpu.vector_store %arg14[%swap3A_591, %swap3A_592], %swap3A_595 {strides = array<i32>} : memref<128x64xf32, #tpu.memory_space<vmem>>, vector<1x16xf32>,
      %add3A_596 = arith.constant 8 : i32
      %add3A_597 = arith.addi %add3A_529, %add3A_596 : i32
      %lt3A_598 = arith.constant 64 : i32
      %lt3A_599 = arith.cmpi slt, %add3A_597, %lt3A_598 : i32
      %convert_element_type3A_600 = arith.extui %lt3A_599 : i1 to i32
      %cond3A_601 = arith.constant 0 : i32
      %cond3A_602 = arith.cmpi ne, %convert_element_type3A_600, %cond3A_601 : i32
      scf.if %cond3A_602 {
        %add3A_680 = arith.constant 8 : i32
        %add3A_681 = arith.addi %add3A_529, %add3A_680 : i32
        %dma_start3A_682 = arith.constant 0 : i32
        %dma_start3A_683 = tpu.memref_slice %arg5[%add3A_681, %dma_start3A_682] : memref<64x104xi32, #tpu.memory_space<vmem>> -> memref<1x104xi32, #tpu.memory_space<vmem>>
        %dma_start3A_684 = tpu.memref_squeeze %dma_start3A_683 : memref<1x104xi32, #tpu.memory_space<vmem>> -> memref<104xi32, #tpu.memory_space<vmem>>
        %dma_start3A_685 = arith.constant 0 : i32
        %dma_start3A_686 = arith.constant 0 : i32
        %dma_start3A_687 = tpu.memref_slice %arg3[%dma_start3A_685, %dma_start3A_686] : memref<100001x64xf32, #tpu.memory_space<hbm>> -> memref<100001x64xf32, #tpu.memory_space<hbm>>
        tpu.enqueue_indirect_dma source(%dma_start3A_687 : memref<100001x64xf32, #tpu.memory_space<hbm>>) target(%arg12 : memref<104x64xf32, #tpu.memory_space<vmem>>) offsets(%dma_start3A_684 : memref<104xi32, #tpu.memory_space<vmem>>) semaphore(%arg21 : memref<!tpu.dma_semaphore, #tpu.memory_space<semaphore_mem>>)
      } else {
      }
      %mul3A_603 = arith.constant 8 : i32
      %mul3A_604 = arith.muli %scan3A_68, %mul3A_603 : i32
      %add3A_605 = arith.constant 7 : i32
      %add3A_606 = arith.addi %mul3A_604, %add3A_605 : i32
      %dma_wait3A_607 = arith.constant 0 : i32
      %dma_wait3A_608 = arith.constant 0 : i32
      %dma_wait3A_609 = tpu.memref_slice %arg3[%dma_wait3A_607, %dma_wait3A_608] : memref<100001x64xf32, #tpu.memory_space<hbm>> -> memref<104x64xf32, #tpu.memory_space<hbm>>
      %dma_wait3A_610 = arith.constant 0 : i32
      %dma_wait3A_611 = arith.constant 0 : i32
      %dma_wait3A_612 = tpu.memref_slice %arg3[%dma_wait3A_610, %dma_wait3A_611] : memref<100001x64xf32, #tpu.memory_space<hbm>> -> memref<104x64xf32, #tpu.memory_space<hbm>>
      tpu.wait_dma2 semaphore(%arg22 : memref<!tpu.dma_semaphore, #tpu.memory_space<semaphore_mem>>) src(%dma_wait3A_612 : memref<104x64xf32, #tpu.memory_space<hbm>>) dst(%arg13 : memref<104x64xf32, #tpu.memory_space<vmem>>)
      %scan3A_613 = arith.constant 0 : i32
      %scan3A_614 = arith.constant 13 : i32
      %scan3A_615 = arith.addi %scan3A_613, %scan3A_614 : i32
      %scan3A_616 = arith.constant 1 : i32
      %scan3A_617:4 = scf.for %scan3A_680 = %scan3A_613 to %scan3A_615 step %scan3A_616 iter_args(%scan3A_681 = %broadcast_in_dim3A_56, %scan3A_682 = %broadcast_in_dim3A_58, %scan3A_683 = %broadcast_in_dim3A_60, %scan3A_684 = %broadcast_in_dim3A_62) -> (vector<16xf32>, vector<16xf32>, vector<16xf32>, vector<16xf32>)  : i32 {
        %mul3A_685 = arith.constant 4 : i32
        %mul3A_686 = arith.muli %scan3A_680, %mul3A_685 : i32
        %add3A_687 = arith.constant 0 : i32
        %add3A_688 = arith.addi %add3A_687, %mul3A_686 : i32
        %add3A_689 = arith.constant 0 : i32
        %add3A_690 = arith.addi %add3A_688, %add3A_689 : i32
        %get3A = arith.index_cast %add3A_690 : i32 to index
        %get3A_691 = arith.constant 0 : index
        %get3A_692 = tpu.vector_load %arg13[%get3A, %get3A_691] {strides = array<i32>} : memref<104x64xf32, #tpu.memory_space<vmem>>, vector<1x16xf32>,
        %get3A_693 = vector.shape_cast %get3A_692 : vector<1x16xf32> to vector<16xf32>
        %add3A_694 = arith.addf %scan3A_681, %get3A_693 : vector<16xf32>
        %get3A_695 = arith.index_cast %add3A_690 : i32 to index
        %get3A_696 = arith.constant 16 : index
        %get3A_697 = tpu.vector_load %arg13[%get3A_695, %get3A_696] {strides = array<i32>} : memref<104x64xf32, #tpu.memory_space<vmem>>, vector<1x16xf32>,
        %get3A_698 = vector.shape_cast %get3A_697 : vector<1x16xf32> to vector<16xf32>
        %add3A_699 = arith.addf %scan3A_682, %get3A_698 : vector<16xf32>
        %get3A_700 = arith.index_cast %add3A_690 : i32 to index
        %get3A_701 = arith.constant 32 : index
        %get3A_702 = tpu.vector_load %arg13[%get3A_700, %get3A_701] {strides = array<i32>} : memref<104x64xf32, #tpu.memory_space<vmem>>, vector<1x16xf32>,
        %get3A_703 = vector.shape_cast %get3A_702 : vector<1x16xf32> to vector<16xf32>
        %add3A_704 = arith.addf %scan3A_683, %get3A_703 : vector<16xf32>
        %get3A_705 = arith.index_cast %add3A_690 : i32 to index
        %get3A_706 = arith.constant 48 : index
        %get3A_707 = tpu.vector_load %arg13[%get3A_705, %get3A_706] {strides = array<i32>} : memref<104x64xf32, #tpu.memory_space<vmem>>, vector<1x16xf32>,
        %get3A_708 = vector.shape_cast %get3A_707 : vector<1x16xf32> to vector<16xf32>
        %add3A_709 = arith.addf %scan3A_684, %get3A_708 : vector<16xf32>
        %mul3A_710 = arith.constant 4 : i32
        %mul3A_711 = arith.muli %scan3A_680, %mul3A_710 : i32
        %add3A_712 = arith.constant 0 : i32
        %add3A_713 = arith.addi %add3A_712, %mul3A_711 : i32
        %add3A_714 = arith.constant 1 : i32
        %add3A_715 = arith.addi %add3A_713, %add3A_714 : i32
        %get3A_716 = arith.index_cast %add3A_715 : i32 to index
        %get3A_717 = arith.constant 0 : index
        %get3A_718 = tpu.vector_load %arg13[%get3A_716, %get3A_717] {strides = array<i32>} : memref<104x64xf32, #tpu.memory_space<vmem>>, vector<1x16xf32>,
        %get3A_719 = vector.shape_cast %get3A_718 : vector<1x16xf32> to vector<16xf32>
        %add3A_720 = arith.addf %add3A_694, %get3A_719 : vector<16xf32>
        %get3A_721 = arith.index_cast %add3A_715 : i32 to index
        %get3A_722 = arith.constant 16 : index
        %get3A_723 = tpu.vector_load %arg13[%get3A_721, %get3A_722] {strides = array<i32>} : memref<104x64xf32, #tpu.memory_space<vmem>>, vector<1x16xf32>,
        %get3A_724 = vector.shape_cast %get3A_723 : vector<1x16xf32> to vector<16xf32>
        %add3A_725 = arith.addf %add3A_699, %get3A_724 : vector<16xf32>
        %get3A_726 = arith.index_cast %add3A_715 : i32 to index
        %get3A_727 = arith.constant 32 : index
        %get3A_728 = tpu.vector_load %arg13[%get3A_726, %get3A_727] {strides = array<i32>} : memref<104x64xf32, #tpu.memory_space<vmem>>, vector<1x16xf32>,
        %get3A_729 = vector.shape_cast %get3A_728 : vector<1x16xf32> to vector<16xf32>
        %add3A_730 = arith.addf %add3A_704, %get3A_729 : vector<16xf32>
        %get3A_731 = arith.index_cast %add3A_715 : i32 to index
        %get3A_732 = arith.constant 48 : index
        %get3A_733 = tpu.vector_load %arg13[%get3A_731, %get3A_732] {strides = array<i32>} : memref<104x64xf32, #tpu.memory_space<vmem>>, vector<1x16xf32>,
        %get3A_734 = vector.shape_cast %get3A_733 : vector<1x16xf32> to vector<16xf32>
        %add3A_735 = arith.addf %add3A_709, %get3A_734 : vector<16xf32>
        %mul3A_736 = arith.constant 4 : i32
        %mul3A_737 = arith.muli %scan3A_680, %mul3A_736 : i32
        %add3A_738 = arith.constant 0 : i32
        %add3A_739 = arith.addi %add3A_738, %mul3A_737 : i32
        %add3A_740 = arith.constant 2 : i32
        %add3A_741 = arith.addi %add3A_739, %add3A_740 : i32
        %get3A_742 = arith.index_cast %add3A_741 : i32 to index
        %get3A_743 = arith.constant 0 : index
        %get3A_744 = tpu.vector_load %arg13[%get3A_742, %get3A_743] {strides = array<i32>} : memref<104x64xf32, #tpu.memory_space<vmem>>, vector<1x16xf32>,
        %get3A_745 = vector.shape_cast %get3A_744 : vector<1x16xf32> to vector<16xf32>
        %add3A_746 = arith.addf %add3A_720, %get3A_745 : vector<16xf32>
        %get3A_747 = arith.index_cast %add3A_741 : i32 to index
        %get3A_748 = arith.constant 16 : index
        %get3A_749 = tpu.vector_load %arg13[%get3A_747, %get3A_748] {strides = array<i32>} : memref<104x64xf32, #tpu.memory_space<vmem>>, vector<1x16xf32>,
        %get3A_750 = vector.shape_cast %get3A_749 : vector<1x16xf32> to vector<16xf32>
        %add3A_751 = arith.addf %add3A_725, %get3A_750 : vector<16xf32>
        %get3A_752 = arith.index_cast %add3A_741 : i32 to index
        %get3A_753 = arith.constant 32 : index
        %get3A_754 = tpu.vector_load %arg13[%get3A_752, %get3A_753] {strides = array<i32>} : memref<104x64xf32, #tpu.memory_space<vmem>>, vector<1x16xf32>,
        %get3A_755 = vector.shape_cast %get3A_754 : vector<1x16xf32> to vector<16xf32>
        %add3A_756 = arith.addf %add3A_730, %get3A_755 : vector<16xf32>
        %get3A_757 = arith.index_cast %add3A_741 : i32 to index
        %get3A_758 = arith.constant 48 : index
        %get3A_759 = tpu.vector_load %arg13[%get3A_757, %get3A_758] {strides = array<i32>} : memref<104x64xf32, #tpu.memory_space<vmem>>, vector<1x16xf32>,
        %get3A_760 = vector.shape_cast %get3A_759 : vector<1x16xf32> to vector<16xf32>
        %add3A_761 = arith.addf %add3A_735, %get3A_760 : vector<16xf32>
        %mul3A_762 = arith.constant 4 : i32
        %mul3A_763 = arith.muli %scan3A_680, %mul3A_762 : i32
        %add3A_764 = arith.constant 0 : i32
        %add3A_765 = arith.addi %add3A_764, %mul3A_763 : i32
        %add3A_766 = arith.constant 3 : i32
        %add3A_767 = arith.addi %add3A_765, %add3A_766 : i32
        %get3A_768 = arith.index_cast %add3A_767 : i32 to index
        %get3A_769 = arith.constant 0 : index
        %get3A_770 = tpu.vector_load %arg13[%get3A_768, %get3A_769] {strides = array<i32>} : memref<104x64xf32, #tpu.memory_space<vmem>>, vector<1x16xf32>,
        %get3A_771 = vector.shape_cast %get3A_770 : vector<1x16xf32> to vector<16xf32>
        %add3A_772 = arith.addf %add3A_746, %get3A_771 : vector<16xf32>
        %get3A_773 = arith.index_cast %add3A_767 : i32 to index
        %get3A_774 = arith.constant 16 : index
        %get3A_775 = tpu.vector_load %arg13[%get3A_773, %get3A_774] {strides = array<i32>} : memref<104x64xf32, #tpu.memory_space<vmem>>, vector<1x16xf32>,
        %get3A_776 = vector.shape_cast %get3A_775 : vector<1x16xf32> to vector<16xf32>
        %add3A_777 = arith.addf %add3A_751, %get3A_776 : vector<16xf32>
        %get3A_778 = arith.index_cast %add3A_767 : i32 to index
        %get3A_779 = arith.constant 32 : index
        %get3A_780 = tpu.vector_load %arg13[%get3A_778, %get3A_779] {strides = array<i32>} : memref<104x64xf32, #tpu.memory_space<vmem>>, vector<1x16xf32>,
        %get3A_781 = vector.shape_cast %get3A_780 : vector<1x16xf32> to vector<16xf32>
        %add3A_782 = arith.addf %add3A_756, %get3A_781 : vector<16xf32>
        %get3A_783 = arith.index_cast %add3A_767 : i32 to index
        %get3A_784 = arith.constant 48 : index
        %get3A_785 = tpu.vector_load %arg13[%get3A_783, %get3A_784] {strides = array<i32>} : memref<104x64xf32, #tpu.memory_space<vmem>>, vector<1x16xf32>,
        %get3A_786 = vector.shape_cast %get3A_785 : vector<1x16xf32> to vector<16xf32>
        %add3A_787 = arith.addf %add3A_761, %get3A_786 : vector<16xf32>
        scf.yield %add3A_772, %add3A_777, %add3A_782, %add3A_787 : vector<16xf32>, vector<16xf32>, vector<16xf32>, vector<16xf32>
      }
      %scan3A_618 = arith.constant 13 : i32
      %mul3A_619 = arith.constant 2 : i32
      %mul3A_620 = arith.muli %add3A_606, %mul3A_619 : i32
      %add3A_621 = arith.constant 0 : i32
      %add3A_622 = arith.addi %mul3A_620, %add3A_621 : i32
      %swap3A_623 = arith.index_cast %add3A_622 : i32 to index
      %swap3A_624 = arith.constant 0 : index
      %swap3A_625 = tpu.vector_load %arg14[%swap3A_623, %swap3A_624] {strides = array<i32>} : memref<128x64xf32, #tpu.memory_space<vmem>>, vector<1x16xf32>,
      %swap3A_626 = vector.shape_cast %swap3A_625 : vector<1x16xf32> to vector<16xf32>
      %swap3A_627 = vector.shape_cast %scan3A_617#0 : vector<16xf32> to vector<1x16xf32>
      tpu.vector_store %arg14[%swap3A_623, %swap3A_624], %swap3A_627 {strides = array<i32>} : memref<128x64xf32, #tpu.memory_space<vmem>>, vector<1x16xf32>,
      %swap3A_628 = arith.index_cast %add3A_622 : i32 to index
      %swap3A_629 = arith.constant 16 : index
      %swap3A_630 = tpu.vector_load %arg14[%swap3A_628, %swap3A_629] {strides = array<i32>} : memref<128x64xf32, #tpu.memory_space<vmem>>, vector<1x16xf32>,
      %swap3A_631 = vector.shape_cast %swap3A_630 : vector<1x16xf32> to vector<16xf32>
      %swap3A_632 = vector.shape_cast %scan3A_617#1 : vector<16xf32> to vector<1x16xf32>
      tpu.vector_store %arg14[%swap3A_628, %swap3A_629], %swap3A_632 {strides = array<i32>} : memref<128x64xf32, #tpu.memory_space<vmem>>, vector<1x16xf32>,
      %swap3A_633 = arith.index_cast %add3A_622 : i32 to index
      %swap3A_634 = arith.constant 32 : index
      %swap3A_635 = tpu.vector_load %arg14[%swap3A_633, %swap3A_634] {strides = array<i32>} : memref<128x64xf32, #tpu.memory_space<vmem>>, vector<1x16xf32>,
      %swap3A_636 = vector.shape_cast %swap3A_635 : vector<1x16xf32> to vector<16xf32>
      %swap3A_637 = vector.shape_cast %scan3A_617#2 : vector<16xf32> to vector<1x16xf32>
      tpu.vector_store %arg14[%swap3A_633, %swap3A_634], %swap3A_637 {strides = array<i32>} : memref<128x64xf32, #tpu.memory_space<vmem>>, vector<1x16xf32>,
      %swap3A_638 = arith.index_cast %add3A_622 : i32 to index
      %swap3A_639 = arith.constant 48 : index
      %swap3A_640 = tpu.vector_load %arg14[%swap3A_638, %swap3A_639] {strides = array<i32>} : memref<128x64xf32, #tpu.memory_space<vmem>>, vector<1x16xf32>,
      %swap3A_641 = vector.shape_cast %swap3A_640 : vector<1x16xf32> to vector<16xf32>
      %swap3A_642 = vector.shape_cast %scan3A_617#3 : vector<16xf32> to vector<1x16xf32>
      tpu.vector_store %arg14[%swap3A_638, %swap3A_639], %swap3A_642 {strides = array<i32>} : memref<128x64xf32, #tpu.memory_space<vmem>>, vector<1x16xf32>,
      %scan3A_643 = arith.constant 0 : i32
      %scan3A_644 = arith.constant 13 : i32
      %scan3A_645 = arith.addi %scan3A_643, %scan3A_644 : i32
      %scan3A_646 = arith.constant 1 : i32
      %scan3A_647:4 = scf.for %scan3A_680 = %scan3A_643 to %scan3A_645 step %scan3A_646 iter_args(%scan3A_681 = %broadcast_in_dim3A_56, %scan3A_682 = %broadcast_in_dim3A_58, %scan3A_683 = %broadcast_in_dim3A_60, %scan3A_684 = %broadcast_in_dim3A_62) -> (vector<16xf32>, vector<16xf32>, vector<16xf32>, vector<16xf32>)  : i32 {
        %mul3A_685 = arith.constant 4 : i32
        %mul3A_686 = arith.muli %scan3A_680, %mul3A_685 : i32
        %add3A_687 = arith.constant 52 : i32
        %add3A_688 = arith.addi %add3A_687, %mul3A_686 : i32
        %add3A_689 = arith.constant 0 : i32
        %add3A_690 = arith.addi %add3A_688, %add3A_689 : i32
        %get3A = arith.index_cast %add3A_690 : i32 to index
        %get3A_691 = arith.constant 0 : index
        %get3A_692 = tpu.vector_load %arg13[%get3A, %get3A_691] {strides = array<i32>} : memref<104x64xf32, #tpu.memory_space<vmem>>, vector<1x16xf32>,
        %get3A_693 = vector.shape_cast %get3A_692 : vector<1x16xf32> to vector<16xf32>
        %add3A_694 = arith.addf %scan3A_681, %get3A_693 : vector<16xf32>
        %get3A_695 = arith.index_cast %add3A_690 : i32 to index
        %get3A_696 = arith.constant 16 : index
        %get3A_697 = tpu.vector_load %arg13[%get3A_695, %get3A_696] {strides = array<i32>} : memref<104x64xf32, #tpu.memory_space<vmem>>, vector<1x16xf32>,
        %get3A_698 = vector.shape_cast %get3A_697 : vector<1x16xf32> to vector<16xf32>
        %add3A_699 = arith.addf %scan3A_682, %get3A_698 : vector<16xf32>
        %get3A_700 = arith.index_cast %add3A_690 : i32 to index
        %get3A_701 = arith.constant 32 : index
        %get3A_702 = tpu.vector_load %arg13[%get3A_700, %get3A_701] {strides = array<i32>} : memref<104x64xf32, #tpu.memory_space<vmem>>, vector<1x16xf32>,
        %get3A_703 = vector.shape_cast %get3A_702 : vector<1x16xf32> to vector<16xf32>
        %add3A_704 = arith.addf %scan3A_683, %get3A_703 : vector<16xf32>
        %get3A_705 = arith.index_cast %add3A_690 : i32 to index
        %get3A_706 = arith.constant 48 : index
        %get3A_707 = tpu.vector_load %arg13[%get3A_705, %get3A_706] {strides = array<i32>} : memref<104x64xf32, #tpu.memory_space<vmem>>, vector<1x16xf32>,
        %get3A_708 = vector.shape_cast %get3A_707 : vector<1x16xf32> to vector<16xf32>
        %add3A_709 = arith.addf %scan3A_684, %get3A_708 : vector<16xf32>
        %mul3A_710 = arith.constant 4 : i32
        %mul3A_711 = arith.muli %scan3A_680, %mul3A_710 : i32
        %add3A_712 = arith.constant 52 : i32
        %add3A_713 = arith.addi %add3A_712, %mul3A_711 : i32
        %add3A_714 = arith.constant 1 : i32
        %add3A_715 = arith.addi %add3A_713, %add3A_714 : i32
        %get3A_716 = arith.index_cast %add3A_715 : i32 to index
        %get3A_717 = arith.constant 0 : index
        %get3A_718 = tpu.vector_load %arg13[%get3A_716, %get3A_717] {strides = array<i32>} : memref<104x64xf32, #tpu.memory_space<vmem>>, vector<1x16xf32>,
        %get3A_719 = vector.shape_cast %get3A_718 : vector<1x16xf32> to vector<16xf32>
        %add3A_720 = arith.addf %add3A_694, %get3A_719 : vector<16xf32>
        %get3A_721 = arith.index_cast %add3A_715 : i32 to index
        %get3A_722 = arith.constant 16 : index
        %get3A_723 = tpu.vector_load %arg13[%get3A_721, %get3A_722] {strides = array<i32>} : memref<104x64xf32, #tpu.memory_space<vmem>>, vector<1x16xf32>,
        %get3A_724 = vector.shape_cast %get3A_723 : vector<1x16xf32> to vector<16xf32>
        %add3A_725 = arith.addf %add3A_699, %get3A_724 : vector<16xf32>
        %get3A_726 = arith.index_cast %add3A_715 : i32 to index
        %get3A_727 = arith.constant 32 : index
        %get3A_728 = tpu.vector_load %arg13[%get3A_726, %get3A_727] {strides = array<i32>} : memref<104x64xf32, #tpu.memory_space<vmem>>, vector<1x16xf32>,
        %get3A_729 = vector.shape_cast %get3A_728 : vector<1x16xf32> to vector<16xf32>
        %add3A_730 = arith.addf %add3A_704, %get3A_729 : vector<16xf32>
        %get3A_731 = arith.index_cast %add3A_715 : i32 to index
        %get3A_732 = arith.constant 48 : index
        %get3A_733 = tpu.vector_load %arg13[%get3A_731, %get3A_732] {strides = array<i32>} : memref<104x64xf32, #tpu.memory_space<vmem>>, vector<1x16xf32>,
        %get3A_734 = vector.shape_cast %get3A_733 : vector<1x16xf32> to vector<16xf32>
        %add3A_735 = arith.addf %add3A_709, %get3A_734 : vector<16xf32>
        %mul3A_736 = arith.constant 4 : i32
        %mul3A_737 = arith.muli %scan3A_680, %mul3A_736 : i32
        %add3A_738 = arith.constant 52 : i32
        %add3A_739 = arith.addi %add3A_738, %mul3A_737 : i32
        %add3A_740 = arith.constant 2 : i32
        %add3A_741 = arith.addi %add3A_739, %add3A_740 : i32
        %get3A_742 = arith.index_cast %add3A_741 : i32 to index
        %get3A_743 = arith.constant 0 : index
        %get3A_744 = tpu.vector_load %arg13[%get3A_742, %get3A_743] {strides = array<i32>} : memref<104x64xf32, #tpu.memory_space<vmem>>, vector<1x16xf32>,
        %get3A_745 = vector.shape_cast %get3A_744 : vector<1x16xf32> to vector<16xf32>
        %add3A_746 = arith.addf %add3A_720, %get3A_745 : vector<16xf32>
        %get3A_747 = arith.index_cast %add3A_741 : i32 to index
        %get3A_748 = arith.constant 16 : index
        %get3A_749 = tpu.vector_load %arg13[%get3A_747, %get3A_748] {strides = array<i32>} : memref<104x64xf32, #tpu.memory_space<vmem>>, vector<1x16xf32>,
        %get3A_750 = vector.shape_cast %get3A_749 : vector<1x16xf32> to vector<16xf32>
        %add3A_751 = arith.addf %add3A_725, %get3A_750 : vector<16xf32>
        %get3A_752 = arith.index_cast %add3A_741 : i32 to index
        %get3A_753 = arith.constant 32 : index
        %get3A_754 = tpu.vector_load %arg13[%get3A_752, %get3A_753] {strides = array<i32>} : memref<104x64xf32, #tpu.memory_space<vmem>>, vector<1x16xf32>,
        %get3A_755 = vector.shape_cast %get3A_754 : vector<1x16xf32> to vector<16xf32>
        %add3A_756 = arith.addf %add3A_730, %get3A_755 : vector<16xf32>
        %get3A_757 = arith.index_cast %add3A_741 : i32 to index
        %get3A_758 = arith.constant 48 : index
        %get3A_759 = tpu.vector_load %arg13[%get3A_757, %get3A_758] {strides = array<i32>} : memref<104x64xf32, #tpu.memory_space<vmem>>, vector<1x16xf32>,
        %get3A_760 = vector.shape_cast %get3A_759 : vector<1x16xf32> to vector<16xf32>
        %add3A_761 = arith.addf %add3A_735, %get3A_760 : vector<16xf32>
        %mul3A_762 = arith.constant 4 : i32
        %mul3A_763 = arith.muli %scan3A_680, %mul3A_762 : i32
        %add3A_764 = arith.constant 52 : i32
        %add3A_765 = arith.addi %add3A_764, %mul3A_763 : i32
        %add3A_766 = arith.constant 3 : i32
        %add3A_767 = arith.addi %add3A_765, %add3A_766 : i32
        %get3A_768 = arith.index_cast %add3A_767 : i32 to index
        %get3A_769 = arith.constant 0 : index
        %get3A_770 = tpu.vector_load %arg13[%get3A_768, %get3A_769] {strides = array<i32>} : memref<104x64xf32, #tpu.memory_space<vmem>>, vector<1x16xf32>,
        %get3A_771 = vector.shape_cast %get3A_770 : vector<1x16xf32> to vector<16xf32>
        %add3A_772 = arith.addf %add3A_746, %get3A_771 : vector<16xf32>
        %get3A_773 = arith.index_cast %add3A_767 : i32 to index
        %get3A_774 = arith.constant 16 : index
        %get3A_775 = tpu.vector_load %arg13[%get3A_773, %get3A_774] {strides = array<i32>} : memref<104x64xf32, #tpu.memory_space<vmem>>, vector<1x16xf32>,
        %get3A_776 = vector.shape_cast %get3A_775 : vector<1x16xf32> to vector<16xf32>
        %add3A_777 = arith.addf %add3A_751, %get3A_776 : vector<16xf32>
        %get3A_778 = arith.index_cast %add3A_767 : i32 to index
        %get3A_779 = arith.constant 32 : index
        %get3A_780 = tpu.vector_load %arg13[%get3A_778, %get3A_779] {strides = array<i32>} : memref<104x64xf32, #tpu.memory_space<vmem>>, vector<1x16xf32>,
        %get3A_781 = vector.shape_cast %get3A_780 : vector<1x16xf32> to vector<16xf32>
        %add3A_782 = arith.addf %add3A_756, %get3A_781 : vector<16xf32>
        %get3A_783 = arith.index_cast %add3A_767 : i32 to index
        %get3A_784 = arith.constant 48 : index
        %get3A_785 = tpu.vector_load %arg13[%get3A_783, %get3A_784] {strides = array<i32>} : memref<104x64xf32, #tpu.memory_space<vmem>>, vector<1x16xf32>,
        %get3A_786 = vector.shape_cast %get3A_785 : vector<1x16xf32> to vector<16xf32>
        %add3A_787 = arith.addf %add3A_761, %get3A_786 : vector<16xf32>
        scf.yield %add3A_772, %add3A_777, %add3A_782, %add3A_787 : vector<16xf32>, vector<16xf32>, vector<16xf32>, vector<16xf32>
      }
      %scan3A_648 = arith.constant 13 : i32
      %mul3A_649 = arith.constant 2 : i32
      %mul3A_650 = arith.muli %add3A_606, %mul3A_649 : i32
      %add3A_651 = arith.constant 1 : i32
      %add3A_652 = arith.addi %mul3A_650, %add3A_651 : i32
      %swap3A_653 = arith.index_cast %add3A_652 : i32 to index
      %swap3A_654 = arith.constant 0 : index
      %swap3A_655 = tpu.vector_load %arg14[%swap3A_653, %swap3A_654] {strides = array<i32>} : memref<128x64xf32, #tpu.memory_space<vmem>>, vector<1x16xf32>,
      %swap3A_656 = vector.shape_cast %swap3A_655 : vector<1x16xf32> to vector<16xf32>
      %swap3A_657 = vector.shape_cast %scan3A_647#0 : vector<16xf32> to vector<1x16xf32>
      tpu.vector_store %arg14[%swap3A_653, %swap3A_654], %swap3A_657 {strides = array<i32>} : memref<128x64xf32, #tpu.memory_space<vmem>>, vector<1x16xf32>,
      %swap3A_658 = arith.index_cast %add3A_652 : i32 to index
      %swap3A_659 = arith.constant 16 : index
      %swap3A_660 = tpu.vector_load %arg14[%swap3A_658, %swap3A_659] {strides = array<i32>} : memref<128x64xf32, #tpu.memory_space<vmem>>, vector<1x16xf32>,
      %swap3A_661 = vector.shape_cast %swap3A_660 : vector<1x16xf32> to vector<16xf32>
      %swap3A_662 = vector.shape_cast %scan3A_647#1 : vector<16xf32> to vector<1x16xf32>
      tpu.vector_store %arg14[%swap3A_658, %swap3A_659], %swap3A_662 {strides = array<i32>} : memref<128x64xf32, #tpu.memory_space<vmem>>, vector<1x16xf32>,
      %swap3A_663 = arith.index_cast %add3A_652 : i32 to index
      %swap3A_664 = arith.constant 32 : index
      %swap3A_665 = tpu.vector_load %arg14[%swap3A_663, %swap3A_664] {strides = array<i32>} : memref<128x64xf32, #tpu.memory_space<vmem>>, vector<1x16xf32>,
      %swap3A_666 = vector.shape_cast %swap3A_665 : vector<1x16xf32> to vector<16xf32>
      %swap3A_667 = vector.shape_cast %scan3A_647#2 : vector<16xf32> to vector<1x16xf32>
      tpu.vector_store %arg14[%swap3A_663, %swap3A_664], %swap3A_667 {strides = array<i32>} : memref<128x64xf32, #tpu.memory_space<vmem>>, vector<1x16xf32>,
      %swap3A_668 = arith.index_cast %add3A_652 : i32 to index
      %swap3A_669 = arith.constant 48 : index
      %swap3A_670 = tpu.vector_load %arg14[%swap3A_668, %swap3A_669] {strides = array<i32>} : memref<128x64xf32, #tpu.memory_space<vmem>>, vector<1x16xf32>,
      %swap3A_671 = vector.shape_cast %swap3A_670 : vector<1x16xf32> to vector<16xf32>
      %swap3A_672 = vector.shape_cast %scan3A_647#3 : vector<16xf32> to vector<1x16xf32>
      tpu.vector_store %arg14[%swap3A_668, %swap3A_669], %swap3A_672 {strides = array<i32>} : memref<128x64xf32, #tpu.memory_space<vmem>>, vector<1x16xf32>,
      %add3A_673 = arith.constant 8 : i32
      %add3A_674 = arith.addi %add3A_606, %add3A_673 : i32
      %lt3A_675 = arith.constant 64 : i32
      %lt3A_676 = arith.cmpi slt, %add3A_674, %lt3A_675 : i32
      %convert_element_type3A_677 = arith.extui %lt3A_676 : i1 to i32
      %cond3A_678 = arith.constant 0 : i32
      %cond3A_679 = arith.cmpi ne, %convert_element_type3A_677, %cond3A_678 : i32
      scf.if %cond3A_679 {
        %add3A_680 = arith.constant 8 : i32
        %add3A_681 = arith.addi %add3A_606, %add3A_680 : i32
        %dma_start3A_682 = arith.constant 0 : i32
        %dma_start3A_683 = tpu.memref_slice %arg5[%add3A_681, %dma_start3A_682] : memref<64x104xi32, #tpu.memory_space<vmem>> -> memref<1x104xi32, #tpu.memory_space<vmem>>
        %dma_start3A_684 = tpu.memref_squeeze %dma_start3A_683 : memref<1x104xi32, #tpu.memory_space<vmem>> -> memref<104xi32, #tpu.memory_space<vmem>>
        %dma_start3A_685 = arith.constant 0 : i32
        %dma_start3A_686 = arith.constant 0 : i32
        %dma_start3A_687 = tpu.memref_slice %arg3[%dma_start3A_685, %dma_start3A_686] : memref<100001x64xf32, #tpu.memory_space<hbm>> -> memref<100001x64xf32, #tpu.memory_space<hbm>>
        tpu.enqueue_indirect_dma source(%dma_start3A_687 : memref<100001x64xf32, #tpu.memory_space<hbm>>) target(%arg13 : memref<104x64xf32, #tpu.memory_space<vmem>>) offsets(%dma_start3A_684 : memref<104xi32, #tpu.memory_space<vmem>>) semaphore(%arg22 : memref<!tpu.dma_semaphore, #tpu.memory_space<semaphore_mem>>)
      } else {
      }
    }
    %scan3A_67 = arith.constant 8 : i32
    "tpu.region"() ({
      %run_scoped3A = tpu.sem_alloc : memref<!tpu.dma_semaphore, #tpu.memory_space<semaphore_mem>>
      %dma_start3A_68 = arith.constant 0 : i32
      %dma_start3A_69 = arith.constant 0 : i32
      %dma_start3A_70 = tpu.memref_slice %arg4[%add3A, %dma_start3A_68, %dma_start3A_69] : memref<32x128x64xf32, #tpu.memory_space<hbm>> -> memref<1x128x64xf32, #tpu.memory_space<hbm>>
      %dma_start3A_71 = tpu.memref_squeeze %dma_start3A_70 : memref<1x128x64xf32, #tpu.memory_space<hbm>> -> memref<128x64xf32, #tpu.memory_space<hbm>>
      %dma_start3A_72 = arith.constant 0 : i32
      %dma_start3A_73 = arith.constant 0 : i32
      %dma_start3A_74 = tpu.memref_slice %arg4[%add3A, %dma_start3A_72, %dma_start3A_73] : memref<32x128x64xf32, #tpu.memory_space<hbm>> -> memref<1x128x64xf32, #tpu.memory_space<hbm>>
      %dma_start3A_75 = tpu.memref_squeeze %dma_start3A_74 : memref<1x128x64xf32, #tpu.memory_space<hbm>> -> memref<128x64xf32, #tpu.memory_space<hbm>>
      tpu.enqueue_dma source(%arg14 : memref<128x64xf32, #tpu.memory_space<vmem>>) target(%dma_start3A_75 : memref<128x64xf32, #tpu.memory_space<hbm>>) target_semaphore(%run_scoped3A : memref<!tpu.dma_semaphore, #tpu.memory_space<semaphore_mem>>)
      %dma_wait3A = arith.constant 0 : i32
      %dma_wait3A_76 = arith.constant 0 : i32
      %dma_wait3A_77 = tpu.memref_slice %arg4[%add3A, %dma_wait3A, %dma_wait3A_76] : memref<32x128x64xf32, #tpu.memory_space<hbm>> -> memref<1x128x64xf32, #tpu.memory_space<hbm>>
      %dma_wait3A_78 = tpu.memref_squeeze %dma_wait3A_77 : memref<1x128x64xf32, #tpu.memory_space<hbm>> -> memref<128x64xf32, #tpu.memory_space<hbm>>
      %dma_wait3A_79 = arith.constant 0 : i32
      %dma_wait3A_80 = arith.constant 0 : i32
      %dma_wait3A_81 = tpu.memref_slice %arg4[%add3A, %dma_wait3A_79, %dma_wait3A_80] : memref<32x128x64xf32, #tpu.memory_space<hbm>> -> memref<1x128x64xf32, #tpu.memory_space<hbm>>
      %dma_wait3A_82 = tpu.memref_squeeze %dma_wait3A_81 : memref<1x128x64xf32, #tpu.memory_space<hbm>> -> memref<128x64xf32, #tpu.memory_space<hbm>>
      tpu.wait_dma2 semaphore(%run_scoped3A : memref<!tpu.dma_semaphore, #tpu.memory_space<semaphore_mem>>) src(%arg14 : memref<128x64xf32, #tpu.memory_space<vmem>>) dst(%dma_wait3A_82 : memref<128x64xf32, #tpu.memory_space<hbm>>)
      tpu.yield
    }) : () -> ()
    return
  }
}

</mosaic_0001>

<sc_bundles>
// kernel: _sc_pool.3.cloned.1.call-start
scs
__scs_entry_jumppad:
0x0: {  	(pc) =	sbr.rel $0x88, $3  }
0x1: {  	(tag) =	ssettag $0x0;
	lr =	simm.s32 $0x1  }
0x2: {  	[smem:$0x3F9F] =	sst lr;
	_ =	strace $0xD0000000  }
0x3: {  	_ = 	snop  }
0x4: {  	_ = 	snop  }
0x5: {  	_ = 	snop  }
0x6: {  	_ = 	snop  }
0x7: {  	_ = 	snop  }
__scs_overlays_trampoline_lowered:
0x8: {  	[smem:$0x3FAE] =	sst s0  }
0x9: {  	[smem:$0x3FAF] =	sst s1  }
0xa: {  	[smem:$0x3FB0] =	sst s2  }
0xb: {  	[smem:$0x3FB1] =	sst s3  }
0xc: {  	[smem:$0x3FB2] =	sst s4  }
0xd: {  	[smem:$0x3FB3] =	sst s5  }
0xe: {  	[smem:$0x3FB4] =	sst s6  }
0xf: {  	[smem:$0x3FB5] =	sst s7  }
0x10: {  	[smem:$0x3FB6] =	sst s8  }
0x11: {  	[smem:$0x3FB7] =	sst s9;
	s0 =	simm.s32 @!p0 $0x0  }
0x12: {  	s1 =	sld [smem:$0x3F9D];
	s0 =	simm.s32 @p0 $0x1  }
0x13: {  	[smem:$0x3FB8] =	sst s0;
	s0 =	simm.s32 @!p1 $0x0  }
0x14: {  	s2 =	sld [smem:$0x3F9C];
	s0 =	simm.s32 @p1 $0x1  }
0x15: {  	[smem:$0x3FB9] =	sst s0;
	s0 =	simm.s32 @!p2 $0x0  }
0x16: {  	s3 =	sld [smem:$0x3FDB];
	s0 =	simm.s32 @p2 $0x1  }
0x17: {  	s4 =	simm.s32 $0x1BF5;
	[smem:$0x3FBB] =	sst s0  }
0x18: {  	s0 =	sld [smem:$0x3F9E];
	_ =	swait.ge [sflag:s4], $0x0  }
0x19: {  	s7 =	sld [smem:$0x3F9F]  }
0x1a: {  	s8 =	sadd.s32 $0xFFFFE003, lr  }
0x1b: {  	s9 =	sadd.s32 $0xFFFFFEF7, lr;
	s5 =	simm.s32 $0xFFFFFFFF;
	p2 =	slt.u32 s8, $0xFFFFF086  }
0x1c: {  	p1 =	slt.u32 s9, $0xF7A;
	s5 =	simm.s32 @!p2 $0x0  }
0x1d: {  	s5 =	simm.s32 @p1 $0x1;
	p0 =	seq.s32 s7, s2  }
0x1e: {  	s7 =	smul.u32 @!p0 $0xF7A, s2;
	p2 =	seq.s32 @!p0 s5, $0x0  }
0x1f: {  	s9 =	smul.u32 $0xF7A, s1;
	s8 =	simm.s32 @!p0 $0x1BF5;
	p2 =	por !p2, p0  }
0x20: {  	[sflag:s8] =	ssyncset.s32 @!p0 $0xFFFFF086;
	s6 =	sadd.s32 @!p0 s3, s7;
	s7 =	simm.s32 @!p0 $0x108  }
0x21: {  	s3 =	sadd.s32 s3, s9;
	s6 =	sadd.s32 @!p0 $0x88, s6;
	s7 =	simm.s32 @p2 $0x1082  }
0x22: {  	[simem:s7], [sflag:s8] =	dma.local @!p0 [hbm:s6], $0xF7A  }
0x23: {  	s9 =	sor.u32 $0xD0000000, s2;
	s6 =	simm.s32 $0x108;
	_ =	swait.ge @!p0 [sflag:s8], $0x0  }
0x24: {  	s3 =	sadd.s32 $0x88, s3;
	s6 =	simm.s32 @!p1 $0x1082;
	[sflag:s4] =	ssyncset.s32 $0xFFFFF086  }
0x25: {  	[simem:s6], [sflag:s4] =	dma.local [hbm:s3], $0xF7A  }
0x26: {  	[smem:$0x3F9F] =	sst s1;
	(tag) =	ssettag s2;
	_ =	strace s9  }
0x27: {  	s1 =	sld [smem:$0x3FAF]  }
0x28: {  	s2 =	sld [smem:$0x3FB0]  }
0x29: {  	s4 =	sld [smem:$0x3FB2]  }
0x2a: {  	p0 =	seq.s32 s5, $0x0;
	s5 =	sld [smem:$0x3FB3]  }
0x2b: {  	s6 =	sld [smem:$0x3FB4]  }
0x2c: {  	s7 =	sld [smem:$0x3FB5]  }
0x2d: {  	s3 =	simm.s32 $0x108;
	s8 =	sld [smem:$0x3FB6]  }
0x2e: {  	s3 =	simm.s32 @!p0 $0x1082;
	s9 =	sld [smem:$0x3FB7]  }
0x2f: {  	lr =	sadd.s32 s0, s3;
	s0 =	sld [smem:$0x3FAE]  }
0x30: {  	s3 =	sld [smem:$0x3FB1]  }
0x31: {  	[smem:$0x3FBA] =	sst s10  }
0x32: {  	s10 =	sld [smem:$0x3FB8];
	_ =	sdelay $0x3  }
0x33: {  	p0 =	seq.s32 s10, $0x1;
	s10 =	sld [smem:$0x3FBA];
	_ =	sdelay $0x3  }
0x34: {  	[smem:$0x3FBA] =	sst s10  }
0x35: {  	s10 =	sld [smem:$0x3FB9];
	_ =	sdelay $0x3  }
0x36: {  	p1 =	seq.s32 s10, $0x1;
	s10 =	sld [smem:$0x3FBA];
	_ =	sdelay $0x3  }
0x37: {  	[smem:$0x3FBA] =	sst s10  }
0x38: {  	s10 =	sld [smem:$0x3FBB]  }
0x39: {  	_ = 	snop;
	(pc) =	sbr.ind lr, $3  }
0x3a: {  	_ = 	snop  }
0x3b: {  	_ = 	snop  }
0x3c: {  	p2 =	seq.s32 s10, $0x1;
	s10 =	sld [smem:$0x3FBA]  }
0x3d: {  	_ =	shalt  }
0x3e: {  	_ =	shalt  }
0x3f: {  	_ =	shalt  }
0x40: {  	_ =	shalt  }
0x41: {  	_ =	shalt  }
0x42: {  	_ =	shalt  }
0x43: {  	_ =	shalt  }
0x44: {  	_ =	shalt  }
0x45: {  	_ =	shalt  }
0x46: {  	_ =	shalt  }
0x47: {  	_ =	shalt  }
0x48: {  	_ =	shalt  }
0x49: {  	_ =	shalt  }
0x4a: {  	_ =	shalt  }
0x4b: {  	_ =	shalt  }
0x4c: {  	_ =	shalt  }
0x4d: {  	_ =	shalt  }
0x4e: {  	_ =	shalt  }
0x4f: {  	_ =	shalt  }
0x50: {  	_ =	shalt  }
0x51: {  	_ =	shalt  }
0x52: {  	_ =	shalt  }
0x53: {  	_ =	shalt  }
0x54: {  	_ =	shalt  }
0x55: {  	_ =	shalt  }
0x56: {  	_ =	shalt  }
0x57: {  	_ =	shalt  }
0x58: {  	_ =	shalt  }
0x59: {  	_ =	shalt  }
0x5a: {  	_ =	shalt  }
0x5b: {  	_ =	shalt  }
0x5c: {  	_ =	shalt  }
0x5d: {  	_ =	shalt  }
0x5e: {  	_ =	shalt  }
0x5f: {  	_ =	shalt  }
0x60: {  	_ =	shalt  }
0x61: {  	_ =	shalt  }
0x62: {  	_ =	shalt  }
0x63: {  	_ =	shalt  }
0x64: {  	_ =	shalt  }
0x65: {  	_ =	shalt  }
0x66: {  	_ =	shalt  }
0x67: {  	_ =	shalt  }
0x68: {  	_ =	shalt  }
0x69: {  	_ =	shalt  }
0x6a: {  	_ =	shalt  }
0x6b: {  	_ =	shalt  }
0x6c: {  	_ =	shalt  }
0x6d: {  	_ =	shalt  }
0x6e: {  	_ =	shalt  }
0x6f: {  	_ =	shalt  }
0x70: {  	_ =	shalt  }
0x71: {  	_ =	shalt  }
0x72: {  	_ =	shalt  }
0x73: {  	_ =	shalt  }
0x74: {  	_ =	shalt  }
0x75: {  	_ =	shalt  }
0x76: {  	_ =	shalt  }
0x77: {  	_ =	shalt  }
0x78: {  	_ =	shalt  }
0x79: {  	_ =	shalt  }
0x7a: {  	_ =	shalt  }
0x7b: {  	_ =	shalt  }
0x7c: {  	_ =	shalt  }
0x7d: {  	_ =	shalt  }
0x7e: {  	_ =	shalt  }
0x7f: {  	_ =	shalt  }
0x80: {  	_ =	shalt  }
0x81: {  	_ =	shalt  }
0x82: {  	_ =	shalt  }
0x83: {  	_ =	shalt  }
0x84: {  	_ =	shalt  }
0x85: {  	_ =	shalt  }
0x86: {  	_ =	shalt  }
0x87: {  	_ =	shalt  }
.Lfunc_end0:
.L_simem_size_0:
called_computation_lowered:
.L_overlay_start_0:
0x88: {  	s2 =	sld [smem:$0x3FD9]  }
0x89: {  	s3 =	sld [smem:$0x3FFE];
	_ =	sdelay $0x1  }
0x8a: {  	s1 =	srdreg.scid  }
0x8b: {  	s0 =	sand.u32 $0x1, s1  }
0x8c: {  	s17 =	sshll.u32 s0, $0xA;
	s2 =	sadd.s32 s3, s2  }
0x8d: {  	s2 =	sadd.s32 s2, s17  }
0x8e: {  	[smem:$0x3FC6] =	sst s2  }
0x8f: {  	_ = 	snop  }
0x90: {  	s2 =	sld [smem:$0x3FD0];
	(tm) =	ssettm $0x1  }
0x91: {  	s18 =	sld [smem:$0x3FFB];
	_ =	sdelay $0x3  }
0x92: {  	_ =	strace s18  }
0x93: {  	s3 =	sld [smem:$0x3FFC];
	_ =	sdelay $0x3  }
0x94: {  	_ =	strace s3  }
0x95: {  	s3 =	sld [smem:$0x3FFD];
	_ =	sdelay $0x3  }
0x96: {  	_ =	strace s3  }
0x97: {  	_ =	strace $0x8FFFFFFF  }
0x98: {  	s19 =	sld [smem:$0x3FDB];
	_ =	sdelay $0x1  }
0x99: {  	s4 =	simm.s32 $_scs_section_size  }
0x9a: {  	s5 =	simm.s32 $_size__tile_overlayer_lowered;
	s6 =	simm.s32 $_tile_overlayer_lowered  }
0x9b: {  	s22 =	simm.s32 $0x1BFF;
	s21 =	sshll.u32 s6, $0x1;
	s3 =	sadd.s32 s4, s19  }
0x9c: {  	s7 =	simm.s32 $0x0;
	s20 =	sshll.u32 s5, $0x1;
	s5 =	sadd.s32 s21, s3  }
0x9d: {  	[timem:s7], [sflag:s22] =	dma.local [hbm:s5], s20  }
0x9e: {  	_ =	swait.ge [sflag:s22], s20  }
0x9f: {  	s4 =	ssub.s32 $0x0, s20;
	[sflag:s22] =	ssyncset.done $0x0  }
0xa0: {  	[sflag:s22] =	ssyncadd.s32 s4;
	_ =	sdelay $0x1  }
0xa1: {  	s23 =	simm.s32 $0x1B8B  }
0xa2: {  	_ =	swait.ge [sflag:s23], $0x1  }
0xa3: {  	[sflag:s23] =	ssyncset.done $0x0  }
0xa4: {  	s25 =	simm.s32 $0x1B8E;
	s24 =	sld [smem:$0x3FFE];
	[sflag:s23] =	ssyncadd.s32 $0xFFFFFFFF  }
0xa5: {  	s26 =	simm.s32 $execute0_lowered;
	[smem:$0x3FD2] =	sst s25  }
0xa6: {  	s5 =	sshll.u32 s26, $0x1;
	_ =	strace $0x80000046;
	[dreg:$0x1] =	wrdreg $0xFFFFFFFF  }
0xa7: {  	s28 =	simm.s32 $_size_execute0_lowered;
	s3 =	sadd.s32 s3, s5;
	[dreg:$0x0] =	wrdreg $0x0  }
0xa8: {  	s5 =	sshll.u32 s28, $0x1;
	[dreg:$0x2] =	wrdreg s3  }
0xa9: {  	[dreg:$0x3] =	wrdreg s5  }
0xaa: {  	[dreg:$0x4] =	wrdreg $0xC0  }
0xab: {  	_ =	task [dreg:s7], $0x5FFFF  }
0xac: {  	[dreg:$0x1] =	wrdreg $0xFFFFFFFF  }
0xad: {  	[dreg:$0x0] =	wrdreg $0x60  }
0xae: {  	[dreg:$0x2] =	wrdreg s24  }
0xaf: {  	[dreg:$0x3] =	wrdreg s2  }
0xb0: {  	[dreg:$0x4] =	wrdreg $0x9  }
0xb1: {  	_ =	task.clear_ibuf [dreg:s7], $0x5FFFF;
	_ =	strace $0x90000046  }
0xb2: {  	s29 =	simm.s32 $0x9;
	_ =	strace $0x80000048  }
0xb3: {  	_ =	swait.ge [sflag:s29], $0x1  }
0xb4: {  	[sflag:s29] =	ssyncadd.s32 $0xFFFFFFFF  }
0xb5: {  	_ =	strace $0x90000048  }
0xb6: {  	_ =	sfence  }
0xb7: {  	s30 =	sld [smem:$0x0];
	_ =	sdelay $0x2  }
0xb8: {  	s31 =	sshll.u32 s1, $0xD;
	s1 =	sshrl.u32 s1, $0x2  }
0xb9: {  	s3 =	sand.u32 $0x4000, s31;
	s1 =	sadd.s32 s1, s30  }
0xba: {  	s0 =	sor.u32 s3, s0;
	s1 =	sshll.u32 s1, $0x11  }
0xbb: {  	s0 =	sor.u32 s1, s0  }
0xbc: {  	s0 =	sadd.s32 $0x8F2B, s0  }
0xbd: {  	[sflag:s0] =	ssyncadd.remote.s32 $0x1  }
0xbe: {  	_ =	sfence.sel $0xFFFF  }
0xbf: {  	[dreg:$0x0] =	wrdreg $0xFFFFFFFF;
	(pc) =	sbr.abs _section_cstart, $3  }
0xc0: {  	[dreg:$0x1] =	wrdreg $0xFFFFFFFF  }
0xc1: {  	_ =	task.clear_ibuf [dreg:s7], $0x2FFFF;
	_ =	strace $0x9FFFFFFF  }
0xc2: {  	(tm) =	ssettm $0x7FFFFFFF  }
0xc3: {  	_ =	shalt  }
tec
execute0_lowered:
.L_overlay_start_1:
0x0: {  	(tag) =	ssettag $0x1  }
0x1: {  	s0 =	srdreg.scid;
	s1 =	rddreg [dreg:$0x0]  }
0x2: {  	s2 =	stileid.u32;
	s5 =	rddreg [dreg:$0x1];
	s8 =	simm.s32 $0x68  }
0x3: {  	s15 =	simm.s32 $0x1A0;
	s16 =	simm.s32 $0x8200;
	s17 =	simm.s32 $0x208  }
0x4: {  	s18 =	simm.s32 $0x9C00;
	s19 =	simm.s32 $0x270;
	s20 =	simm.s32 $0xB600  }
0x5: {  	s21 =	simm.s32 $0x2D8;
	s22 =	simm.s32 $0xD000;
	s23 =	simm.s32 $0x1  }
0x6: {  	s24 =	simm.s32 $0x2;
	s25 =	simm.s32 $0x3;
	s28 =	simm.s32 $0x5  }
0x7: {  	s29 =	simm.s32 $0x6;
	s0 =	sand.u32 $0x1, s0;
	s2 =	sshll.u32 s2, $0x1  }
0x8: {  	s30 =	simm.s32 $0x7;
	s31 =	simm.s32 $0x8;
	s4 =	sor.u32 s0, s2  }
0x9: {  	s2 =	simm.s32 $0x0;
	s0 =	ssub.s32 $0x2, s0;
	s3 =	smul.u32 $0x340, s4  }
.Ltmp0:
0xa: {  	[smem:$0x7FF] =	sst s2;
	s26 =	sshrl.u32 s0, $0x1;
	(pc) =	sbr.rel .LBB2_1-.Ltmp0, $4  }
0xb: {  	s7 =	sshll.u32 s4, $0xA;
	_ =	strace $0x80000047;
	s0 =	ssub.s32 s0, s26  }
0xc: {  	s5 =	sadd.s32 s5, s7;
	s7 =	simm.s32 $0x9;
	s26 =	simm.s32 $0x4  }
0xd: {  	s6 =	sadd.s32 s3, s1;
	s3 =	sadd.s32 $0x187200, s1;
	s1 =	simm.s32 $0xEA00  }
0xe: {  	s4 =	sadd.s32 $0x600, s6;
	s6 =	smax.u32 s0, $0x1;
	s0 =	simm.s32 $0x0  }
.LBB2_36:
0xf: {  	s0 =	sadd.s32 $0x1, s0  }
0x10: {  	p0 =	sne.s32 s0, s6  }
.Ltmp1:
0x11: {  	_ = 	snop;
	(pc) =	sbr.rel @!p0 .LBB2_37-.Ltmp1, $4  }
0x12: {  	[hbm4b:s5+s2] =	stream.linear.scatter [tilespmem:s1], [sflag:$0x9], $0x2000, $0x38;
	[tilespmem:$0x10A00] =	vst v63  }
0x13: {  	_ =	swait.ge [sflag:s7], $0x2000  }
0x14: {  	[sflag:s7] =	ssyncset.done $0x0  }
0x15: {  	[sflag:s7] =	ssyncadd.s32 $0xFFFFE000  }
.LBB2_1:
0x16: {  	[tilespmem:s2], [sflag:$0x9] =	stream.linear.gather [hbm4b:s4+s2], $0x1A00, $0x38;
	[tilespmem:$0x10A00] =	vst v63  }
0x17: {  	_ =	swait.ge [sflag:s7], $0x1A00  }
0x18: {  	[sflag:s7] =	ssyncset.done $0x0  }
0x19: {  	s9 =	simm.s32 $0x1A00;
	[sflag:s7] =	ssyncadd.s32 $0xFFFFE600  }
0x1a: {  	[tilespmem:s9], [sflag:$0x1] =	stream.indirect.gather [hbm4b:s3+s8], $0x40, s2, s8, $0xb8;
	[tilespmem:$0x10A00] =	vst v63  }
0x1b: {  	s11 =	simm.s32 $0x3400  }
0x1c: {  	[tilespmem:s11], [sflag:$0x2] =	stream.indirect.gather [hbm4b:s3+s8], $0x40, s8, s8, $0xb8;
	[tilespmem:$0x10A00] =	vst v63  }
0x1d: {  	s12 =	simm.s32 $0xD0;
	s10 =	simm.s32 $0x4E00  }
0x1e: {  	[tilespmem:s10], [sflag:$0x3] =	stream.indirect.gather [hbm4b:s3+s8], $0x40, s12, s8, $0xb8;
	[tilespmem:$0x10A00] =	vst v63  }
0x1f: {  	s13 =	simm.s32 $0x138;
	s14 =	simm.s32 $0x6800  }
0x20: {  	[tilespmem:s14], [sflag:$0x4] =	stream.indirect.gather [hbm4b:s3+s8], $0x40, s13, s8, $0xb8;
	[tilespmem:$0x10A00] =	vst v63  }
0x21: {  	_ = 	snop  }
0x22: {  	[tilespmem:s16], [sflag:$0x5] =	stream.indirect.gather [hbm4b:s3+s8], $0x40, s15, s8, $0xb8;
	[tilespmem:$0x10A00] =	vst v63  }
0x23: {  	_ = 	snop  }
0x24: {  	[tilespmem:s18], [sflag:$0x6] =	stream.indirect.gather [hbm4b:s3+s8], $0x40, s17, s8, $0xb8;
	[tilespmem:$0x10A00] =	vst v63  }
0x25: {  	_ = 	snop  }
0x26: {  	[tilespmem:s20], [sflag:$0x7] =	stream.indirect.gather [hbm4b:s3+s8], $0x40, s19, s8, $0xb8;
	[tilespmem:$0x10A00] =	vst v63  }
0x27: {  	s9 =	simm.s32 $0x0  }
0x28: {  	[tilespmem:s22], [sflag:$0x8] =	stream.indirect.gather [hbm4b:s3+s8], $0x40, s21, s8, $0xb8;
	[tilespmem:$0x10A00] =	vst v63  }
.LBB2_2:
0x29: {  	_ =	swait.ge [sflag:s23], $0x1A00  }
0x2a: {  	[sflag:s23] =	ssyncset.done $0x0  }
0x2b: {  	s10 =	simm.s32 $0x0;
	[sflag:s23] =	ssyncadd.s32 $0xFFFFE600  }
0x2c: {  	v0 =	vld [tilespmem:s10+$0x1AC0]  }
0x2d: {  	v1 =	vld [tilespmem:s10+$0x1AD0]  }
0x2e: {  	v2 =	vld [tilespmem:s10+$0x1A80]  }
0x2f: {  	v3 =	vld [tilespmem:s10+$0x1A90]  }
0x30: {  	v4 =	vld [tilespmem:s10+$0x1A40]  }
0x31: {  	v5 =	vld [tilespmem:s10+$0x1A50]  }
0x32: {  	v10 =	vld [tilespmem:s10+$0x1A00]  }
0x33: {  	v6 =	vimm.f32 $0.0e+00;
	v12 =	vld [tilespmem:s10+$0x1A10]  }
0x34: {  	s11 =	simm.s32 $0x400;
	v9 =	vimm.f32 $0.0e+00;
	v8 =	vimm.f32 $0.0e+00;
	v7 =	vimm.f32 $0.0e+00;
	v11 =	vld [tilespmem:s10+$0x1A20]  }
.LBB2_3:
0x35: {  	p0 =	sne.s32 s11, $0x3000;
	v13 =	vld [tilespmem:s10+$0x1A30]  }
0x36: {  	v14 =	vld [tilespmem:s10+$0x1A60]  }
0x37: {  	v15 =	vld [tilespmem:s10+$0x1A70]  }
0x38: {  	v16 =	vld [tilespmem:s10+$0x1AA0]  }
0x39: {  	v6 =	vadd.f32 v10, v6;
	v9 =	vadd.f32 v12, v9;
	v10 =	vld [tilespmem:s10+$0x1AB0]  }
0x3a: {  	v8 =	vadd.f32 v11, v8;
	v7 =	vadd.f32 v13, v7;
	v11 =	vld [tilespmem:s10+$0x1AE0]  }
0x3b: {  	v4 =	vadd.f32 v4, v6;
	v5 =	vadd.f32 v5, v9;
	v12 =	vld [tilespmem:s10+$0x1AF0];
	s10 =	sshra.s32 s11, $0x2  }
0x3c: {  	v6 =	vadd.f32 v14, v8;
	v13 =	vld [tilespmem:s10+$0x1AC0];
	v7 =	vadd.f32 v15, v7  }
0x3d: {  	v4 =	vadd.f32 v2, v4;
	v5 =	vadd.f32 v3, v5;
	v14 =	vld [tilespmem:s10+$0x1AD0]  }
0x3e: {  	v8 =	vadd.f32 v16, v6;
	v2 =	vld [tilespmem:s10+$0x1A80];
	v7 =	vadd.f32 v10, v7  }
0x3f: {  	v6 =	vadd.f32 v0, v4;
	v9 =	vadd.f32 v1, v5;
	v3 =	vld [tilespmem:s10+$0x1A90]  }
.Ltmp2:
0x40: {  	v8 =	vadd.f32 v11, v8;
	v4 =	vld [tilespmem:s10+$0x1A40];
	v7 =	vadd.f32 v12, v7;
	(pc) =	sbr.rel @p0 .LBB2_3-.Ltmp2, $4  }
0x41: {  	v5 =	vld [tilespmem:s10+$0x1A50];
	v0 =	vmov v13  }
0x42: {  	v10 =	vld [tilespmem:s10+$0x1A00];
	v1 =	vmov v14  }
0x43: {  	v12 =	vld [tilespmem:s10+$0x1A10]  }
0x44: {  	s11 =	sadd.s32 $0x400, s11;
	v11 =	vld [tilespmem:s10+$0x1A20]  }
0x45: {  	v13 =	vld [tilespmem:s10+$0x1A30]  }
0x46: {  	v14 =	vld [tilespmem:s10+$0x1A60]  }
0x47: {  	v15 =	vld [tilespmem:s10+$0x1A70];
	v6 =	vadd.f32 v10, v6  }
0x48: {  	v10 =	vld [tilespmem:s10+$0x1AA0];
	v9 =	vadd.f32 v12, v9  }
0x49: {  	v12 =	vld [tilespmem:s10+$0x1AB0];
	v8 =	vadd.f32 v11, v8;
	v4 =	vadd.f32 v4, v6  }
0x4a: {  	v6 =	vadd.f32 v13, v7;
	v7 =	vld [tilespmem:s10+$0x1AE0];
	v5 =	vadd.f32 v5, v9  }
0x4b: {  	v9 =	vld [tilespmem:s10+$0x1AF0];
	v8 =	vadd.f32 v14, v8;
	v2 =	vadd.f32 v2, v4  }
0x4c: {  	v4 =	vadd.f32 v15, v6;
	v3 =	vadd.f32 v3, v5  }
0x4d: {  	s14 =	sshll.u32 s9, $0xC;
	v5 =	vadd.f32 v10, v8;
	v0 =	vadd.f32 v0, v2  }
0x4e: {  	s10 =	sshra.s32 s14, $0x2;
	v2 =	vadd.f32 v12, v4;
	v1 =	vadd.f32 v1, v3  }
0x4f: {  	v3 =	vadd.f32 v7, v5;
	[tilespmem:s10+$0xEA00] =	vst v0  }
0x50: {  	v0 =	vadd.f32 v9, v2;
	[tilespmem:s10+$0xEA10] =	vst v1  }
0x51: {  	[tilespmem:s10+$0xEA20] =	vst v3  }
0x52: {  	s11 =	simm.s32 $0x0;
	[tilespmem:s10+$0xEA30] =	vst v0  }
0x53: {  	v0 =	vld [tilespmem:s11+$0x27C0]  }
0x54: {  	v1 =	vld [tilespmem:s11+$0x27D0]  }
0x55: {  	v2 =	vld [tilespmem:s11+$0x2780]  }
0x56: {  	v3 =	vld [tilespmem:s11+$0x2790]  }
0x57: {  	v4 =	vld [tilespmem:s11+$0x2740]  }
0x58: {  	v5 =	vld [tilespmem:s11+$0x2750]  }
0x59: {  	v10 =	vld [tilespmem:s11+$0x2700]  }
0x5a: {  	v6 =	vimm.f32 $0.0e+00;
	v12 =	vld [tilespmem:s11+$0x2710]  }
0x5b: {  	s12 =	simm.s32 $0x400;
	v8 =	vimm.f32 $0.0e+00;
	v7 =	vimm.f32 $0.0e+00;
	v9 =	vimm.f32 $0.0e+00;
	v11 =	vld [tilespmem:s11+$0x2720]  }
.LBB2_5:
0x5c: {  	p0 =	sne.s32 s12, $0x3000;
	v13 =	vld [tilespmem:s11+$0x2730]  }
0x5d: {  	v14 =	vld [tilespmem:s11+$0x2760]  }
0x5e: {  	v15 =	vld [tilespmem:s11+$0x2770]  }
0x5f: {  	v16 =	vld [tilespmem:s11+$0x27A0]  }
0x60: {  	v6 =	vadd.f32 v10, v6;
	v9 =	vadd.f32 v12, v9;
	v10 =	vld [tilespmem:s11+$0x27B0]  }
0x61: {  	v8 =	vadd.f32 v11, v8;
	v7 =	vadd.f32 v13, v7;
	v11 =	vld [tilespmem:s11+$0x27E0]  }
0x62: {  	v4 =	vadd.f32 v4, v6;
	v5 =	vadd.f32 v5, v9;
	v12 =	vld [tilespmem:s11+$0x27F0];
	s11 =	sshra.s32 s12, $0x2  }
0x63: {  	v6 =	vadd.f32 v14, v8;
	v13 =	vld [tilespmem:s11+$0x27C0];
	v7 =	vadd.f32 v15, v7  }
0x64: {  	v4 =	vadd.f32 v2, v4;
	v5 =	vadd.f32 v3, v5;
	v14 =	vld [tilespmem:s11+$0x27D0]  }
0x65: {  	v8 =	vadd.f32 v16, v6;
	v2 =	vld [tilespmem:s11+$0x2780];
	v7 =	vadd.f32 v10, v7  }
0x66: {  	v6 =	vadd.f32 v0, v4;
	v9 =	vadd.f32 v1, v5;
	v3 =	vld [tilespmem:s11+$0x2790]  }
.Ltmp3:
0x67: {  	v8 =	vadd.f32 v11, v8;
	v4 =	vld [tilespmem:s11+$0x2740];
	v7 =	vadd.f32 v12, v7;
	(pc) =	sbr.rel @p0 .LBB2_5-.Ltmp3, $4  }
0x68: {  	v5 =	vld [tilespmem:s11+$0x2750];
	v0 =	vmov v13  }
0x69: {  	v10 =	vld [tilespmem:s11+$0x2700];
	v1 =	vmov v14  }
0x6a: {  	v12 =	vld [tilespmem:s11+$0x2710]  }
0x6b: {  	s12 =	sadd.s32 $0x400, s12;
	v11 =	vld [tilespmem:s11+$0x2720]  }
0x6c: {  	v13 =	vld [tilespmem:s11+$0x2730]  }
0x6d: {  	v14 =	vld [tilespmem:s11+$0x2760]  }
0x6e: {  	v15 =	vld [tilespmem:s11+$0x2770];
	v6 =	vadd.f32 v10, v6  }
0x6f: {  	v10 =	vld [tilespmem:s11+$0x27A0];
	v9 =	vadd.f32 v12, v9  }
0x70: {  	v12 =	vld [tilespmem:s11+$0x27B0];
	v8 =	vadd.f32 v11, v8;
	v4 =	vadd.f32 v4, v6  }
0x71: {  	v6 =	vadd.f32 v13, v7;
	v7 =	vld [tilespmem:s11+$0x27E0];
	v5 =	vadd.f32 v5, v9  }
0x72: {  	v9 =	vld [tilespmem:s11+$0x27F0];
	v8 =	vadd.f32 v14, v8;
	v2 =	vadd.f32 v2, v4  }
0x73: {  	v4 =	vadd.f32 v15, v6;
	v3 =	vadd.f32 v3, v5  }
0x74: {  	v5 =	vadd.f32 v10, v8;
	v0 =	vadd.f32 v0, v2  }
0x75: {  	p0 =	seq.s32 s9, $0x7;
	v2 =	vadd.f32 v12, v4;
	v1 =	vadd.f32 v1, v3  }
0x76: {  	s11 =	smul.u32 @!p0 $0xD00, s9;
	v3 =	vadd.f32 v7, v5;
	[tilespmem:s10+$0xEA40] =	vst v0  }
0x77: {  	v0 =	vadd.f32 v9, v2;
	[tilespmem:s10+$0xEA50] =	vst v1  }
0x78: {  	s11 =	sshra.s32 @!p0 s11, $0x2;
	[tilespmem:s10+$0xEA60] =	vst v3  }
0x79: {  	s13 =	simm.s32 @!p0 $0x68;
	s14 =	simm.s32 @!p0 $0x1A00;
	s12 =	sadd.s32 @!p0 $0x340, s11;
	[tilespmem:s10+$0xEA70] =	vst v0  }
0x7a: {  	[tilespmem:s14], [sflag:$0x1] =	stream.indirect.gather @!p0 [hbm4b:s3+s13], $0x40, s12, s13, $0xb8;
	[tilespmem:$0x10A00] =	vst v63  }
0x7b: {  	_ =	swait.ge [sflag:s24], $0x1A00  }
0x7c: {  	[sflag:s24] =	ssyncset.done $0x0  }
0x7d: {  	s12 =	simm.s32 $0x0;
	[sflag:s24] =	ssyncadd.s32 $0xFFFFE600  }
0x7e: {  	v0 =	vld [tilespmem:s12+$0x34C0]  }
0x7f: {  	v1 =	vld [tilespmem:s12+$0x34D0]  }
0x80: {  	v2 =	vld [tilespmem:s12+$0x3480]  }
0x81: {  	v3 =	vld [tilespmem:s12+$0x3490]  }
0x82: {  	v4 =	vld [tilespmem:s12+$0x3440]  }
0x83: {  	v5 =	vld [tilespmem:s12+$0x3450]  }
0x84: {  	v10 =	vld [tilespmem:s12+$0x3400]  }
0x85: {  	v6 =	vimm.f32 $0.0e+00;
	v12 =	vld [tilespmem:s12+$0x3410]  }
0x86: {  	v8 =	vimm.f32 $0.0e+00;
	v7 =	vimm.f32 $0.0e+00;
	v9 =	vimm.f32 $0.0e+00;
	s13 =	simm.s32 $0x400;
	v11 =	vld [tilespmem:s12+$0x3420]  }
.LBB2_7:
0x87: {  	p1 =	sne.s32 s13, $0x3000;
	v13 =	vld [tilespmem:s12+$0x3430]  }
0x88: {  	v14 =	vld [tilespmem:s12+$0x3460]  }
0x89: {  	v15 =	vld [tilespmem:s12+$0x3470]  }
0x8a: {  	v16 =	vld [tilespmem:s12+$0x34A0]  }
0x8b: {  	v6 =	vadd.f32 v10, v6;
	v9 =	vadd.f32 v12, v9;
	v10 =	vld [tilespmem:s12+$0x34B0]  }
0x8c: {  	v8 =	vadd.f32 v11, v8;
	v7 =	vadd.f32 v13, v7;
	v11 =	vld [tilespmem:s12+$0x34E0]  }
0x8d: {  	v4 =	vadd.f32 v4, v6;
	v5 =	vadd.f32 v5, v9;
	v12 =	vld [tilespmem:s12+$0x34F0];
	s12 =	sshra.s32 s13, $0x2  }
0x8e: {  	v6 =	vadd.f32 v14, v8;
	v13 =	vld [tilespmem:s12+$0x34C0];
	v7 =	vadd.f32 v15, v7  }
0x8f: {  	v4 =	vadd.f32 v2, v4;
	v5 =	vadd.f32 v3, v5;
	v14 =	vld [tilespmem:s12+$0x34D0]  }
0x90: {  	v8 =	vadd.f32 v16, v6;
	v2 =	vld [tilespmem:s12+$0x3480];
	v7 =	vadd.f32 v10, v7  }
0x91: {  	v6 =	vadd.f32 v0, v4;
	v9 =	vadd.f32 v1, v5;
	v3 =	vld [tilespmem:s12+$0x3490]  }
.Ltmp4:
0x92: {  	v8 =	vadd.f32 v11, v8;
	v4 =	vld [tilespmem:s12+$0x3440];
	v7 =	vadd.f32 v12, v7;
	(pc) =	sbr.rel @p1 .LBB2_7-.Ltmp4, $4  }
0x93: {  	v5 =	vld [tilespmem:s12+$0x3450];
	v0 =	vmov v13  }
0x94: {  	v10 =	vld [tilespmem:s12+$0x3400];
	v1 =	vmov v14  }
0x95: {  	v12 =	vld [tilespmem:s12+$0x3410]  }
0x96: {  	s13 =	sadd.s32 $0x400, s13;
	v11 =	vld [tilespmem:s12+$0x3420]  }
0x97: {  	v13 =	vld [tilespmem:s12+$0x3430]  }
0x98: {  	v14 =	vld [tilespmem:s12+$0x3460]  }
0x99: {  	v15 =	vld [tilespmem:s12+$0x3470];
	v6 =	vadd.f32 v10, v6  }
0x9a: {  	v10 =	vld [tilespmem:s12+$0x34A0];
	v9 =	vadd.f32 v12, v9  }
0x9b: {  	v12 =	vld [tilespmem:s12+$0x34B0];
	v8 =	vadd.f32 v11, v8;
	v4 =	vadd.f32 v4, v6  }
0x9c: {  	v6 =	vadd.f32 v13, v7;
	v7 =	vld [tilespmem:s12+$0x34E0];
	v5 =	vadd.f32 v5, v9  }
0x9d: {  	v9 =	vld [tilespmem:s12+$0x34F0];
	v8 =	vadd.f32 v14, v8;
	v2 =	vadd.f32 v2, v4  }
0x9e: {  	v4 =	vadd.f32 v15, v6;
	v3 =	vadd.f32 v3, v5  }
0x9f: {  	v5 =	vadd.f32 v10, v8;
	v0 =	vadd.f32 v0, v2  }
0xa0: {  	v2 =	vadd.f32 v12, v4;
	v1 =	vadd.f32 v1, v3  }
0xa1: {  	v3 =	vadd.f32 v7, v5;
	[tilespmem:s10+$0xEA80] =	vst v0  }
0xa2: {  	v0 =	vadd.f32 v9, v2;
	[tilespmem:s10+$0xEA90] =	vst v1  }
0xa3: {  	[tilespmem:s10+$0xEAA0] =	vst v3  }
0xa4: {  	s12 =	simm.s32 $0x0;
	[tilespmem:s10+$0xEAB0] =	vst v0  }
0xa5: {  	v0 =	vld [tilespmem:s12+$0x41C0]  }
0xa6: {  	v1 =	vld [tilespmem:s12+$0x41D0]  }
0xa7: {  	v2 =	vld [tilespmem:s12+$0x4180]  }
0xa8: {  	v3 =	vld [tilespmem:s12+$0x4190]  }
0xa9: {  	v4 =	vld [tilespmem:s12+$0x4140]  }
0xaa: {  	v5 =	vld [tilespmem:s12+$0x4150]  }
0xab: {  	v10 =	vld [tilespmem:s12+$0x4100]  }
0xac: {  	v6 =	vimm.f32 $0.0e+00;
	v12 =	vld [tilespmem:s12+$0x4110]  }
0xad: {  	s13 =	simm.s32 $0x400;
	v8 =	vimm.f32 $0.0e+00;
	v7 =	vimm.f32 $0.0e+00;
	v9 =	vimm.f32 $0.0e+00;
	v11 =	vld [tilespmem:s12+$0x4120]  }
.LBB2_9:
0xae: {  	p1 =	sne.s32 s13, $0x3000;
	v13 =	vld [tilespmem:s12+$0x4130]  }
0xaf: {  	v14 =	vld [tilespmem:s12+$0x4160]  }
0xb0: {  	v15 =	vld [tilespmem:s12+$0x4170]  }
0xb1: {  	v16 =	vld [tilespmem:s12+$0x41A0]  }
0xb2: {  	v6 =	vadd.f32 v10, v6;
	v9 =	vadd.f32 v12, v9;
	v10 =	vld [tilespmem:s12+$0x41B0]  }
0xb3: {  	v8 =	vadd.f32 v11, v8;
	v7 =	vadd.f32 v13, v7;
	v11 =	vld [tilespmem:s12+$0x41E0]  }
0xb4: {  	v4 =	vadd.f32 v4, v6;
	v5 =	vadd.f32 v5, v9;
	v12 =	vld [tilespmem:s12+$0x41F0];
	s12 =	sshra.s32 s13, $0x2  }
0xb5: {  	v6 =	vadd.f32 v14, v8;
	v13 =	vld [tilespmem:s12+$0x41C0];
	v7 =	vadd.f32 v15, v7  }
0xb6: {  	v4 =	vadd.f32 v2, v4;
	v5 =	vadd.f32 v3, v5;
	v14 =	vld [tilespmem:s12+$0x41D0]  }
0xb7: {  	v8 =	vadd.f32 v16, v6;
	v2 =	vld [tilespmem:s12+$0x4180];
	v7 =	vadd.f32 v10, v7  }
0xb8: {  	v6 =	vadd.f32 v0, v4;
	v9 =	vadd.f32 v1, v5;
	v3 =	vld [tilespmem:s12+$0x4190]  }
.Ltmp5:
0xb9: {  	v8 =	vadd.f32 v11, v8;
	v4 =	vld [tilespmem:s12+$0x4140];
	v7 =	vadd.f32 v12, v7;
	(pc) =	sbr.rel @p1 .LBB2_9-.Ltmp5, $4  }
0xba: {  	v5 =	vld [tilespmem:s12+$0x4150];
	v0 =	vmov v13  }
0xbb: {  	v10 =	vld [tilespmem:s12+$0x4100];
	v1 =	vmov v14  }
0xbc: {  	v12 =	vld [tilespmem:s12+$0x4110]  }
0xbd: {  	s13 =	sadd.s32 $0x400, s13;
	v11 =	vld [tilespmem:s12+$0x4120]  }
0xbe: {  	v13 =	vld [tilespmem:s12+$0x4130]  }
0xbf: {  	v14 =	vld [tilespmem:s12+$0x4160]  }
0xc0: {  	v15 =	vld [tilespmem:s12+$0x4170];
	v6 =	vadd.f32 v10, v6  }
0xc1: {  	v10 =	vld [tilespmem:s12+$0x41A0];
	v9 =	vadd.f32 v12, v9  }
0xc2: {  	v12 =	vld [tilespmem:s12+$0x41B0];
	v8 =	vadd.f32 v11, v8;
	v4 =	vadd.f32 v4, v6  }
0xc3: {  	v6 =	vadd.f32 v13, v7;
	v7 =	vld [tilespmem:s12+$0x41E0];
	v5 =	vadd.f32 v5, v9  }
0xc4: {  	v9 =	vld [tilespmem:s12+$0x41F0];
	v8 =	vadd.f32 v14, v8;
	v2 =	vadd.f32 v2, v4  }
0xc5: {  	v4 =	vadd.f32 v15, v6;
	v3 =	vadd.f32 v3, v5  }
0xc6: {  	v5 =	vadd.f32 v10, v8;
	v0 =	vadd.f32 v0, v2  }
0xc7: {  	v2 =	vadd.f32 v12, v4;
	v1 =	vadd.f32 v1, v3  }
0xc8: {  	v3 =	vadd.f32 v7, v5;
	[tilespmem:s10+$0xEAC0] =	vst v0  }
0xc9: {  	v0 =	vadd.f32 v9, v2;
	[tilespmem:s10+$0xEAD0] =	vst v1  }
0xca: {  	[tilespmem:s10+$0xEAE0] =	vst v3  }
0xcb: {  	s13 =	simm.s32 @!p0 $0x68;
	s14 =	simm.s32 @!p0 $0x3400;
	s12 =	sadd.s32 @!p0 $0x3A8, s11;
	[tilespmem:s10+$0xEAF0] =	vst v0  }
0xcc: {  	[tilespmem:s14], [sflag:$0x2] =	stream.indirect.gather @!p0 [hbm4b:s3+s13], $0x40, s12, s13, $0xb8;
	[tilespmem:$0x10A00] =	vst v63  }
0xcd: {  	_ =	swait.ge [sflag:s25], $0x1A00  }
0xce: {  	[sflag:s25] =	ssyncset.done $0x0  }
0xcf: {  	s12 =	simm.s32 $0x0;
	[sflag:s25] =	ssyncadd.s32 $0xFFFFE600  }
0xd0: {  	v0 =	vld [tilespmem:s12+$0x4EC0]  }
0xd1: {  	v1 =	vld [tilespmem:s12+$0x4ED0]  }
0xd2: {  	v2 =	vld [tilespmem:s12+$0x4E80]  }
0xd3: {  	v3 =	vld [tilespmem:s12+$0x4E90]  }
0xd4: {  	v4 =	vld [tilespmem:s12+$0x4E40]  }
0xd5: {  	v5 =	vld [tilespmem:s12+$0x4E50]  }
0xd6: {  	v10 =	vld [tilespmem:s12+$0x4E00]  }
0xd7: {  	v6 =	vimm.f32 $0.0e+00;
	v12 =	vld [tilespmem:s12+$0x4E10]  }
0xd8: {  	v8 =	vimm.f32 $0.0e+00;
	v7 =	vimm.f32 $0.0e+00;
	v9 =	vimm.f32 $0.0e+00;
	s13 =	simm.s32 $0x400;
	v11 =	vld [tilespmem:s12+$0x4E20]  }
.LBB2_11:
0xd9: {  	p1 =	sne.s32 s13, $0x3000;
	v13 =	vld [tilespmem:s12+$0x4E30]  }
0xda: {  	v14 =	vld [tilespmem:s12+$0x4E60]  }
0xdb: {  	v15 =	vld [tilespmem:s12+$0x4E70]  }
0xdc: {  	v16 =	vld [tilespmem:s12+$0x4EA0]  }
0xdd: {  	v6 =	vadd.f32 v10, v6;
	v9 =	vadd.f32 v12, v9;
	v10 =	vld [tilespmem:s12+$0x4EB0]  }
0xde: {  	v8 =	vadd.f32 v11, v8;
	v7 =	vadd.f32 v13, v7;
	v11 =	vld [tilespmem:s12+$0x4EE0]  }
0xdf: {  	v4 =	vadd.f32 v4, v6;
	v5 =	vadd.f32 v5, v9;
	v12 =	vld [tilespmem:s12+$0x4EF0];
	s12 =	sshra.s32 s13, $0x2  }
0xe0: {  	v6 =	vadd.f32 v14, v8;
	v13 =	vld [tilespmem:s12+$0x4EC0];
	v7 =	vadd.f32 v15, v7  }
0xe1: {  	v4 =	vadd.f32 v2, v4;
	v5 =	vadd.f32 v3, v5;
	v14 =	vld [tilespmem:s12+$0x4ED0]  }
0xe2: {  	v8 =	vadd.f32 v16, v6;
	v2 =	vld [tilespmem:s12+$0x4E80];
	v7 =	vadd.f32 v10, v7  }
0xe3: {  	v6 =	vadd.f32 v0, v4;
	v9 =	vadd.f32 v1, v5;
	v3 =	vld [tilespmem:s12+$0x4E90]  }
.Ltmp6:
0xe4: {  	v8 =	vadd.f32 v11, v8;
	v4 =	vld [tilespmem:s12+$0x4E40];
	v7 =	vadd.f32 v12, v7;
	(pc) =	sbr.rel @p1 .LBB2_11-.Ltmp6, $4  }
0xe5: {  	v5 =	vld [tilespmem:s12+$0x4E50];
	v0 =	vmov v13  }
0xe6: {  	v10 =	vld [tilespmem:s12+$0x4E00];
	v1 =	vmov v14  }
0xe7: {  	v12 =	vld [tilespmem:s12+$0x4E10]  }
0xe8: {  	s13 =	sadd.s32 $0x400, s13;
	v11 =	vld [tilespmem:s12+$0x4E20]  }
0xe9: {  	v13 =	vld [tilespmem:s12+$0x4E30]  }
0xea: {  	v14 =	vld [tilespmem:s12+$0x4E60]  }
0xeb: {  	v15 =	vld [tilespmem:s12+$0x4E70];
	v6 =	vadd.f32 v10, v6  }
0xec: {  	v10 =	vld [tilespmem:s12+$0x4EA0];
	v9 =	vadd.f32 v12, v9  }
0xed: {  	v12 =	vld [tilespmem:s12+$0x4EB0];
	v8 =	vadd.f32 v11, v8;
	v4 =	vadd.f32 v4, v6  }
0xee: {  	v6 =	vadd.f32 v13, v7;
	v7 =	vld [tilespmem:s12+$0x4EE0];
	v5 =	vadd.f32 v5, v9  }
0xef: {  	v9 =	vld [tilespmem:s12+$0x4EF0];
	v8 =	vadd.f32 v14, v8;
	v2 =	vadd.f32 v2, v4  }
0xf0: {  	v4 =	vadd.f32 v15, v6;
	v3 =	vadd.f32 v3, v5  }
0xf1: {  	v5 =	vadd.f32 v10, v8;
	v0 =	vadd.f32 v0, v2  }
0xf2: {  	v2 =	vadd.f32 v12, v4;
	v1 =	vadd.f32 v1, v3  }
0xf3: {  	v3 =	vadd.f32 v7, v5;
	[tilespmem:s10+$0xEB00] =	vst v0  }
0xf4: {  	v0 =	vadd.f32 v9, v2;
	[tilespmem:s10+$0xEB10] =	vst v1  }
0xf5: {  	[tilespmem:s10+$0xEB20] =	vst v3  }
0xf6: {  	s12 =	simm.s32 $0x0;
	[tilespmem:s10+$0xEB30] =	vst v0  }
0xf7: {  	v0 =	vld [tilespmem:s12+$0x5BC0]  }
0xf8: {  	v1 =	vld [tilespmem:s12+$0x5BD0]  }
0xf9: {  	v2 =	vld [tilespmem:s12+$0x5B80]  }
0xfa: {  	v3 =	vld [tilespmem:s12+$0x5B90]  }
0xfb: {  	v4 =	vld [tilespmem:s12+$0x5B40]  }
0xfc: {  	v5 =	vld [tilespmem:s12+$0x5B50]  }
0xfd: {  	v10 =	vld [tilespmem:s12+$0x5B00]  }
0xfe: {  	v6 =	vimm.f32 $0.0e+00;
	v12 =	vld [tilespmem:s12+$0x5B10]  }
0xff: {  	s13 =	simm.s32 $0x400;
	v8 =	vimm.f32 $0.0e+00;
	v7 =	vimm.f32 $0.0e+00;
	v9 =	vimm.f32 $0.0e+00;
	v11 =	vld [tilespmem:s12+$0x5B20]  }
.LBB2_13:
0x100: {  	p1 =	sne.s32 s13, $0x3000;
	v13 =	vld [tilespmem:s12+$0x5B30]  }
0x101: {  	v14 =	vld [tilespmem:s12+$0x5B60]  }
0x102: {  	v15 =	vld [tilespmem:s12+$0x5B70]  }
0x103: {  	v16 =	vld [tilespmem:s12+$0x5BA0]  }
0x104: {  	v6 =	vadd.f32 v10, v6;
	v9 =	vadd.f32 v12, v9;
	v10 =	vld [tilespmem:s12+$0x5BB0]  }
0x105: {  	v8 =	vadd.f32 v11, v8;
	v7 =	vadd.f32 v13, v7;
	v11 =	vld [tilespmem:s12+$0x5BE0]  }
0x106: {  	v4 =	vadd.f32 v4, v6;
	v5 =	vadd.f32 v5, v9;
	v12 =	vld [tilespmem:s12+$0x5BF0];
	s12 =	sshra.s32 s13, $0x2  }
0x107: {  	v6 =	vadd.f32 v14, v8;
	v13 =	vld [tilespmem:s12+$0x5BC0];
	v7 =	vadd.f32 v15, v7  }
0x108: {  	v4 =	vadd.f32 v2, v4;
	v5 =	vadd.f32 v3, v5;
	v14 =	vld [tilespmem:s12+$0x5BD0]  }
0x109: {  	v8 =	vadd.f32 v16, v6;
	v2 =	vld [tilespmem:s12+$0x5B80];
	v7 =	vadd.f32 v10, v7  }
0x10a: {  	v6 =	vadd.f32 v0, v4;
	v9 =	vadd.f32 v1, v5;
	v3 =	vld [tilespmem:s12+$0x5B90]  }
.Ltmp7:
0x10b: {  	v8 =	vadd.f32 v11, v8;
	v4 =	vld [tilespmem:s12+$0x5B40];
	v7 =	vadd.f32 v12, v7;
	(pc) =	sbr.rel @p1 .LBB2_13-.Ltmp7, $4  }
0x10c: {  	v5 =	vld [tilespmem:s12+$0x5B50];
	v0 =	vmov v13  }
0x10d: {  	v10 =	vld [tilespmem:s12+$0x5B00];
	v1 =	vmov v14  }
0x10e: {  	v12 =	vld [tilespmem:s12+$0x5B10]  }
0x10f: {  	s13 =	sadd.s32 $0x400, s13;
	v11 =	vld [tilespmem:s12+$0x5B20]  }
0x110: {  	v13 =	vld [tilespmem:s12+$0x5B30]  }
0x111: {  	v14 =	vld [tilespmem:s12+$0x5B60]  }
0x112: {  	v15 =	vld [tilespmem:s12+$0x5B70];
	v6 =	vadd.f32 v10, v6  }
0x113: {  	v10 =	vld [tilespmem:s12+$0x5BA0];
	v9 =	vadd.f32 v12, v9  }
0x114: {  	v12 =	vld [tilespmem:s12+$0x5BB0];
	v8 =	vadd.f32 v11, v8;
	v4 =	vadd.f32 v4, v6  }
0x115: {  	v6 =	vadd.f32 v13, v7;
	v7 =	vld [tilespmem:s12+$0x5BE0];
	v5 =	vadd.f32 v5, v9  }
0x116: {  	v9 =	vld [tilespmem:s12+$0x5BF0];
	v8 =	vadd.f32 v14, v8;
	v2 =	vadd.f32 v2, v4  }
0x117: {  	v4 =	vadd.f32 v15, v6;
	v3 =	vadd.f32 v3, v5  }
0x118: {  	v5 =	vadd.f32 v10, v8;
	v0 =	vadd.f32 v0, v2  }
0x119: {  	v2 =	vadd.f32 v12, v4;
	v1 =	vadd.f32 v1, v3  }
0x11a: {  	v3 =	vadd.f32 v7, v5;
	[tilespmem:s10+$0xEB40] =	vst v0  }
0x11b: {  	v0 =	vadd.f32 v9, v2;
	[tilespmem:s10+$0xEB50] =	vst v1  }
0x11c: {  	[tilespmem:s10+$0xEB60] =	vst v3  }
0x11d: {  	s13 =	simm.s32 @!p0 $0x68;
	s14 =	simm.s32 @!p0 $0x4E00;
	s12 =	sadd.s32 @!p0 $0x410, s11;
	[tilespmem:s10+$0xEB70] =	vst v0  }
0x11e: {  	[tilespmem:s14], [sflag:$0x3] =	stream.indirect.gather @!p0 [hbm4b:s3+s13], $0x40, s12, s13, $0xb8;
	[tilespmem:$0x10A00] =	vst v63  }
0x11f: {  	_ =	swait.ge [sflag:s26], $0x1A00  }
0x120: {  	[sflag:s26] =	ssyncset.done $0x0  }
0x121: {  	s12 =	simm.s32 $0x0;
	[sflag:s26] =	ssyncadd.s32 $0xFFFFE600  }
0x122: {  	v0 =	vld [tilespmem:s12+$0x68C0]  }
0x123: {  	v1 =	vld [tilespmem:s12+$0x68D0]  }
0x124: {  	v2 =	vld [tilespmem:s12+$0x6880]  }
0x125: {  	v3 =	vld [tilespmem:s12+$0x6890]  }
0x126: {  	v4 =	vld [tilespmem:s12+$0x6840]  }
0x127: {  	v5 =	vld [tilespmem:s12+$0x6850]  }
0x128: {  	v10 =	vld [tilespmem:s12+$0x6800]  }
0x129: {  	v6 =	vimm.f32 $0.0e+00;
	v12 =	vld [tilespmem:s12+$0x6810]  }
0x12a: {  	v8 =	vimm.f32 $0.0e+00;
	v7 =	vimm.f32 $0.0e+00;
	v9 =	vimm.f32 $0.0e+00;
	s13 =	simm.s32 $0x400;
	v11 =	vld [tilespmem:s12+$0x6820]  }
.LBB2_15:
0x12b: {  	p1 =	sne.s32 s13, $0x3000;
	v13 =	vld [tilespmem:s12+$0x6830]  }
0x12c: {  	v14 =	vld [tilespmem:s12+$0x6860]  }
0x12d: {  	v15 =	vld [tilespmem:s12+$0x6870]  }
0x12e: {  	v16 =	vld [tilespmem:s12+$0x68A0]  }
0x12f: {  	v6 =	vadd.f32 v10, v6;
	v9 =	vadd.f32 v12, v9;
	v10 =	vld [tilespmem:s12+$0x68B0]  }
0x130: {  	v8 =	vadd.f32 v11, v8;
	v7 =	vadd.f32 v13, v7;
	v11 =	vld [tilespmem:s12+$0x68E0]  }
0x131: {  	v4 =	vadd.f32 v4, v6;
	v5 =	vadd.f32 v5, v9;
	v12 =	vld [tilespmem:s12+$0x68F0];
	s12 =	sshra.s32 s13, $0x2  }
0x132: {  	v6 =	vadd.f32 v14, v8;
	v13 =	vld [tilespmem:s12+$0x68C0];
	v7 =	vadd.f32 v15, v7  }
0x133: {  	v4 =	vadd.f32 v2, v4;
	v5 =	vadd.f32 v3, v5;
	v14 =	vld [tilespmem:s12+$0x68D0]  }
0x134: {  	v8 =	vadd.f32 v16, v6;
	v2 =	vld [tilespmem:s12+$0x6880];
	v7 =	vadd.f32 v10, v7  }
0x135: {  	v6 =	vadd.f32 v0, v4;
	v9 =	vadd.f32 v1, v5;
	v3 =	vld [tilespmem:s12+$0x6890]  }
.Ltmp8:
0x136: {  	v8 =	vadd.f32 v11, v8;
	v4 =	vld [tilespmem:s12+$0x6840];
	v7 =	vadd.f32 v12, v7;
	(pc) =	sbr.rel @p1 .LBB2_15-.Ltmp8, $4  }
0x137: {  	v5 =	vld [tilespmem:s12+$0x6850];
	v0 =	vmov v13  }
0x138: {  	v10 =	vld [tilespmem:s12+$0x6800];
	v1 =	vmov v14  }
0x139: {  	v12 =	vld [tilespmem:s12+$0x6810]  }
0x13a: {  	s13 =	sadd.s32 $0x400, s13;
	v11 =	vld [tilespmem:s12+$0x6820]  }
0x13b: {  	v13 =	vld [tilespmem:s12+$0x6830]  }
0x13c: {  	v14 =	vld [tilespmem:s12+$0x6860]  }
0x13d: {  	v15 =	vld [tilespmem:s12+$0x6870];
	v6 =	vadd.f32 v10, v6  }
0x13e: {  	v10 =	vld [tilespmem:s12+$0x68A0];
	v9 =	vadd.f32 v12, v9  }
0x13f: {  	v12 =	vld [tilespmem:s12+$0x68B0];
	v8 =	vadd.f32 v11, v8;
	v4 =	vadd.f32 v4, v6  }
0x140: {  	v6 =	vadd.f32 v13, v7;
	v7 =	vld [tilespmem:s12+$0x68E0];
	v5 =	vadd.f32 v5, v9  }
0x141: {  	v9 =	vld [tilespmem:s12+$0x68F0];
	v8 =	vadd.f32 v14, v8;
	v2 =	vadd.f32 v2, v4  }
0x142: {  	v4 =	vadd.f32 v15, v6;
	v3 =	vadd.f32 v3, v5  }
0x143: {  	v5 =	vadd.f32 v10, v8;
	v0 =	vadd.f32 v0, v2  }
0x144: {  	v2 =	vadd.f32 v12, v4;
	v1 =	vadd.f32 v1, v3  }
0x145: {  	v3 =	vadd.f32 v7, v5;
	[tilespmem:s10+$0xEB80] =	vst v0  }
0x146: {  	v0 =	vadd.f32 v9, v2;
	[tilespmem:s10+$0xEB90] =	vst v1  }
0x147: {  	[tilespmem:s10+$0xEBA0] =	vst v3  }
0x148: {  	s12 =	simm.s32 $0x0;
	[tilespmem:s10+$0xEBB0] =	vst v0  }
0x149: {  	v0 =	vld [tilespmem:s12+$0x75C0]  }
0x14a: {  	v1 =	vld [tilespmem:s12+$0x75D0]  }
0x14b: {  	v2 =	vld [tilespmem:s12+$0x7580]  }
0x14c: {  	v3 =	vld [tilespmem:s12+$0x7590]  }
0x14d: {  	v4 =	vld [tilespmem:s12+$0x7540]  }
0x14e: {  	v5 =	vld [tilespmem:s12+$0x7550]  }
0x14f: {  	v10 =	vld [tilespmem:s12+$0x7500]  }
0x150: {  	v6 =	vimm.f32 $0.0e+00;
	v12 =	vld [tilespmem:s12+$0x7510]  }
0x151: {  	s13 =	simm.s32 $0x400;
	v8 =	vimm.f32 $0.0e+00;
	v7 =	vimm.f32 $0.0e+00;
	v9 =	vimm.f32 $0.0e+00;
	v11 =	vld [tilespmem:s12+$0x7520]  }
.LBB2_17:
0x152: {  	p1 =	sne.s32 s13, $0x3000;
	v13 =	vld [tilespmem:s12+$0x7530]  }
0x153: {  	v14 =	vld [tilespmem:s12+$0x7560]  }
0x154: {  	v15 =	vld [tilespmem:s12+$0x7570]  }
0x155: {  	v16 =	vld [tilespmem:s12+$0x75A0]  }
0x156: {  	v6 =	vadd.f32 v10, v6;
	v9 =	vadd.f32 v12, v9;
	v10 =	vld [tilespmem:s12+$0x75B0]  }
0x157: {  	v8 =	vadd.f32 v11, v8;
	v7 =	vadd.f32 v13, v7;
	v11 =	vld [tilespmem:s12+$0x75E0]  }
0x158: {  	v4 =	vadd.f32 v4, v6;
	v5 =	vadd.f32 v5, v9;
	v12 =	vld [tilespmem:s12+$0x75F0];
	s12 =	sshra.s32 s13, $0x2  }
0x159: {  	v6 =	vadd.f32 v14, v8;
	v13 =	vld [tilespmem:s12+$0x75C0];
	v7 =	vadd.f32 v15, v7  }
0x15a: {  	v4 =	vadd.f32 v2, v4;
	v5 =	vadd.f32 v3, v5;
	v14 =	vld [tilespmem:s12+$0x75D0]  }
0x15b: {  	v8 =	vadd.f32 v16, v6;
	v2 =	vld [tilespmem:s12+$0x7580];
	v7 =	vadd.f32 v10, v7  }
0x15c: {  	v6 =	vadd.f32 v0, v4;
	v9 =	vadd.f32 v1, v5;
	v3 =	vld [tilespmem:s12+$0x7590]  }
.Ltmp9:
0x15d: {  	v8 =	vadd.f32 v11, v8;
	v4 =	vld [tilespmem:s12+$0x7540];
	v7 =	vadd.f32 v12, v7;
	(pc) =	sbr.rel @p1 .LBB2_17-.Ltmp9, $4  }
0x15e: {  	v5 =	vld [tilespmem:s12+$0x7550];
	v0 =	vmov v13  }
0x15f: {  	v10 =	vld [tilespmem:s12+$0x7500];
	v1 =	vmov v14  }
0x160: {  	v12 =	vld [tilespmem:s12+$0x7510]  }
0x161: {  	s13 =	sadd.s32 $0x400, s13;
	v11 =	vld [tilespmem:s12+$0x7520]  }
0x162: {  	v13 =	vld [tilespmem:s12+$0x7530]  }
0x163: {  	v14 =	vld [tilespmem:s12+$0x7560]  }
0x164: {  	v15 =	vld [tilespmem:s12+$0x7570];
	v6 =	vadd.f32 v10, v6  }
0x165: {  	v10 =	vld [tilespmem:s12+$0x75A0];
	v9 =	vadd.f32 v12, v9  }
0x166: {  	v12 =	vld [tilespmem:s12+$0x75B0];
	v8 =	vadd.f32 v11, v8;
	v4 =	vadd.f32 v4, v6  }
0x167: {  	v6 =	vadd.f32 v13, v7;
	v7 =	vld [tilespmem:s12+$0x75E0];
	v5 =	vadd.f32 v5, v9  }
0x168: {  	v9 =	vld [tilespmem:s12+$0x75F0];
	v8 =	vadd.f32 v14, v8;
	v2 =	vadd.f32 v2, v4  }
0x169: {  	v4 =	vadd.f32 v15, v6;
	v3 =	vadd.f32 v3, v5  }
0x16a: {  	v5 =	vadd.f32 v10, v8;
	v0 =	vadd.f32 v0, v2  }
0x16b: {  	v2 =	vadd.f32 v12, v4;
	v1 =	vadd.f32 v1, v3  }
0x16c: {  	v3 =	vadd.f32 v7, v5;
	[tilespmem:s10+$0xEBC0] =	vst v0  }
0x16d: {  	v0 =	vadd.f32 v9, v2;
	[tilespmem:s10+$0xEBD0] =	vst v1  }
0x16e: {  	[tilespmem:s10+$0xEBE0] =	vst v3  }
0x16f: {  	s13 =	simm.s32 @!p0 $0x68;
	s14 =	simm.s32 @!p0 $0x6800;
	s12 =	sadd.s32 @!p0 $0x478, s11;
	[tilespmem:s10+$0xEBF0] =	vst v0  }
0x170: {  	[tilespmem:s14], [sflag:$0x4] =	stream.indirect.gather @!p0 [hbm4b:s3+s13], $0x40, s12, s13, $0xb8;
	[tilespmem:$0x10A00] =	vst v63  }
0x171: {  	_ =	swait.ge [sflag:s28], $0x1A00  }
0x172: {  	[sflag:s28] =	ssyncset.done $0x0  }
0x173: {  	s12 =	simm.s32 $0x0;
	[sflag:s28] =	ssyncadd.s32 $0xFFFFE600  }
0x174: {  	v0 =	vld [tilespmem:s12+$0x82C0]  }
0x175: {  	v1 =	vld [tilespmem:s12+$0x82D0]  }
0x176: {  	v2 =	vld [tilespmem:s12+$0x8280]  }
0x177: {  	v3 =	vld [tilespmem:s12+$0x8290]  }
0x178: {  	v4 =	vld [tilespmem:s12+$0x8240]  }
0x179: {  	v5 =	vld [tilespmem:s12+$0x8250]  }
0x17a: {  	v10 =	vld [tilespmem:s12+$0x8200]  }
0x17b: {  	v6 =	vimm.f32 $0.0e+00;
	v12 =	vld [tilespmem:s12+$0x8210]  }
0x17c: {  	v8 =	vimm.f32 $0.0e+00;
	v7 =	vimm.f32 $0.0e+00;
	v9 =	vimm.f32 $0.0e+00;
	s13 =	simm.s32 $0x400;
	v11 =	vld [tilespmem:s12+$0x8220]  }
.LBB2_19:
0x17d: {  	p1 =	sne.s32 s13, $0x3000;
	v13 =	vld [tilespmem:s12+$0x8230]  }
0x17e: {  	v14 =	vld [tilespmem:s12+$0x8260]  }
0x17f: {  	v15 =	vld [tilespmem:s12+$0x8270]  }
0x180: {  	v16 =	vld [tilespmem:s12+$0x82A0]  }
0x181: {  	v6 =	vadd.f32 v10, v6;
	v9 =	vadd.f32 v12, v9;
	v10 =	vld [tilespmem:s12+$0x82B0]  }
0x182: {  	v8 =	vadd.f32 v11, v8;
	v7 =	vadd.f32 v13, v7;
	v11 =	vld [tilespmem:s12+$0x82E0]  }
0x183: {  	v4 =	vadd.f32 v4, v6;
	v5 =	vadd.f32 v5, v9;
	v12 =	vld [tilespmem:s12+$0x82F0];
	s12 =	sshra.s32 s13, $0x2  }
0x184: {  	v6 =	vadd.f32 v14, v8;
	v13 =	vld [tilespmem:s12+$0x82C0];
	v7 =	vadd.f32 v15, v7  }
0x185: {  	v4 =	vadd.f32 v2, v4;
	v5 =	vadd.f32 v3, v5;
	v14 =	vld [tilespmem:s12+$0x82D0]  }
0x186: {  	v8 =	vadd.f32 v16, v6;
	v2 =	vld [tilespmem:s12+$0x8280];
	v7 =	vadd.f32 v10, v7  }
0x187: {  	v6 =	vadd.f32 v0, v4;
	v9 =	vadd.f32 v1, v5;
	v3 =	vld [tilespmem:s12+$0x8290]  }
.Ltmp10:
0x188: {  	v8 =	vadd.f32 v11, v8;
	v4 =	vld [tilespmem:s12+$0x8240];
	v7 =	vadd.f32 v12, v7;
	(pc) =	sbr.rel @p1 .LBB2_19-.Ltmp10, $4  }
0x189: {  	v5 =	vld [tilespmem:s12+$0x8250];
	v0 =	vmov v13  }
0x18a: {  	v10 =	vld [tilespmem:s12+$0x8200];
	v1 =	vmov v14  }
0x18b: {  	v12 =	vld [tilespmem:s12+$0x8210]  }
0x18c: {  	s13 =	sadd.s32 $0x400, s13;
	v11 =	vld [tilespmem:s12+$0x8220]  }
0x18d: {  	v13 =	vld [tilespmem:s12+$0x8230]  }
0x18e: {  	v14 =	vld [tilespmem:s12+$0x8260]  }
0x18f: {  	v15 =	vld [tilespmem:s12+$0x8270];
	v6 =	vadd.f32 v10, v6  }
0x190: {  	v10 =	vld [tilespmem:s12+$0x82A0];
	v9 =	vadd.f32 v12, v9  }
0x191: {  	v12 =	vld [tilespmem:s12+$0x82B0];
	v8 =	vadd.f32 v11, v8;
	v4 =	vadd.f32 v4, v6  }
0x192: {  	v6 =	vadd.f32 v13, v7;
	v7 =	vld [tilespmem:s12+$0x82E0];
	v5 =	vadd.f32 v5, v9  }
0x193: {  	v9 =	vld [tilespmem:s12+$0x82F0];
	v8 =	vadd.f32 v14, v8;
	v2 =	vadd.f32 v2, v4  }
0x194: {  	v4 =	vadd.f32 v15, v6;
	v3 =	vadd.f32 v3, v5  }
0x195: {  	v5 =	vadd.f32 v10, v8;
	v0 =	vadd.f32 v0, v2  }
0x196: {  	v2 =	vadd.f32 v12, v4;
	v1 =	vadd.f32 v1, v3  }
0x197: {  	v3 =	vadd.f32 v7, v5;
	[tilespmem:s10+$0xEC00] =	vst v0  }
0x198: {  	v0 =	vadd.f32 v9, v2;
	[tilespmem:s10+$0xEC10] =	vst v1  }
0x199: {  	[tilespmem:s10+$0xEC20] =	vst v3  }
0x19a: {  	s12 =	simm.s32 $0x0;
	[tilespmem:s10+$0xEC30] =	vst v0  }
0x19b: {  	v0 =	vld [tilespmem:s12+$0x8FC0]  }
0x19c: {  	v1 =	vld [tilespmem:s12+$0x8FD0]  }
0x19d: {  	v2 =	vld [tilespmem:s12+$0x8F80]  }
0x19e: {  	v3 =	vld [tilespmem:s12+$0x8F90]  }
0x19f: {  	v4 =	vld [tilespmem:s12+$0x8F40]  }
0x1a0: {  	v5 =	vld [tilespmem:s12+$0x8F50]  }
0x1a1: {  	v10 =	vld [tilespmem:s12+$0x8F00]  }
0x1a2: {  	v6 =	vimm.f32 $0.0e+00;
	v12 =	vld [tilespmem:s12+$0x8F10]  }
0x1a3: {  	s13 =	simm.s32 $0x400;
	v8 =	vimm.f32 $0.0e+00;
	v7 =	vimm.f32 $0.0e+00;
	v9 =	vimm.f32 $0.0e+00;
	v11 =	vld [tilespmem:s12+$0x8F20]  }
.LBB2_21:
0x1a4: {  	p1 =	sne.s32 s13, $0x3000;
	v13 =	vld [tilespmem:s12+$0x8F30]  }
0x1a5: {  	v14 =	vld [tilespmem:s12+$0x8F60]  }
0x1a6: {  	v15 =	vld [tilespmem:s12+$0x8F70]  }
0x1a7: {  	v16 =	vld [tilespmem:s12+$0x8FA0]  }
0x1a8: {  	v6 =	vadd.f32 v10, v6;
	v9 =	vadd.f32 v12, v9;
	v10 =	vld [tilespmem:s12+$0x8FB0]  }
0x1a9: {  	v8 =	vadd.f32 v11, v8;
	v7 =	vadd.f32 v13, v7;
	v11 =	vld [tilespmem:s12+$0x8FE0]  }
0x1aa: {  	v4 =	vadd.f32 v4, v6;
	v5 =	vadd.f32 v5, v9;
	v12 =	vld [tilespmem:s12+$0x8FF0];
	s12 =	sshra.s32 s13, $0x2  }
0x1ab: {  	v6 =	vadd.f32 v14, v8;
	v13 =	vld [tilespmem:s12+$0x8FC0];
	v7 =	vadd.f32 v15, v7  }
0x1ac: {  	v4 =	vadd.f32 v2, v4;
	v5 =	vadd.f32 v3, v5;
	v14 =	vld [tilespmem:s12+$0x8FD0]  }
0x1ad: {  	v8 =	vadd.f32 v16, v6;
	v2 =	vld [tilespmem:s12+$0x8F80];
	v7 =	vadd.f32 v10, v7  }
0x1ae: {  	v6 =	vadd.f32 v0, v4;
	v9 =	vadd.f32 v1, v5;
	v3 =	vld [tilespmem:s12+$0x8F90]  }
.Ltmp11:
0x1af: {  	v8 =	vadd.f32 v11, v8;
	v4 =	vld [tilespmem:s12+$0x8F40];
	v7 =	vadd.f32 v12, v7;
	(pc) =	sbr.rel @p1 .LBB2_21-.Ltmp11, $4  }
0x1b0: {  	v5 =	vld [tilespmem:s12+$0x8F50];
	v0 =	vmov v13  }
0x1b1: {  	v10 =	vld [tilespmem:s12+$0x8F00];
	v1 =	vmov v14  }
0x1b2: {  	v12 =	vld [tilespmem:s12+$0x8F10]  }
0x1b3: {  	s13 =	sadd.s32 $0x400, s13;
	v11 =	vld [tilespmem:s12+$0x8F20]  }
0x1b4: {  	v13 =	vld [tilespmem:s12+$0x8F30]  }
0x1b5: {  	v14 =	vld [tilespmem:s12+$0x8F60]  }
0x1b6: {  	v15 =	vld [tilespmem:s12+$0x8F70];
	v6 =	vadd.f32 v10, v6  }
0x1b7: {  	v10 =	vld [tilespmem:s12+$0x8FA0];
	v9 =	vadd.f32 v12, v9  }
0x1b8: {  	v12 =	vld [tilespmem:s12+$0x8FB0];
	v8 =	vadd.f32 v11, v8;
	v4 =	vadd.f32 v4, v6  }
0x1b9: {  	v6 =	vadd.f32 v13, v7;
	v7 =	vld [tilespmem:s12+$0x8FE0];
	v5 =	vadd.f32 v5, v9  }
0x1ba: {  	v9 =	vld [tilespmem:s12+$0x8FF0];
	v8 =	vadd.f32 v14, v8;
	v2 =	vadd.f32 v2, v4  }
0x1bb: {  	v4 =	vadd.f32 v15, v6;
	v3 =	vadd.f32 v3, v5  }
0x1bc: {  	v5 =	vadd.f32 v10, v8;
	v0 =	vadd.f32 v0, v2  }
0x1bd: {  	v2 =	vadd.f32 v12, v4;
	v1 =	vadd.f32 v1, v3  }
0x1be: {  	v3 =	vadd.f32 v7, v5;
	[tilespmem:s10+$0xEC40] =	vst v0  }
0x1bf: {  	v0 =	vadd.f32 v9, v2;
	[tilespmem:s10+$0xEC50] =	vst v1  }
0x1c0: {  	[tilespmem:s10+$0xEC60] =	vst v3  }
0x1c1: {  	s13 =	simm.s32 @!p0 $0x68;
	s14 =	simm.s32 @!p0 $0x8200;
	s12 =	sadd.s32 @!p0 $0x4E0, s11;
	[tilespmem:s10+$0xEC70] =	vst v0  }
0x1c2: {  	[tilespmem:s14], [sflag:$0x5] =	stream.indirect.gather @!p0 [hbm4b:s3+s13], $0x40, s12, s13, $0xb8;
	[tilespmem:$0x10A00] =	vst v63  }
0x1c3: {  	_ =	swait.ge [sflag:s29], $0x1A00  }
0x1c4: {  	[sflag:s29] =	ssyncset.done $0x0  }
0x1c5: {  	s12 =	simm.s32 $0x0;
	[sflag:s29] =	ssyncadd.s32 $0xFFFFE600  }
0x1c6: {  	v0 =	vld [tilespmem:s12+$0x9CC0]  }
0x1c7: {  	v1 =	vld [tilespmem:s12+$0x9CD0]  }
0x1c8: {  	v2 =	vld [tilespmem:s12+$0x9C80]  }
0x1c9: {  	v3 =	vld [tilespmem:s12+$0x9C90]  }
0x1ca: {  	v4 =	vld [tilespmem:s12+$0x9C40]  }
0x1cb: {  	v5 =	vld [tilespmem:s12+$0x9C50]  }
0x1cc: {  	v10 =	vld [tilespmem:s12+$0x9C00]  }
0x1cd: {  	v6 =	vimm.f32 $0.0e+00;
	v12 =	vld [tilespmem:s12+$0x9C10]  }
0x1ce: {  	v8 =	vimm.f32 $0.0e+00;
	v7 =	vimm.f32 $0.0e+00;
	v9 =	vimm.f32 $0.0e+00;
	s13 =	simm.s32 $0x400;
	v11 =	vld [tilespmem:s12+$0x9C20]  }
.LBB2_23:
0x1cf: {  	p1 =	sne.s32 s13, $0x3000;
	v13 =	vld [tilespmem:s12+$0x9C30]  }
0x1d0: {  	v14 =	vld [tilespmem:s12+$0x9C60]  }
0x1d1: {  	v15 =	vld [tilespmem:s12+$0x9C70]  }
0x1d2: {  	v16 =	vld [tilespmem:s12+$0x9CA0]  }
0x1d3: {  	v6 =	vadd.f32 v10, v6;
	v9 =	vadd.f32 v12, v9;
	v10 =	vld [tilespmem:s12+$0x9CB0]  }
0x1d4: {  	v8 =	vadd.f32 v11, v8;
	v7 =	vadd.f32 v13, v7;
	v11 =	vld [tilespmem:s12+$0x9CE0]  }
0x1d5: {  	v4 =	vadd.f32 v4, v6;
	v5 =	vadd.f32 v5, v9;
	v12 =	vld [tilespmem:s12+$0x9CF0];
	s12 =	sshra.s32 s13, $0x2  }
0x1d6: {  	v6 =	vadd.f32 v14, v8;
	v13 =	vld [tilespmem:s12+$0x9CC0];
	v7 =	vadd.f32 v15, v7  }
0x1d7: {  	v4 =	vadd.f32 v2, v4;
	v5 =	vadd.f32 v3, v5;
	v14 =	vld [tilespmem:s12+$0x9CD0]  }
0x1d8: {  	v8 =	vadd.f32 v16, v6;
	v2 =	vld [tilespmem:s12+$0x9C80];
	v7 =	vadd.f32 v10, v7  }
0x1d9: {  	v6 =	vadd.f32 v0, v4;
	v9 =	vadd.f32 v1, v5;
	v3 =	vld [tilespmem:s12+$0x9C90]  }
.Ltmp12:
0x1da: {  	v8 =	vadd.f32 v11, v8;
	v4 =	vld [tilespmem:s12+$0x9C40];
	v7 =	vadd.f32 v12, v7;
	(pc) =	sbr.rel @p1 .LBB2_23-.Ltmp12, $4  }
0x1db: {  	v5 =	vld [tilespmem:s12+$0x9C50];
	v0 =	vmov v13  }
0x1dc: {  	v10 =	vld [tilespmem:s12+$0x9C00];
	v1 =	vmov v14  }
0x1dd: {  	v12 =	vld [tilespmem:s12+$0x9C10]  }
0x1de: {  	s13 =	sadd.s32 $0x400, s13;
	v11 =	vld [tilespmem:s12+$0x9C20]  }
0x1df: {  	v13 =	vld [tilespmem:s12+$0x9C30]  }
0x1e0: {  	v14 =	vld [tilespmem:s12+$0x9C60]  }
0x1e1: {  	v15 =	vld [tilespmem:s12+$0x9C70];
	v6 =	vadd.f32 v10, v6  }
0x1e2: {  	v10 =	vld [tilespmem:s12+$0x9CA0];
	v9 =	vadd.f32 v12, v9  }
0x1e3: {  	v12 =	vld [tilespmem:s12+$0x9CB0];
	v8 =	vadd.f32 v11, v8;
	v4 =	vadd.f32 v4, v6  }
0x1e4: {  	v6 =	vadd.f32 v13, v7;
	v7 =	vld [tilespmem:s12+$0x9CE0];
	v5 =	vadd.f32 v5, v9  }
0x1e5: {  	v9 =	vld [tilespmem:s12+$0x9CF0];
	v8 =	vadd.f32 v14, v8;
	v2 =	vadd.f32 v2, v4  }
0x1e6: {  	v4 =	vadd.f32 v15, v6;
	v3 =	vadd.f32 v3, v5  }
0x1e7: {  	v5 =	vadd.f32 v10, v8;
	v0 =	vadd.f32 v0, v2  }
0x1e8: {  	v2 =	vadd.f32 v12, v4;
	v1 =	vadd.f32 v1, v3  }
0x1e9: {  	v3 =	vadd.f32 v7, v5;
	[tilespmem:s10+$0xEC80] =	vst v0  }
0x1ea: {  	v0 =	vadd.f32 v9, v2;
	[tilespmem:s10+$0xEC90] =	vst v1  }
0x1eb: {  	[tilespmem:s10+$0xECA0] =	vst v3  }
0x1ec: {  	s12 =	simm.s32 $0x0;
	[tilespmem:s10+$0xECB0] =	vst v0  }
0x1ed: {  	v0 =	vld [tilespmem:s12+$0xA9C0]  }
0x1ee: {  	v1 =	vld [tilespmem:s12+$0xA9D0]  }
0x1ef: {  	v2 =	vld [tilespmem:s12+$0xA980]  }
0x1f0: {  	v3 =	vld [tilespmem:s12+$0xA990]  }
0x1f1: {  	v4 =	vld [tilespmem:s12+$0xA940]  }
0x1f2: {  	v5 =	vld [tilespmem:s12+$0xA950]  }
0x1f3: {  	v10 =	vld [tilespmem:s12+$0xA900]  }
0x1f4: {  	v6 =	vimm.f32 $0.0e+00;
	v12 =	vld [tilespmem:s12+$0xA910]  }
0x1f5: {  	s13 =	simm.s32 $0x400;
	v8 =	vimm.f32 $0.0e+00;
	v7 =	vimm.f32 $0.0e+00;
	v9 =	vimm.f32 $0.0e+00;
	v11 =	vld [tilespmem:s12+$0xA920]  }
.LBB2_25:
0x1f6: {  	p1 =	sne.s32 s13, $0x3000;
	v13 =	vld [tilespmem:s12+$0xA930]  }
0x1f7: {  	v14 =	vld [tilespmem:s12+$0xA960]  }
0x1f8: {  	v15 =	vld [tilespmem:s12+$0xA970]  }
0x1f9: {  	v16 =	vld [tilespmem:s12+$0xA9A0]  }
0x1fa: {  	v6 =	vadd.f32 v10, v6;
	v9 =	vadd.f32 v12, v9;
	v10 =	vld [tilespmem:s12+$0xA9B0]  }
0x1fb: {  	v8 =	vadd.f32 v11, v8;
	v7 =	vadd.f32 v13, v7;
	v11 =	vld [tilespmem:s12+$0xA9E0]  }
0x1fc: {  	v4 =	vadd.f32 v4, v6;
	v5 =	vadd.f32 v5, v9;
	v12 =	vld [tilespmem:s12+$0xA9F0];
	s12 =	sshra.s32 s13, $0x2  }
0x1fd: {  	v6 =	vadd.f32 v14, v8;
	v13 =	vld [tilespmem:s12+$0xA9C0];
	v7 =	vadd.f32 v15, v7  }
0x1fe: {  	v4 =	vadd.f32 v2, v4;
	v5 =	vadd.f32 v3, v5;
	v14 =	vld [tilespmem:s12+$0xA9D0]  }
0x1ff: {  	v8 =	vadd.f32 v16, v6;
	v2 =	vld [tilespmem:s12+$0xA980];
	v7 =	vadd.f32 v10, v7  }
0x200: {  	v6 =	vadd.f32 v0, v4;
	v9 =	vadd.f32 v1, v5;
	v3 =	vld [tilespmem:s12+$0xA990]  }
.Ltmp13:
0x201: {  	v8 =	vadd.f32 v11, v8;
	v4 =	vld [tilespmem:s12+$0xA940];
	v7 =	vadd.f32 v12, v7;
	(pc) =	sbr.rel @p1 .LBB2_25-.Ltmp13, $4  }
0x202: {  	v5 =	vld [tilespmem:s12+$0xA950];
	v0 =	vmov v13  }
0x203: {  	v10 =	vld [tilespmem:s12+$0xA900];
	v1 =	vmov v14  }
0x204: {  	v12 =	vld [tilespmem:s12+$0xA910]  }
0x205: {  	s13 =	sadd.s32 $0x400, s13;
	v11 =	vld [tilespmem:s12+$0xA920]  }
0x206: {  	v13 =	vld [tilespmem:s12+$0xA930]  }
0x207: {  	v14 =	vld [tilespmem:s12+$0xA960]  }
0x208: {  	v15 =	vld [tilespmem:s12+$0xA970];
	v6 =	vadd.f32 v10, v6  }
0x209: {  	v10 =	vld [tilespmem:s12+$0xA9A0];
	v9 =	vadd.f32 v12, v9  }
0x20a: {  	v12 =	vld [tilespmem:s12+$0xA9B0];
	v8 =	vadd.f32 v11, v8;
	v4 =	vadd.f32 v4, v6  }
0x20b: {  	v6 =	vadd.f32 v13, v7;
	v7 =	vld [tilespmem:s12+$0xA9E0];
	v5 =	vadd.f32 v5, v9  }
0x20c: {  	v9 =	vld [tilespmem:s12+$0xA9F0];
	v8 =	vadd.f32 v14, v8;
	v2 =	vadd.f32 v2, v4  }
0x20d: {  	v4 =	vadd.f32 v15, v6;
	v3 =	vadd.f32 v3, v5  }
0x20e: {  	v5 =	vadd.f32 v10, v8;
	v0 =	vadd.f32 v0, v2  }
0x20f: {  	v2 =	vadd.f32 v12, v4;
	v1 =	vadd.f32 v1, v3  }
0x210: {  	v3 =	vadd.f32 v7, v5;
	[tilespmem:s10+$0xECC0] =	vst v0  }
0x211: {  	v0 =	vadd.f32 v9, v2;
	[tilespmem:s10+$0xECD0] =	vst v1  }
0x212: {  	[tilespmem:s10+$0xECE0] =	vst v3  }
0x213: {  	s13 =	simm.s32 @!p0 $0x68;
	s14 =	simm.s32 @!p0 $0x9C00;
	s12 =	sadd.s32 @!p0 $0x548, s11;
	[tilespmem:s10+$0xECF0] =	vst v0  }
0x214: {  	[tilespmem:s14], [sflag:$0x6] =	stream.indirect.gather @!p0 [hbm4b:s3+s13], $0x40, s12, s13, $0xb8;
	[tilespmem:$0x10A00] =	vst v63  }
0x215: {  	_ =	swait.ge [sflag:s30], $0x1A00  }
0x216: {  	[sflag:s30] =	ssyncset.done $0x0  }
0x217: {  	s12 =	simm.s32 $0x0;
	[sflag:s30] =	ssyncadd.s32 $0xFFFFE600  }
0x218: {  	v0 =	vld [tilespmem:s12+$0xB6C0]  }
0x219: {  	v1 =	vld [tilespmem:s12+$0xB6D0]  }
0x21a: {  	v2 =	vld [tilespmem:s12+$0xB680]  }
0x21b: {  	v3 =	vld [tilespmem:s12+$0xB690]  }
0x21c: {  	v4 =	vld [tilespmem:s12+$0xB640]  }
0x21d: {  	v5 =	vld [tilespmem:s12+$0xB650]  }
0x21e: {  	v10 =	vld [tilespmem:s12+$0xB600]  }
0x21f: {  	v6 =	vimm.f32 $0.0e+00;
	v12 =	vld [tilespmem:s12+$0xB610]  }
0x220: {  	v8 =	vimm.f32 $0.0e+00;
	v7 =	vimm.f32 $0.0e+00;
	v9 =	vimm.f32 $0.0e+00;
	s13 =	simm.s32 $0x400;
	v11 =	vld [tilespmem:s12+$0xB620]  }
.LBB2_27:
0x221: {  	p1 =	sne.s32 s13, $0x3000;
	v13 =	vld [tilespmem:s12+$0xB630]  }
0x222: {  	v14 =	vld [tilespmem:s12+$0xB660]  }
0x223: {  	v15 =	vld [tilespmem:s12+$0xB670]  }
0x224: {  	v16 =	vld [tilespmem:s12+$0xB6A0]  }
0x225: {  	v6 =	vadd.f32 v10, v6;
	v9 =	vadd.f32 v12, v9;
	v10 =	vld [tilespmem:s12+$0xB6B0]  }
0x226: {  	v8 =	vadd.f32 v11, v8;
	v7 =	vadd.f32 v13, v7;
	v11 =	vld [tilespmem:s12+$0xB6E0]  }
0x227: {  	v4 =	vadd.f32 v4, v6;
	v5 =	vadd.f32 v5, v9;
	v12 =	vld [tilespmem:s12+$0xB6F0];
	s12 =	sshra.s32 s13, $0x2  }
0x228: {  	v6 =	vadd.f32 v14, v8;
	v13 =	vld [tilespmem:s12+$0xB6C0];
	v7 =	vadd.f32 v15, v7  }
0x229: {  	v4 =	vadd.f32 v2, v4;
	v5 =	vadd.f32 v3, v5;
	v14 =	vld [tilespmem:s12+$0xB6D0]  }
0x22a: {  	v8 =	vadd.f32 v16, v6;
	v2 =	vld [tilespmem:s12+$0xB680];
	v7 =	vadd.f32 v10, v7  }
0x22b: {  	v6 =	vadd.f32 v0, v4;
	v9 =	vadd.f32 v1, v5;
	v3 =	vld [tilespmem:s12+$0xB690]  }
.Ltmp14:
0x22c: {  	v8 =	vadd.f32 v11, v8;
	v4 =	vld [tilespmem:s12+$0xB640];
	v7 =	vadd.f32 v12, v7;
	(pc) =	sbr.rel @p1 .LBB2_27-.Ltmp14, $4  }
0x22d: {  	v5 =	vld [tilespmem:s12+$0xB650];
	v0 =	vmov v13  }
0x22e: {  	v10 =	vld [tilespmem:s12+$0xB600];
	v1 =	vmov v14  }
0x22f: {  	v12 =	vld [tilespmem:s12+$0xB610]  }
0x230: {  	s13 =	sadd.s32 $0x400, s13;
	v11 =	vld [tilespmem:s12+$0xB620]  }
0x231: {  	v13 =	vld [tilespmem:s12+$0xB630]  }
0x232: {  	v14 =	vld [tilespmem:s12+$0xB660]  }
0x233: {  	v15 =	vld [tilespmem:s12+$0xB670];
	v6 =	vadd.f32 v10, v6  }
0x234: {  	v10 =	vld [tilespmem:s12+$0xB6A0];
	v9 =	vadd.f32 v12, v9  }
0x235: {  	v12 =	vld [tilespmem:s12+$0xB6B0];
	v8 =	vadd.f32 v11, v8;
	v4 =	vadd.f32 v4, v6  }
0x236: {  	v6 =	vadd.f32 v13, v7;
	v7 =	vld [tilespmem:s12+$0xB6E0];
	v5 =	vadd.f32 v5, v9  }
0x237: {  	v9 =	vld [tilespmem:s12+$0xB6F0];
	v8 =	vadd.f32 v14, v8;
	v2 =	vadd.f32 v2, v4  }
0x238: {  	v4 =	vadd.f32 v15, v6;
	v3 =	vadd.f32 v3, v5  }
0x239: {  	v5 =	vadd.f32 v10, v8;
	v0 =	vadd.f32 v0, v2  }
0x23a: {  	v2 =	vadd.f32 v12, v4;
	v1 =	vadd.f32 v1, v3  }
0x23b: {  	v3 =	vadd.f32 v7, v5;
	[tilespmem:s10+$0xED00] =	vst v0  }
0x23c: {  	v0 =	vadd.f32 v9, v2;
	[tilespmem:s10+$0xED10] =	vst v1  }
0x23d: {  	[tilespmem:s10+$0xED20] =	vst v3  }
0x23e: {  	s12 =	simm.s32 $0x0;
	[tilespmem:s10+$0xED30] =	vst v0  }
0x23f: {  	v0 =	vld [tilespmem:s12+$0xC3C0]  }
0x240: {  	v1 =	vld [tilespmem:s12+$0xC3D0]  }
0x241: {  	v2 =	vld [tilespmem:s12+$0xC380]  }
0x242: {  	v3 =	vld [tilespmem:s12+$0xC390]  }
0x243: {  	v4 =	vld [tilespmem:s12+$0xC340]  }
0x244: {  	v5 =	vld [tilespmem:s12+$0xC350]  }
0x245: {  	v10 =	vld [tilespmem:s12+$0xC300]  }
0x246: {  	v6 =	vimm.f32 $0.0e+00;
	v12 =	vld [tilespmem:s12+$0xC310]  }
0x247: {  	s13 =	simm.s32 $0x400;
	v8 =	vimm.f32 $0.0e+00;
	v7 =	vimm.f32 $0.0e+00;
	v9 =	vimm.f32 $0.0e+00;
	v11 =	vld [tilespmem:s12+$0xC320]  }
.LBB2_29:
0x248: {  	p1 =	sne.s32 s13, $0x3000;
	v13 =	vld [tilespmem:s12+$0xC330]  }
0x249: {  	v14 =	vld [tilespmem:s12+$0xC360]  }
0x24a: {  	v15 =	vld [tilespmem:s12+$0xC370]  }
0x24b: {  	v16 =	vld [tilespmem:s12+$0xC3A0]  }
0x24c: {  	v6 =	vadd.f32 v10, v6;
	v9 =	vadd.f32 v12, v9;
	v10 =	vld [tilespmem:s12+$0xC3B0]  }
0x24d: {  	v8 =	vadd.f32 v11, v8;
	v7 =	vadd.f32 v13, v7;
	v11 =	vld [tilespmem:s12+$0xC3E0]  }
0x24e: {  	v4 =	vadd.f32 v4, v6;
	v5 =	vadd.f32 v5, v9;
	v12 =	vld [tilespmem:s12+$0xC3F0];
	s12 =	sshra.s32 s13, $0x2  }
0x24f: {  	v6 =	vadd.f32 v14, v8;
	v13 =	vld [tilespmem:s12+$0xC3C0];
	v7 =	vadd.f32 v15, v7  }
0x250: {  	v4 =	vadd.f32 v2, v4;
	v5 =	vadd.f32 v3, v5;
	v14 =	vld [tilespmem:s12+$0xC3D0]  }
0x251: {  	v8 =	vadd.f32 v16, v6;
	v2 =	vld [tilespmem:s12+$0xC380];
	v7 =	vadd.f32 v10, v7  }
0x252: {  	v6 =	vadd.f32 v0, v4;
	v9 =	vadd.f32 v1, v5;
	v3 =	vld [tilespmem:s12+$0xC390]  }
.Ltmp15:
0x253: {  	v8 =	vadd.f32 v11, v8;
	v4 =	vld [tilespmem:s12+$0xC340];
	v7 =	vadd.f32 v12, v7;
	(pc) =	sbr.rel @p1 .LBB2_29-.Ltmp15, $4  }
0x254: {  	v5 =	vld [tilespmem:s12+$0xC350];
	v0 =	vmov v13  }
0x255: {  	v10 =	vld [tilespmem:s12+$0xC300];
	v1 =	vmov v14  }
0x256: {  	v12 =	vld [tilespmem:s12+$0xC310]  }
0x257: {  	s13 =	sadd.s32 $0x400, s13;
	v11 =	vld [tilespmem:s12+$0xC320]  }
0x258: {  	v13 =	vld [tilespmem:s12+$0xC330]  }
0x259: {  	v14 =	vld [tilespmem:s12+$0xC360]  }
0x25a: {  	v15 =	vld [tilespmem:s12+$0xC370];
	v6 =	vadd.f32 v10, v6  }
0x25b: {  	v10 =	vld [tilespmem:s12+$0xC3A0];
	v9 =	vadd.f32 v12, v9  }
0x25c: {  	v12 =	vld [tilespmem:s12+$0xC3B0];
	v8 =	vadd.f32 v11, v8;
	v4 =	vadd.f32 v4, v6  }
0x25d: {  	v6 =	vadd.f32 v13, v7;
	v7 =	vld [tilespmem:s12+$0xC3E0];
	v5 =	vadd.f32 v5, v9  }
0x25e: {  	v9 =	vld [tilespmem:s12+$0xC3F0];
	v8 =	vadd.f32 v14, v8;
	v2 =	vadd.f32 v2, v4  }
0x25f: {  	v4 =	vadd.f32 v15, v6;
	v3 =	vadd.f32 v3, v5  }
0x260: {  	v5 =	vadd.f32 v10, v8;
	v0 =	vadd.f32 v0, v2  }
0x261: {  	v2 =	vadd.f32 v12, v4;
	v1 =	vadd.f32 v1, v3  }
0x262: {  	v3 =	vadd.f32 v7, v5;
	[tilespmem:s10+$0xED40] =	vst v0  }
0x263: {  	v0 =	vadd.f32 v9, v2;
	[tilespmem:s10+$0xED50] =	vst v1  }
0x264: {  	[tilespmem:s10+$0xED60] =	vst v3  }
0x265: {  	s11 =	sadd.s32 @!p0 $0x5B0, s11;
	s13 =	simm.s32 @!p0 $0xB600;
	s12 =	simm.s32 @!p0 $0x68;
	[tilespmem:s10+$0xED70] =	vst v0  }
0x266: {  	[tilespmem:s13], [sflag:$0x7] =	stream.indirect.gather @!p0 [hbm4b:s3+s12], $0x40, s11, s12, $0xb8;
	[tilespmem:$0x10A00] =	vst v63  }
0x267: {  	_ =	swait.ge [sflag:s31], $0x1A00  }
0x268: {  	[sflag:s31] =	ssyncset.done $0x0  }
0x269: {  	s11 =	simm.s32 $0x0;
	[sflag:s31] =	ssyncadd.s32 $0xFFFFE600  }
0x26a: {  	v0 =	vld [tilespmem:s11+$0xD0C0]  }
0x26b: {  	v1 =	vld [tilespmem:s11+$0xD0D0]  }
0x26c: {  	v2 =	vld [tilespmem:s11+$0xD080]  }
0x26d: {  	v3 =	vld [tilespmem:s11+$0xD090]  }
0x26e: {  	v4 =	vld [tilespmem:s11+$0xD040]  }
0x26f: {  	v5 =	vld [tilespmem:s11+$0xD050]  }
0x270: {  	v10 =	vld [tilespmem:s11+$0xD000]  }
0x271: {  	v6 =	vimm.f32 $0.0e+00;
	v12 =	vld [tilespmem:s11+$0xD010]  }
0x272: {  	v8 =	vimm.f32 $0.0e+00;
	v7 =	vimm.f32 $0.0e+00;
	v9 =	vimm.f32 $0.0e+00;
	s12 =	simm.s32 $0x400;
	v11 =	vld [tilespmem:s11+$0xD020]  }
.LBB2_31:
0x273: {  	p1 =	sne.s32 s12, $0x3000;
	v13 =	vld [tilespmem:s11+$0xD030]  }
0x274: {  	v14 =	vld [tilespmem:s11+$0xD060]  }
0x275: {  	v15 =	vld [tilespmem:s11+$0xD070]  }
0x276: {  	v16 =	vld [tilespmem:s11+$0xD0A0]  }
0x277: {  	v6 =	vadd.f32 v10, v6;
	v9 =	vadd.f32 v12, v9;
	v10 =	vld [tilespmem:s11+$0xD0B0]  }
0x278: {  	v8 =	vadd.f32 v11, v8;
	v7 =	vadd.f32 v13, v7;
	v11 =	vld [tilespmem:s11+$0xD0E0]  }
0x279: {  	v4 =	vadd.f32 v4, v6;
	v5 =	vadd.f32 v5, v9;
	v12 =	vld [tilespmem:s11+$0xD0F0];
	s11 =	sshra.s32 s12, $0x2  }
0x27a: {  	v6 =	vadd.f32 v14, v8;
	v13 =	vld [tilespmem:s11+$0xD0C0];
	v7 =	vadd.f32 v15, v7  }
0x27b: {  	v4 =	vadd.f32 v2, v4;
	v5 =	vadd.f32 v3, v5;
	v14 =	vld [tilespmem:s11+$0xD0D0]  }
0x27c: {  	v8 =	vadd.f32 v16, v6;
	v2 =	vld [tilespmem:s11+$0xD080];
	v7 =	vadd.f32 v10, v7  }
0x27d: {  	v6 =	vadd.f32 v0, v4;
	v9 =	vadd.f32 v1, v5;
	v3 =	vld [tilespmem:s11+$0xD090]  }
.Ltmp16:
0x27e: {  	v8 =	vadd.f32 v11, v8;
	v4 =	vld [tilespmem:s11+$0xD040];
	v7 =	vadd.f32 v12, v7;
	(pc) =	sbr.rel @p1 .LBB2_31-.Ltmp16, $4  }
0x27f: {  	v5 =	vld [tilespmem:s11+$0xD050];
	v0 =	vmov v13  }
0x280: {  	v10 =	vld [tilespmem:s11+$0xD000];
	v1 =	vmov v14  }
0x281: {  	v12 =	vld [tilespmem:s11+$0xD010]  }
0x282: {  	s12 =	sadd.s32 $0x400, s12;
	v11 =	vld [tilespmem:s11+$0xD020]  }
0x283: {  	v13 =	vld [tilespmem:s11+$0xD030]  }
0x284: {  	v14 =	vld [tilespmem:s11+$0xD060]  }
0x285: {  	v15 =	vld [tilespmem:s11+$0xD070];
	v6 =	vadd.f32 v10, v6  }
0x286: {  	v10 =	vld [tilespmem:s11+$0xD0A0];
	v9 =	vadd.f32 v12, v9  }
0x287: {  	v12 =	vld [tilespmem:s11+$0xD0B0];
	v8 =	vadd.f32 v11, v8;
	v4 =	vadd.f32 v4, v6  }
0x288: {  	v6 =	vadd.f32 v13, v7;
	v7 =	vld [tilespmem:s11+$0xD0E0];
	v5 =	vadd.f32 v5, v9  }
0x289: {  	v9 =	vld [tilespmem:s11+$0xD0F0];
	v8 =	vadd.f32 v14, v8;
	v2 =	vadd.f32 v2, v4  }
0x28a: {  	v4 =	vadd.f32 v15, v6;
	v3 =	vadd.f32 v3, v5  }
0x28b: {  	v5 =	vadd.f32 v10, v8;
	v0 =	vadd.f32 v0, v2  }
0x28c: {  	v2 =	vadd.f32 v12, v4;
	v1 =	vadd.f32 v1, v3  }
0x28d: {  	v3 =	vadd.f32 v7, v5;
	[tilespmem:s10+$0xED80] =	vst v0  }
0x28e: {  	v0 =	vadd.f32 v9, v2;
	[tilespmem:s10+$0xED90] =	vst v1  }
0x28f: {  	[tilespmem:s10+$0xEDA0] =	vst v3  }
0x290: {  	s11 =	simm.s32 $0x0;
	[tilespmem:s10+$0xEDB0] =	vst v0  }
0x291: {  	v0 =	vld [tilespmem:s11+$0xDDC0]  }
0x292: {  	v1 =	vld [tilespmem:s11+$0xDDD0]  }
0x293: {  	v2 =	vld [tilespmem:s11+$0xDD80]  }
0x294: {  	v3 =	vld [tilespmem:s11+$0xDD90]  }
0x295: {  	v4 =	vld [tilespmem:s11+$0xDD40]  }
0x296: {  	v5 =	vld [tilespmem:s11+$0xDD50]  }
0x297: {  	v10 =	vld [tilespmem:s11+$0xDD00]  }
0x298: {  	v6 =	vimm.f32 $0.0e+00;
	v12 =	vld [tilespmem:s11+$0xDD10]  }
0x299: {  	s12 =	simm.s32 $0x400;
	v8 =	vimm.f32 $0.0e+00;
	v7 =	vimm.f32 $0.0e+00;
	v9 =	vimm.f32 $0.0e+00;
	v11 =	vld [tilespmem:s11+$0xDD20]  }
.LBB2_33:
0x29a: {  	p1 =	sne.s32 s12, $0x3000;
	v13 =	vld [tilespmem:s11+$0xDD30]  }
0x29b: {  	v14 =	vld [tilespmem:s11+$0xDD60]  }
0x29c: {  	v15 =	vld [tilespmem:s11+$0xDD70]  }
0x29d: {  	v16 =	vld [tilespmem:s11+$0xDDA0]  }
0x29e: {  	v6 =	vadd.f32 v10, v6;
	v9 =	vadd.f32 v12, v9;
	v10 =	vld [tilespmem:s11+$0xDDB0]  }
0x29f: {  	v8 =	vadd.f32 v11, v8;
	v7 =	vadd.f32 v13, v7;
	v11 =	vld [tilespmem:s11+$0xDDE0]  }
0x2a0: {  	v4 =	vadd.f32 v4, v6;
	v5 =	vadd.f32 v5, v9;
	v12 =	vld [tilespmem:s11+$0xDDF0];
	s11 =	sshra.s32 s12, $0x2  }
0x2a1: {  	v6 =	vadd.f32 v14, v8;
	v13 =	vld [tilespmem:s11+$0xDDC0];
	v7 =	vadd.f32 v15, v7  }
0x2a2: {  	v4 =	vadd.f32 v2, v4;
	v5 =	vadd.f32 v3, v5;
	v14 =	vld [tilespmem:s11+$0xDDD0]  }
0x2a3: {  	v8 =	vadd.f32 v16, v6;
	v2 =	vld [tilespmem:s11+$0xDD80];
	v7 =	vadd.f32 v10, v7  }
0x2a4: {  	v6 =	vadd.f32 v0, v4;
	v9 =	vadd.f32 v1, v5;
	v3 =	vld [tilespmem:s11+$0xDD90]  }
.Ltmp17:
0x2a5: {  	v8 =	vadd.f32 v11, v8;
	v4 =	vld [tilespmem:s11+$0xDD40];
	v7 =	vadd.f32 v12, v7;
	(pc) =	sbr.rel @p1 .LBB2_33-.Ltmp17, $4  }
0x2a6: {  	v5 =	vld [tilespmem:s11+$0xDD50];
	v0 =	vmov v13  }
0x2a7: {  	v10 =	vld [tilespmem:s11+$0xDD00];
	v1 =	vmov v14  }
0x2a8: {  	v12 =	vld [tilespmem:s11+$0xDD10]  }
0x2a9: {  	s12 =	sadd.s32 $0x400, s12;
	v11 =	vld [tilespmem:s11+$0xDD20]  }
0x2aa: {  	v13 =	vld [tilespmem:s11+$0xDD30]  }
0x2ab: {  	v14 =	vld [tilespmem:s11+$0xDD60]  }
0x2ac: {  	v15 =	vld [tilespmem:s11+$0xDD70];
	v6 =	vadd.f32 v10, v6  }
0x2ad: {  	v54 =	vld [tilespmem:s11+$0xDDA0];
	v9 =	vadd.f32 v12, v9  }
0x2ae: {  	v55 =	vld [tilespmem:s11+$0xDDB0];
	v8 =	vadd.f32 v11, v8;
	v4 =	vadd.f32 v4, v6  }
0x2af: {  	v57 =	vld [tilespmem:s11+$0xDDE0];
	v56 =	vadd.f32 v13, v7;
	v5 =	vadd.f32 v5, v9  }
0x2b0: {  	v58 =	vld [tilespmem:s11+$0xDDF0];
	v8 =	vadd.f32 v14, v8;
	v2 =	vadd.f32 v2, v4  }
0x2b1: {  	v59 =	vadd.f32 v15, v56;
	v3 =	vadd.f32 v3, v5  }
0x2b2: {  	v60 =	vadd.f32 v54, v8;
	v0 =	vadd.f32 v0, v2  }
.Ltmp18:
0x2b3: {  	v61 =	vadd.f32 v55, v59;
	v1 =	vadd.f32 v1, v3;
	(pc) =	sbr.rel @p0 .LBB2_36-.Ltmp18, $4  }
0x2b4: {  	v62 =	vadd.f32 v57, v60;
	[tilespmem:s10+$0xEDC0] =	vst v0  }
0x2b5: {  	v63 =	vadd.f32 v58, v61;
	[tilespmem:s10+$0xEDD0] =	vst v1  }
0x2b6: {  	[tilespmem:s10+$0xEDE0] =	vst v62  }
0x2b7: {  	[tilespmem:s10+$0xEDF0] =	vst v63  }
0x2b8: {  	s10 =	smul.u32 $0xD00, s9  }
.Ltmp19:
0x2b9: {  	_ = 	snop;
	(pc) =	sbr.rel .LBB2_2-.Ltmp19, $4  }
0x2ba: {  	_ = 	snop  }
0x2bb: {  	s10 =	sshra.s32 s10, $0x2  }
0x2bc: {  	s9 =	sadd.s32 $0x1, s9;
	s10 =	sadd.s32 $0x618, s10  }
0x2bd: {  	[tilespmem:s22], [sflag:$0x8] =	stream.indirect.gather [hbm4b:s3+s8], $0x40, s10, s8, $0xb8;
	[tilespmem:$0x10A00] =	vst v63  }
.LBB2_37:
0x2be: {  	_ =	sfence.sel $0x180000  }
0x2bf: {  	[bflag:$0x0] =	sbarrier.arrive $0xFFFF  }
0x2c0: {  	_ =	strace $0x90000047  }
0x2c1: {  	s0 =	stileid.u32;
	[bflag:$0x2] =	sbarrier.arrive $0xFFFF  }
0x2c2: {  	p0 =	sne.s32 s0, $0x0;
	s0 =	rddreg [dreg:$0x2]  }
0x2c3: {  	s0 =	sadd.s32 @!p0 $0x100000, s0  }
0x2c4: {  	[sflag:s0] =	ssyncadd.tile.s32 @!p0 $0x1;
	_ =	shalt  }
.Lfunc_end2:
_tile_overlayer_lowered:
.L_overlay_start_2:
0x2c5: {  	(tag) =	ssettag $0x2  }
0x2c6: {  	s0 =	rddreg [dreg:$0x0];
	s2 =	stileid.u32  }
0x2c7: {  	s1 =	rddreg [dreg:$0x1];
	p0 =	sne.s32 s2, $0x0  }
0x2c8: {  	s3 =	rddreg [dreg:$0x2];
	[bflag:$0x3] =	sbarrier.arrive $0xFFFF;
	s2 =	simm.s32 @!p0 $0x1C09  }
0x2c9: {  	[timem:s3], [sflag:s2] =	dma.local @!p0 [hbm:s0], s1  }
0x2ca: {  	s0 =	simm.s32 @!p0 $0x9  }
0x2cb: {  	_ =	swait.ge @!p0 [sflag:s0], s1  }
0x2cc: {  	s1 =	ssub.s32 @!p0 $0x0, s1;
	[sflag:s0] =	ssyncset.done @!p0 $0x0  }
0x2cd: {  	[sflag:s0] =	ssyncadd.s32 @!p0 s1  }
0x2ce: {  	[bflag:$0x3] =	sbarrier.arrive $0xFFFF  }
0x2cf: {  	_ =	shalt  }

</sc_bundles>
